<compile_context>
chip_gen: v7x
topology: tpu7x:2x2x1
jax: 0.10.2.dev20260603
libtpu: 0.0.44.dev20260713+nightly
codegen_flags: <defaults>
</compile_context>

<pallas_src>
import functools

import jax
import jax.numpy as jnp
from jax import lax
from jax.experimental import pallas as pl
from jax.experimental.pallas import tpu as pltpu
from jax.experimental.pallas import tpu_sc as plsc

VOCAB = 100000
D = 128
NLANE = 16
ND = D // NLANE
CHUNK = 128


def _ln_body(ids_hbm, tids_hbm, wemb_hbm, temb_hbm, gamma_hbm, beta_hbm,
             out_hbm, idx_v, tid_v, rows_v, temb_v, gamma_v, beta_v,
             gsems, ssem, osem, *, tokens_per_worker, num_cores):
    c = lax.axis_index("c")
    s = lax.axis_index("s")
    wid = s * num_cores + c
    base = wid * tokens_per_worker
    nchunk = tokens_per_worker // CHUNK
    seq = ids_hbm.shape[1]
    wpr = seq // tokens_per_worker
    row = wid // wpr
    col = (wid % wpr) * tokens_per_worker

    h_idx = pltpu.async_copy(ids_hbm.at[row, pl.ds(col, tokens_per_worker)],
                             idx_v, ssem)
    h_tid = pltpu.async_copy(tids_hbm.at[row, pl.ds(col, tokens_per_worker)],
                             tid_v, ssem)
    h_tab = pltpu.async_copy(temb_hbm, temb_v, ssem)
    h_g = pltpu.async_copy(gamma_hbm, gamma_v, ssem)
    h_b = pltpu.async_copy(beta_hbm, beta_v, ssem)
    h_idx.wait()

    gh = []
    for cc in range(nchunk):
        gh.append(pltpu.async_copy(
            wemb_hbm.at[idx_v.at[pl.ds(cc * CHUNK, CHUNK)]],
            rows_v.at[pl.ds(cc * CHUNK, CHUNK)],
            gsems[cc]))
    h_tid.wait()
    h_tab.wait()
    h_g.wait()
    h_b.wait()

    iota = lax.iota(jnp.int32, NLANE)
    tcols = [iota + d * NLANE for d in range(ND)]
    g = [gamma_v[pl.ds(d * NLANE, NLANE)] for d in range(ND)]
    b = [beta_v[pl.ds(d * NLANE, NLANE)] for d in range(ND)]

    oh = []
    for cc in range(nchunk):
        gh[cc].wait()

        @plsc.parallel_loop(cc * CHUNK, (cc + 1) * CHUNK, unroll=2)
        def tok(r):
            tvec = plsc.load_gather(tid_v, [jnp.broadcast_to(r, (NLANE,))])
            x = []
            ssum = None
            psum = None
            for d in range(ND):
                w = rows_v[r, pl.ds(d * NLANE, NLANE)]
                t = plsc.load_gather(temb_v, [tvec, tcols[d]])
                xd = w + t
                x.append(xd)
                ssum = xd if ssum is None else ssum + xd
                psum = xd * xd if psum is None else psum + xd * xd
            mu = jnp.sum(ssum) * (1.0 / D)
            var = jnp.sum(psum) * (1.0 / D) - mu * mu
            muv = jnp.broadcast_to(mu, (NLANE,))
            vv = jnp.broadcast_to(var + 1e-12, (NLANE,))
            bits = plsc.bitcast(vv, jnp.int32)
            y = plsc.bitcast(jnp.int32(0x5F3759DF) - (bits >> 1), jnp.float32)
            for _ in range(2):
                y = y * (1.5 - 0.5 * vv * y * y)
            for d in range(ND):
                rows_v[r, pl.ds(d * NLANE, NLANE)] = \
                    (x[d] - muv) * (y * g[d]) + b[d]

        oh.append(pltpu.async_copy(
            rows_v.at[pl.ds(cc * CHUNK, CHUNK)],
            out_hbm.at[pl.ds(base + cc * CHUNK, CHUNK)],
            osem))
    for h in oh:
        h.wait()


@jax.jit
def _emb_ln(ids, tids, word_emb, type_emb, gamma, beta):
    n_tokens = ids.shape[0] * ids.shape[1]
    info = plsc.get_sparse_core_info()
    nc, ns = info.num_cores, info.num_subcores
    tokens_per_worker = n_tokens // (nc * ns)
    mesh = plsc.VectorSubcoreMesh(core_axis_name="c", subcore_axis_name="s")
    run = functools.partial(
        pl.kernel,
        mesh=mesh,
        compiler_params=pltpu.CompilerParams(needs_layout_passes=False),
        out_type=jax.ShapeDtypeStruct((n_tokens, D), jnp.float32),
        scratch_types=[
            pltpu.VMEM((tokens_per_worker,), jnp.int32),
            pltpu.VMEM((tokens_per_worker,), jnp.int32),
            pltpu.VMEM((tokens_per_worker, D), jnp.float32),
            pltpu.VMEM((2, D), jnp.float32),
            pltpu.VMEM((D,), jnp.float32),
            pltpu.VMEM((D,), jnp.float32),
            [pltpu.SemaphoreType.DMA] * (tokens_per_worker // CHUNK),
            pltpu.SemaphoreType.DMA,
            pltpu.SemaphoreType.DMA,
        ],
    )(functools.partial(_ln_body,
                        tokens_per_worker=tokens_per_worker,
                        num_cores=nc))
    return run(ids, tids, word_emb, type_emb, gamma, beta)


def kernel(input_ids, token_type_ids, word_emb, type_emb, gamma, beta):
    bsz, seq = input_ids.shape
    out = _emb_ln(input_ids.astype(jnp.int32), token_type_ids.astype(jnp.int32),
                  word_emb, type_emb, gamma, beta)
    return out.reshape(bsz, seq, D)

# --- scband reference (transcript-rebuilt; emitter-appended) ---
"""Pipeline reference for scband-albert-embeddings-16011638079993 (READ-ONLY COPY).

The authoritative reference and input builder live on the scoring server;
editing this copy changes nothing except your own understanding.
"""

import jax, jax.numpy as jnp
import numpy as np

VOCAB = 100000
TYPES = 2
D = 128
B = 4
S = 4096
EPS = 1e-12


def setup_inputs(seed: int = 0) -> dict:
    key = jax.random.key(seed)
    k1, k2, k3, k4 = jax.random.split(key, 4)
    return {
        "input_ids": jax.random.randint(k1, (B, S), 0, VOCAB, dtype=jnp.int64) if jax.config.jax_enable_x64 else jax.random.randint(k1, (B, S), 0, VOCAB, dtype=jnp.int32),
        "token_type_ids": jax.random.randint(k2, (B, S), 0, TYPES, dtype=jnp.int32),
        "word_emb": jax.random.normal(k3, (VOCAB, D), dtype=jnp.float32) * 0.02,
        "type_emb": jax.random.normal(k4, (TYPES, D), dtype=jnp.float32) * 0.02,
        "gamma": jnp.ones((D,), dtype=jnp.float32),
        "beta": jnp.zeros((D,), dtype=jnp.float32),
    }


def reference(input_ids, token_type_ids, word_emb, type_emb, gamma, beta):
    # word + token-type embedding lookup (gather on SparseCore)
    inputs_embeds = jnp.take(word_emb, input_ids, axis=0)
    type_embeds = jnp.take(type_emb, token_type_ids, axis=0)
    embeddings = inputs_embeds + type_embeds
    # LayerNorm over last dim (eps = 1e-12 as in ALBERT)
    mu = jnp.mean(embeddings, axis=-1, keepdims=True)
    var = jnp.mean(jnp.square(embeddings - mu), axis=-1, keepdims=True)
    normed = (embeddings - mu) / jnp.sqrt(var + EPS)
    out = normed * gamma + beta
    # dropout is identity in eval mode / p=0.0
    return out

if __name__ == "__main__":
    import jax
    _d = setup_inputs()
    print(jax.jit(kernel)(*tuple(_d.values())))

</pallas_src>

<mosaic_0001>
#map = affine_map<(d0, d1) -> (0, 0)>
#map1 = affine_map<(d0, d1) -> (0)>
module attributes {stable_mosaic.version = 14 : i64} {
  func.func @_ln_body(%arg0: i32, %arg1: i32, %arg2: memref<4x4096xi32, #tpu.memory_space<hbm>>, %arg3: memref<4x4096xi32, #tpu.memory_space<hbm>>, %arg4: memref<100000x128xf32, #tpu.memory_space<hbm>>, %arg5: memref<2x128xf32, #tpu.memory_space<hbm>>, %arg6: memref<128xf32, #tpu.memory_space<hbm>>, %arg7: memref<128xf32, #tpu.memory_space<hbm>>, %arg8: memref<16384x128xf32, #tpu.memory_space<hbm>>, %arg9: memref<512xi32, #tpu.memory_space<vmem>>, %arg10: memref<512xi32, #tpu.memory_space<vmem>>, %arg11: memref<512x128xf32, #tpu.memory_space<vmem>>, %arg12: memref<2x128xf32, #tpu.memory_space<vmem>>, %arg13: memref<128xf32, #tpu.memory_space<vmem>>, %arg14: memref<128xf32, #tpu.memory_space<vmem>>, %arg15: memref<!tpu.dma_semaphore, #tpu.memory_space<semaphore_mem>>, %arg16: memref<!tpu.dma_semaphore, #tpu.memory_space<semaphore_mem>>, %arg17: memref<!tpu.dma_semaphore, #tpu.memory_space<semaphore_mem>>, %arg18: memref<!tpu.dma_semaphore, #tpu.memory_space<semaphore_mem>>, %arg19: memref<!tpu.dma_semaphore, #tpu.memory_space<semaphore_mem>>, %arg20: memref<!tpu.dma_semaphore, #tpu.memory_space<semaphore_mem>>) attributes {dimension_semantics = [#tpu.dimension_semantics<core_parallel>, #tpu.dimension_semantics<subcore_parallel>], iteration_bounds = array<i64: 2, 16>, scalar_prefetch = 0 : i64, scratch_operands = 12 : i64, tpu.core_type = #tpu.core_type<sc_vector_subcore>, window_params = [{transform_indices = #map}, {transform_indices = #map}, {transform_indices = #map}, {transform_indices = #map}, {transform_indices = #map1}, {transform_indices = #map1}, {transform_indices = #map}]} {
    %mul3A = arith.constant 2 : i32
    %mul3A_0 = arith.muli %arg1, %mul3A : i32
    %add3A = arith.addi %mul3A_0, %arg0 : i32
    %mul3A_1 = arith.constant 512 : i32
    %mul3A_2 = arith.muli %add3A, %mul3A_1 : i32
    %jit3A = arith.constant 8 : i32
    %div3A = arith.divsi %add3A, %jit3A : i32
    %sign3A = arith.constant 0 : i32
    %sign3A_3 = arith.cmpi sgt, %add3A, %sign3A : i32
    %sign3A_4 = arith.extui %sign3A_3 : i1 to i32
    %sign3A_5 = arith.constant 0 : i32
    %sign3A_6 = arith.cmpi slt, %add3A, %sign3A_5 : i32
    %sign3A_7 = arith.extui %sign3A_6 : i1 to i32
    %sign3A_8 = arith.subi %sign3A_4, %sign3A_7 : i32
    %sign3A_9 = arith.constant 0 : i32
    %sign3A_10 = arith.cmpi sgt, %jit3A, %sign3A_9 : i32
    %sign3A_11 = arith.extui %sign3A_10 : i1 to i32
    %sign3A_12 = arith.constant 0 : i32
    %sign3A_13 = arith.cmpi slt, %jit3A, %sign3A_12 : i32
    %sign3A_14 = arith.extui %sign3A_13 : i1 to i32
    %sign3A_15 = arith.subi %sign3A_11, %sign3A_14 : i32
    %ne3A = arith.cmpi ne, %sign3A_8, %sign3A_15 : i32
    %rem3A = arith.remsi %add3A, %jit3A : i32
    %ne3A_16 = arith.constant 0 : i32
    %ne3A_17 = arith.cmpi ne, %rem3A, %ne3A_16 : i32
    %and3A = arith.andi %ne3A, %ne3A_17 : i1
    %sub3A = arith.constant 1 : i32
    %sub3A_18 = arith.subi %div3A, %sub3A : i32
    %select_n3A = arith.select %and3A, %sub3A_18, %div3A : i32
    %jit3A_19 = arith.constant 8 : i32
    %eq3A = arith.constant 0 : i32
    %eq3A_20 = arith.cmpi eq, %jit3A_19, %eq3A : i32
    %jit3A_21 = arith.constant 1 : i32
    %select_n3A_22 = arith.select %eq3A_20, %jit3A_21, %jit3A_19 : i32
    %rem3A_23 = arith.remsi %add3A, %select_n3A_22 : i32
    %ne3A_24 = arith.constant 0 : i32
    %ne3A_25 = arith.cmpi ne, %rem3A_23, %ne3A_24 : i32
    %lt3A = arith.constant 0 : i32
    %lt3A_26 = arith.cmpi slt, %rem3A_23, %lt3A : i32
    %lt3A_27 = arith.constant 0 : i32
    %lt3A_28 = arith.cmpi slt, %select_n3A_22, %lt3A_27 : i32
    %ne3A_29 = arith.xori %lt3A_26, %lt3A_28 : i1
    %and3A_30 = arith.andi %ne3A_29, %ne3A_25 : i1
    %add3A_31 = arith.addi %rem3A_23, %select_n3A_22 : i32
    %select_n3A_32 = arith.select %and3A_30, %add3A_31, %rem3A_23 : i32
    %mul3A_33 = arith.constant 512 : i32
    %mul3A_34 = arith.muli %select_n3A_32, %mul3A_33 : i32
    %dma_start3A = tpu.memref_slice %arg2[%select_n3A, %mul3A_34] : memref<4x4096xi32, #tpu.memory_space<hbm>> -> memref<1x512xi32, #tpu.memory_space<hbm>>
    %dma_start3A_35 = tpu.memref_squeeze %dma_start3A : memref<1x512xi32, #tpu.memory_space<hbm>> -> memref<512xi32, #tpu.memory_space<hbm>>
    %dma_start3A_36 = tpu.memref_slice %arg2[%select_n3A, %mul3A_34] : memref<4x4096xi32, #tpu.memory_space<hbm>> -> memref<1x512xi32, #tpu.memory_space<hbm>>
    %dma_start3A_37 = tpu.memref_squeeze %dma_start3A_36 : memref<1x512xi32, #tpu.memory_space<hbm>> -> memref<512xi32, #tpu.memory_space<hbm>>
    tpu.enqueue_dma source(%dma_start3A_37 : memref<512xi32, #tpu.memory_space<hbm>>) target(%arg9 : memref<512xi32, #tpu.memory_space<vmem>>) target_semaphore(%arg19 : memref<!tpu.dma_semaphore, #tpu.memory_space<semaphore_mem>>)
    %dma_start3A_38 = tpu.memref_slice %arg3[%select_n3A, %mul3A_34] : memref<4x4096xi32, #tpu.memory_space<hbm>> -> memref<1x512xi32, #tpu.memory_space<hbm>>
    %dma_start3A_39 = tpu.memref_squeeze %dma_start3A_38 : memref<1x512xi32, #tpu.memory_space<hbm>> -> memref<512xi32, #tpu.memory_space<hbm>>
    %dma_start3A_40 = tpu.memref_slice %arg3[%select_n3A, %mul3A_34] : memref<4x4096xi32, #tpu.memory_space<hbm>> -> memref<1x512xi32, #tpu.memory_space<hbm>>
    %dma_start3A_41 = tpu.memref_squeeze %dma_start3A_40 : memref<1x512xi32, #tpu.memory_space<hbm>> -> memref<512xi32, #tpu.memory_space<hbm>>
    tpu.enqueue_dma source(%dma_start3A_41 : memref<512xi32, #tpu.memory_space<hbm>>) target(%arg10 : memref<512xi32, #tpu.memory_space<vmem>>) target_semaphore(%arg19 : memref<!tpu.dma_semaphore, #tpu.memory_space<semaphore_mem>>)
    tpu.enqueue_dma source(%arg5 : memref<2x128xf32, #tpu.memory_space<hbm>>) target(%arg12 : memref<2x128xf32, #tpu.memory_space<vmem>>) target_semaphore(%arg19 : memref<!tpu.dma_semaphore, #tpu.memory_space<semaphore_mem>>)
    tpu.enqueue_dma source(%arg6 : memref<128xf32, #tpu.memory_space<hbm>>) target(%arg13 : memref<128xf32, #tpu.memory_space<vmem>>) target_semaphore(%arg19 : memref<!tpu.dma_semaphore, #tpu.memory_space<semaphore_mem>>)
    tpu.enqueue_dma source(%arg7 : memref<128xf32, #tpu.memory_space<hbm>>) target(%arg14 : memref<128xf32, #tpu.memory_space<vmem>>) target_semaphore(%arg19 : memref<!tpu.dma_semaphore, #tpu.memory_space<semaphore_mem>>)
    %dma_wait3A = tpu.memref_slice %arg2[%select_n3A, %mul3A_34] : memref<4x4096xi32, #tpu.memory_space<hbm>> -> memref<1x512xi32, #tpu.memory_space<hbm>>
    %dma_wait3A_42 = tpu.memref_squeeze %dma_wait3A : memref<1x512xi32, #tpu.memory_space<hbm>> -> memref<512xi32, #tpu.memory_space<hbm>>
    %dma_wait3A_43 = tpu.memref_slice %arg2[%select_n3A, %mul3A_34] : memref<4x4096xi32, #tpu.memory_space<hbm>> -> memref<1x512xi32, #tpu.memory_space<hbm>>
    %dma_wait3A_44 = tpu.memref_squeeze %dma_wait3A_43 : memref<1x512xi32, #tpu.memory_space<hbm>> -> memref<512xi32, #tpu.memory_space<hbm>>
    tpu.wait_dma2 semaphore(%arg19 : memref<!tpu.dma_semaphore, #tpu.memory_space<semaphore_mem>>) src(%dma_wait3A_44 : memref<512xi32, #tpu.memory_space<hbm>>) dst(%arg9 : memref<512xi32, #tpu.memory_space<vmem>>)
    %dma_start3A_45 = arith.constant 0 : i32
    %dma_start3A_46 = arith.constant 0 : i32
    %dma_start3A_47 = tpu.memref_slice %arg11[%dma_start3A_45, %dma_start3A_46] : memref<512x128xf32, #tpu.memory_space<vmem>> -> memref<128x128xf32, #tpu.memory_space<vmem>>
    %dma_start3A_48 = arith.constant 0 : i32
    %dma_start3A_49 = tpu.memref_slice %arg9[%dma_start3A_48] : memref<512xi32, #tpu.memory_space<vmem>> -> memref<128xi32, #tpu.memory_space<vmem>>
    %dma_start3A_50 = arith.constant 0 : i32
    %dma_start3A_51 = arith.constant 0 : i32
    %dma_start3A_52 = tpu.memref_slice %arg4[%dma_start3A_50, %dma_start3A_51] : memref<100000x128xf32, #tpu.memory_space<hbm>> -> memref<100000x128xf32, #tpu.memory_space<hbm>>
    tpu.enqueue_indirect_dma source(%dma_start3A_52 : memref<100000x128xf32, #tpu.memory_space<hbm>>) target(%dma_start3A_47 : memref<128x128xf32, #tpu.memory_space<vmem>>) offsets(%dma_start3A_49 : memref<128xi32, #tpu.memory_space<vmem>>) semaphore(%arg15 : memref<!tpu.dma_semaphore, #tpu.memory_space<semaphore_mem>>)
    %dma_start3A_53 = arith.constant 128 : i32
    %dma_start3A_54 = arith.constant 0 : i32
    %dma_start3A_55 = tpu.memref_slice %arg11[%dma_start3A_53, %dma_start3A_54] : memref<512x128xf32, #tpu.memory_space<vmem>> -> memref<128x128xf32, #tpu.memory_space<vmem>>
    %dma_start3A_56 = arith.constant 128 : i32
    %dma_start3A_57 = tpu.memref_slice %arg9[%dma_start3A_56] : memref<512xi32, #tpu.memory_space<vmem>> -> memref<128xi32, #tpu.memory_space<vmem>>
    %dma_start3A_58 = arith.constant 0 : i32
    %dma_start3A_59 = arith.constant 0 : i32
    %dma_start3A_60 = tpu.memref_slice %arg4[%dma_start3A_58, %dma_start3A_59] : memref<100000x128xf32, #tpu.memory_space<hbm>> -> memref<100000x128xf32, #tpu.memory_space<hbm>>
    tpu.enqueue_indirect_dma source(%dma_start3A_60 : memref<100000x128xf32, #tpu.memory_space<hbm>>) target(%dma_start3A_55 : memref<128x128xf32, #tpu.memory_space<vmem>>) offsets(%dma_start3A_57 : memref<128xi32, #tpu.memory_space<vmem>>) semaphore(%arg16 : memref<!tpu.dma_semaphore, #tpu.memory_space<semaphore_mem>>)
    %dma_start3A_61 = arith.constant 256 : i32
    %dma_start3A_62 = arith.constant 0 : i32
    %dma_start3A_63 = tpu.memref_slice %arg11[%dma_start3A_61, %dma_start3A_62] : memref<512x128xf32, #tpu.memory_space<vmem>> -> memref<128x128xf32, #tpu.memory_space<vmem>>
    %dma_start3A_64 = arith.constant 256 : i32
    %dma_start3A_65 = tpu.memref_slice %arg9[%dma_start3A_64] : memref<512xi32, #tpu.memory_space<vmem>> -> memref<128xi32, #tpu.memory_space<vmem>>
    %dma_start3A_66 = arith.constant 0 : i32
    %dma_start3A_67 = arith.constant 0 : i32
    %dma_start3A_68 = tpu.memref_slice %arg4[%dma_start3A_66, %dma_start3A_67] : memref<100000x128xf32, #tpu.memory_space<hbm>> -> memref<100000x128xf32, #tpu.memory_space<hbm>>
    tpu.enqueue_indirect_dma source(%dma_start3A_68 : memref<100000x128xf32, #tpu.memory_space<hbm>>) target(%dma_start3A_63 : memref<128x128xf32, #tpu.memory_space<vmem>>) offsets(%dma_start3A_65 : memref<128xi32, #tpu.memory_space<vmem>>) semaphore(%arg17 : memref<!tpu.dma_semaphore, #tpu.memory_space<semaphore_mem>>)
    %dma_start3A_69 = arith.constant 384 : i32
    %dma_start3A_70 = arith.constant 0 : i32
    %dma_start3A_71 = tpu.memref_slice %arg11[%dma_start3A_69, %dma_start3A_70] : memref<512x128xf32, #tpu.memory_space<vmem>> -> memref<128x128xf32, #tpu.memory_space<vmem>>
    %dma_start3A_72 = arith.constant 384 : i32
    %dma_start3A_73 = tpu.memref_slice %arg9[%dma_start3A_72] : memref<512xi32, #tpu.memory_space<vmem>> -> memref<128xi32, #tpu.memory_space<vmem>>
    %dma_start3A_74 = arith.constant 0 : i32
    %dma_start3A_75 = arith.constant 0 : i32
    %dma_start3A_76 = tpu.memref_slice %arg4[%dma_start3A_74, %dma_start3A_75] : memref<100000x128xf32, #tpu.memory_space<hbm>> -> memref<100000x128xf32, #tpu.memory_space<hbm>>
    tpu.enqueue_indirect_dma source(%dma_start3A_76 : memref<100000x128xf32, #tpu.memory_space<hbm>>) target(%dma_start3A_71 : memref<128x128xf32, #tpu.memory_space<vmem>>) offsets(%dma_start3A_73 : memref<128xi32, #tpu.memory_space<vmem>>) semaphore(%arg18 : memref<!tpu.dma_semaphore, #tpu.memory_space<semaphore_mem>>)
    %dma_wait3A_77 = tpu.memref_slice %arg3[%select_n3A, %mul3A_34] : memref<4x4096xi32, #tpu.memory_space<hbm>> -> memref<1x512xi32, #tpu.memory_space<hbm>>
    %dma_wait3A_78 = tpu.memref_squeeze %dma_wait3A_77 : memref<1x512xi32, #tpu.memory_space<hbm>> -> memref<512xi32, #tpu.memory_space<hbm>>
    %dma_wait3A_79 = tpu.memref_slice %arg3[%select_n3A, %mul3A_34] : memref<4x4096xi32, #tpu.memory_space<hbm>> -> memref<1x512xi32, #tpu.memory_space<hbm>>
    %dma_wait3A_80 = tpu.memref_squeeze %dma_wait3A_79 : memref<1x512xi32, #tpu.memory_space<hbm>> -> memref<512xi32, #tpu.memory_space<hbm>>
    tpu.wait_dma2 semaphore(%arg19 : memref<!tpu.dma_semaphore, #tpu.memory_space<semaphore_mem>>) src(%dma_wait3A_80 : memref<512xi32, #tpu.memory_space<hbm>>) dst(%arg10 : memref<512xi32, #tpu.memory_space<vmem>>)
    tpu.wait_dma2 semaphore(%arg19 : memref<!tpu.dma_semaphore, #tpu.memory_space<semaphore_mem>>) src(%arg5 : memref<2x128xf32, #tpu.memory_space<hbm>>) dst(%arg12 : memref<2x128xf32, #tpu.memory_space<vmem>>)
    tpu.wait_dma2 semaphore(%arg19 : memref<!tpu.dma_semaphore, #tpu.memory_space<semaphore_mem>>) src(%arg6 : memref<128xf32, #tpu.memory_space<hbm>>) dst(%arg13 : memref<128xf32, #tpu.memory_space<vmem>>)
    tpu.wait_dma2 semaphore(%arg19 : memref<!tpu.dma_semaphore, #tpu.memory_space<semaphore_mem>>) src(%arg7 : memref<128xf32, #tpu.memory_space<hbm>>) dst(%arg14 : memref<128xf32, #tpu.memory_space<vmem>>)
    %iota3A = tpu.iota {dimensions = array<i32: 0>} : vector<16xi32>
    %add3A_81 = arith.constant 0 : i32
    %add3A_82 = vector.broadcast %add3A_81 : i32 to vector<16xi32>
    %add3A_83 = arith.addi %iota3A, %add3A_82 : vector<16xi32>
    %add3A_84 = arith.constant 16 : i32
    %add3A_85 = vector.broadcast %add3A_84 : i32 to vector<16xi32>
    %add3A_86 = arith.addi %iota3A, %add3A_85 : vector<16xi32>
    %add3A_87 = arith.constant 32 : i32
    %add3A_88 = vector.broadcast %add3A_87 : i32 to vector<16xi32>
    %add3A_89 = arith.addi %iota3A, %add3A_88 : vector<16xi32>
    %add3A_90 = arith.constant 48 : i32
    %add3A_91 = vector.broadcast %add3A_90 : i32 to vector<16xi32>
    %add3A_92 = arith.addi %iota3A, %add3A_91 : vector<16xi32>
    %add3A_93 = arith.constant 64 : i32
    %add3A_94 = vector.broadcast %add3A_93 : i32 to vector<16xi32>
    %add3A_95 = arith.addi %iota3A, %add3A_94 : vector<16xi32>
    %add3A_96 = arith.constant 80 : i32
    %add3A_97 = vector.broadcast %add3A_96 : i32 to vector<16xi32>
    %add3A_98 = arith.addi %iota3A, %add3A_97 : vector<16xi32>
    %add3A_99 = arith.constant 96 : i32
    %add3A_100 = vector.broadcast %add3A_99 : i32 to vector<16xi32>
    %add3A_101 = arith.addi %iota3A, %add3A_100 : vector<16xi32>
    %add3A_102 = arith.constant 112 : i32
    %add3A_103 = vector.broadcast %add3A_102 : i32 to vector<16xi32>
    %add3A_104 = arith.addi %iota3A, %add3A_103 : vector<16xi32>
    %get3A = arith.constant 0 : index
    %get3A_105 = tpu.vector_load %arg13[%get3A] {strides = array<i32>} : memref<128xf32, #tpu.memory_space<vmem>>, vector<16xf32>,
    %get3A_106 = arith.constant 16 : index
    %get3A_107 = tpu.vector_load %arg13[%get3A_106] {strides = array<i32>} : memref<128xf32, #tpu.memory_space<vmem>>, vector<16xf32>,
    %get3A_108 = arith.constant 32 : index
    %get3A_109 = tpu.vector_load %arg13[%get3A_108] {strides = array<i32>} : memref<128xf32, #tpu.memory_space<vmem>>, vector<16xf32>,
    %get3A_110 = arith.constant 48 : index
    %get3A_111 = tpu.vector_load %arg13[%get3A_110] {strides = array<i32>} : memref<128xf32, #tpu.memory_space<vmem>>, vector<16xf32>,
    %get3A_112 = arith.constant 64 : index
    %get3A_113 = tpu.vector_load %arg13[%get3A_112] {strides = array<i32>} : memref<128xf32, #tpu.memory_space<vmem>>, vector<16xf32>,
    %get3A_114 = arith.constant 80 : index
    %get3A_115 = tpu.vector_load %arg13[%get3A_114] {strides = array<i32>} : memref<128xf32, #tpu.memory_space<vmem>>, vector<16xf32>,
    %get3A_116 = arith.constant 96 : index
    %get3A_117 = tpu.vector_load %arg13[%get3A_116] {strides = array<i32>} : memref<128xf32, #tpu.memory_space<vmem>>, vector<16xf32>,
    %get3A_118 = arith.constant 112 : index
    %get3A_119 = tpu.vector_load %arg13[%get3A_118] {strides = array<i32>} : memref<128xf32, #tpu.memory_space<vmem>>, vector<16xf32>,
    %get3A_120 = arith.constant 0 : index
    %get3A_121 = tpu.vector_load %arg14[%get3A_120] {strides = array<i32>} : memref<128xf32, #tpu.memory_space<vmem>>, vector<16xf32>,
    %get3A_122 = arith.constant 16 : index
    %get3A_123 = tpu.vector_load %arg14[%get3A_122] {strides = array<i32>} : memref<128xf32, #tpu.memory_space<vmem>>, vector<16xf32>,
    %get3A_124 = arith.constant 32 : index
    %get3A_125 = tpu.vector_load %arg14[%get3A_124] {strides = array<i32>} : memref<128xf32, #tpu.memory_space<vmem>>, vector<16xf32>,
    %get3A_126 = arith.constant 48 : index
    %get3A_127 = tpu.vector_load %arg14[%get3A_126] {strides = array<i32>} : memref<128xf32, #tpu.memory_space<vmem>>, vector<16xf32>,
    %get3A_128 = arith.constant 64 : index
    %get3A_129 = tpu.vector_load %arg14[%get3A_128] {strides = array<i32>} : memref<128xf32, #tpu.memory_space<vmem>>, vector<16xf32>,
    %get3A_130 = arith.constant 80 : index
    %get3A_131 = tpu.vector_load %arg14[%get3A_130] {strides = array<i32>} : memref<128xf32, #tpu.memory_space<vmem>>, vector<16xf32>,
    %get3A_132 = arith.constant 96 : index
    %get3A_133 = tpu.vector_load %arg14[%get3A_132] {strides = array<i32>} : memref<128xf32, #tpu.memory_space<vmem>>, vector<16xf32>,
    %get3A_134 = arith.constant 112 : index
    %get3A_135 = tpu.vector_load %arg14[%get3A_134] {strides = array<i32>} : memref<128xf32, #tpu.memory_space<vmem>>, vector<16xf32>,
    %dma_wait3A_136 = arith.constant 0 : i32
    %dma_wait3A_137 = arith.constant 0 : i32
    %dma_wait3A_138 = tpu.memref_slice %arg11[%dma_wait3A_136, %dma_wait3A_137] : memref<512x128xf32, #tpu.memory_space<vmem>> -> memref<128x128xf32, #tpu.memory_space<vmem>>
    %dma_wait3A_139 = arith.constant 0 : i32
    %dma_wait3A_140 = tpu.memref_slice %arg9[%dma_wait3A_139] : memref<512xi32, #tpu.memory_space<vmem>> -> memref<128xi32, #tpu.memory_space<vmem>>
    %dma_wait3A_141 = arith.constant 0 : i32
    %dma_wait3A_142 = arith.constant 0 : i32
    %dma_wait3A_143 = tpu.memref_slice %arg4[%dma_wait3A_141, %dma_wait3A_142] : memref<100000x128xf32, #tpu.memory_space<hbm>> -> memref<100000x128xf32, #tpu.memory_space<hbm>>
    tpu.wait_indirect_dma semaphore(%arg15 : memref<!tpu.dma_semaphore, #tpu.memory_space<semaphore_mem>>) src(%dma_wait3A_143 : memref<100000x128xf32, #tpu.memory_space<hbm>>) dst(%dma_wait3A_138 : memref<128x128xf32, #tpu.memory_space<vmem>>)
    %parallel_loop3A = arith.constant 0 : i32
    %parallel_loop3A_144 = arith.constant 128 : i32
    %parallel_loop3A_145 = arith.constant 1 : i32
    scf.for %parallel_loop3A_267 = %parallel_loop3A to %parallel_loop3A_144 step %parallel_loop3A_145  : i32 {
      %parallel_loop3A_268 = vector.broadcast %parallel_loop3A_267 : i32 to vector<16xi32>
      %parallel_loop3A_269 = tpu.vector_load_idx %arg10[%parallel_loop3A_268] : memref<512xi32, #tpu.memory_space<vmem>>[vector<16xi32>], vector<16xi32>,
      %parallel_loop3A_270 = arith.index_cast %parallel_loop3A_267 : i32 to index
      %parallel_loop3A_271 = arith.constant 0 : index
      %parallel_loop3A_272 = tpu.vector_load %arg11[%parallel_loop3A_270, %parallel_loop3A_271] {strides = array<i32>} : memref<512x128xf32, #tpu.memory_space<vmem>>, vector<16xf32>,
      %parallel_loop3A_273 = tpu.vector_load_idx %arg12[%parallel_loop3A_269, %add3A_83] : memref<2x128xf32, #tpu.memory_space<vmem>>[vector<16xi32>, vector<16xi32>], vector<16xf32>,
      %parallel_loop3A_274 = arith.addf %parallel_loop3A_272, %parallel_loop3A_273 : vector<16xf32>
      %parallel_loop3A_275 = arith.mulf %parallel_loop3A_274, %parallel_loop3A_274 : vector<16xf32>
      %parallel_loop3A_276 = arith.index_cast %parallel_loop3A_267 : i32 to index
      %parallel_loop3A_277 = arith.constant 16 : index
      %parallel_loop3A_278 = tpu.vector_load %arg11[%parallel_loop3A_276, %parallel_loop3A_277] {strides = array<i32>} : memref<512x128xf32, #tpu.memory_space<vmem>>, vector<16xf32>,
      %parallel_loop3A_279 = tpu.vector_load_idx %arg12[%parallel_loop3A_269, %add3A_86] : memref<2x128xf32, #tpu.memory_space<vmem>>[vector<16xi32>, vector<16xi32>], vector<16xf32>,
      %parallel_loop3A_280 = arith.addf %parallel_loop3A_278, %parallel_loop3A_279 : vector<16xf32>
      %parallel_loop3A_281 = arith.addf %parallel_loop3A_274, %parallel_loop3A_280 : vector<16xf32>
      %parallel_loop3A_282 = arith.mulf %parallel_loop3A_280, %parallel_loop3A_280 : vector<16xf32>
      %parallel_loop3A_283 = arith.addf %parallel_loop3A_275, %parallel_loop3A_282 : vector<16xf32>
      %parallel_loop3A_284 = arith.index_cast %parallel_loop3A_267 : i32 to index
      %parallel_loop3A_285 = arith.constant 32 : index
      %parallel_loop3A_286 = tpu.vector_load %arg11[%parallel_loop3A_284, %parallel_loop3A_285] {strides = array<i32>} : memref<512x128xf32, #tpu.memory_space<vmem>>, vector<16xf32>,
      %parallel_loop3A_287 = tpu.vector_load_idx %arg12[%parallel_loop3A_269, %add3A_89] : memref<2x128xf32, #tpu.memory_space<vmem>>[vector<16xi32>, vector<16xi32>], vector<16xf32>,
      %parallel_loop3A_288 = arith.addf %parallel_loop3A_286, %parallel_loop3A_287 : vector<16xf32>
      %parallel_loop3A_289 = arith.addf %parallel_loop3A_281, %parallel_loop3A_288 : vector<16xf32>
      %parallel_loop3A_290 = arith.mulf %parallel_loop3A_288, %parallel_loop3A_288 : vector<16xf32>
      %parallel_loop3A_291 = arith.addf %parallel_loop3A_283, %parallel_loop3A_290 : vector<16xf32>
      %parallel_loop3A_292 = arith.index_cast %parallel_loop3A_267 : i32 to index
      %parallel_loop3A_293 = arith.constant 48 : index
      %parallel_loop3A_294 = tpu.vector_load %arg11[%parallel_loop3A_292, %parallel_loop3A_293] {strides = array<i32>} : memref<512x128xf32, #tpu.memory_space<vmem>>, vector<16xf32>,
      %parallel_loop3A_295 = tpu.vector_load_idx %arg12[%parallel_loop3A_269, %add3A_92] : memref<2x128xf32, #tpu.memory_space<vmem>>[vector<16xi32>, vector<16xi32>], vector<16xf32>,
      %parallel_loop3A_296 = arith.addf %parallel_loop3A_294, %parallel_loop3A_295 : vector<16xf32>
      %parallel_loop3A_297 = arith.addf %parallel_loop3A_289, %parallel_loop3A_296 : vector<16xf32>
      %parallel_loop3A_298 = arith.mulf %parallel_loop3A_296, %parallel_loop3A_296 : vector<16xf32>
      %parallel_loop3A_299 = arith.addf %parallel_loop3A_291, %parallel_loop3A_298 : vector<16xf32>
      %parallel_loop3A_300 = arith.index_cast %parallel_loop3A_267 : i32 to index
      %parallel_loop3A_301 = arith.constant 64 : index
      %parallel_loop3A_302 = tpu.vector_load %arg11[%parallel_loop3A_300, %parallel_loop3A_301] {strides = array<i32>} : memref<512x128xf32, #tpu.memory_space<vmem>>, vector<16xf32>,
      %parallel_loop3A_303 = tpu.vector_load_idx %arg12[%parallel_loop3A_269, %add3A_95] : memref<2x128xf32, #tpu.memory_space<vmem>>[vector<16xi32>, vector<16xi32>], vector<16xf32>,
      %parallel_loop3A_304 = arith.addf %parallel_loop3A_302, %parallel_loop3A_303 : vector<16xf32>
      %parallel_loop3A_305 = arith.addf %parallel_loop3A_297, %parallel_loop3A_304 : vector<16xf32>
      %parallel_loop3A_306 = arith.mulf %parallel_loop3A_304, %parallel_loop3A_304 : vector<16xf32>
      %parallel_loop3A_307 = arith.addf %parallel_loop3A_299, %parallel_loop3A_306 : vector<16xf32>
      %parallel_loop3A_308 = arith.index_cast %parallel_loop3A_267 : i32 to index
      %parallel_loop3A_309 = arith.constant 80 : index
      %parallel_loop3A_310 = tpu.vector_load %arg11[%parallel_loop3A_308, %parallel_loop3A_309] {strides = array<i32>} : memref<512x128xf32, #tpu.memory_space<vmem>>, vector<16xf32>,
      %parallel_loop3A_311 = tpu.vector_load_idx %arg12[%parallel_loop3A_269, %add3A_98] : memref<2x128xf32, #tpu.memory_space<vmem>>[vector<16xi32>, vector<16xi32>], vector<16xf32>,
      %parallel_loop3A_312 = arith.addf %parallel_loop3A_310, %parallel_loop3A_311 : vector<16xf32>
      %parallel_loop3A_313 = arith.addf %parallel_loop3A_305, %parallel_loop3A_312 : vector<16xf32>
      %parallel_loop3A_314 = arith.mulf %parallel_loop3A_312, %parallel_loop3A_312 : vector<16xf32>
      %parallel_loop3A_315 = arith.addf %parallel_loop3A_307, %parallel_loop3A_314 : vector<16xf32>
      %parallel_loop3A_316 = arith.index_cast %parallel_loop3A_267 : i32 to index
      %parallel_loop3A_317 = arith.constant 96 : index
      %parallel_loop3A_318 = tpu.vector_load %arg11[%parallel_loop3A_316, %parallel_loop3A_317] {strides = array<i32>} : memref<512x128xf32, #tpu.memory_space<vmem>>, vector<16xf32>,
      %parallel_loop3A_319 = tpu.vector_load_idx %arg12[%parallel_loop3A_269, %add3A_101] : memref<2x128xf32, #tpu.memory_space<vmem>>[vector<16xi32>, vector<16xi32>], vector<16xf32>,
      %parallel_loop3A_320 = arith.addf %parallel_loop3A_318, %parallel_loop3A_319 : vector<16xf32>
      %parallel_loop3A_321 = arith.addf %parallel_loop3A_313, %parallel_loop3A_320 : vector<16xf32>
      %parallel_loop3A_322 = arith.mulf %parallel_loop3A_320, %parallel_loop3A_320 : vector<16xf32>
      %parallel_loop3A_323 = arith.addf %parallel_loop3A_315, %parallel_loop3A_322 : vector<16xf32>
      %parallel_loop3A_324 = arith.index_cast %parallel_loop3A_267 : i32 to index
      %parallel_loop3A_325 = arith.constant 112 : index
      %parallel_loop3A_326 = tpu.vector_load %arg11[%parallel_loop3A_324, %parallel_loop3A_325] {strides = array<i32>} : memref<512x128xf32, #tpu.memory_space<vmem>>, vector<16xf32>,
      %parallel_loop3A_327 = tpu.vector_load_idx %arg12[%parallel_loop3A_269, %add3A_104] : memref<2x128xf32, #tpu.memory_space<vmem>>[vector<16xi32>, vector<16xi32>], vector<16xf32>,
      %parallel_loop3A_328 = arith.addf %parallel_loop3A_326, %parallel_loop3A_327 : vector<16xf32>
      %parallel_loop3A_329 = arith.addf %parallel_loop3A_321, %parallel_loop3A_328 : vector<16xf32>
      %parallel_loop3A_330 = arith.mulf %parallel_loop3A_328, %parallel_loop3A_328 : vector<16xf32>
      %parallel_loop3A_331 = arith.addf %parallel_loop3A_323, %parallel_loop3A_330 : vector<16xf32>
      %parallel_loop3A_332 = arith.constant true
      %parallel_loop3A_333 = vector.broadcast %parallel_loop3A_332 : i1 to vector<16xi1>
      %parallel_loop3A_334 = tpu.scan <sum>, %parallel_loop3A_329 masked %parallel_loop3A_333 : vector<16xf32>, vector<16xi1> -> vector<16xf32>
      %parallel_loop3A_335 = vector.extract %parallel_loop3A_334[15] : f32 from vector<16xf32>
      %parallel_loop3A_336 = arith.constant 7.812500e-03 : f32
      %parallel_loop3A_337 = arith.mulf %parallel_loop3A_335, %parallel_loop3A_336 : f32
      %parallel_loop3A_338 = arith.constant true
      %parallel_loop3A_339 = vector.broadcast %parallel_loop3A_338 : i1 to vector<16xi1>
      %parallel_loop3A_340 = tpu.scan <sum>, %parallel_loop3A_331 masked %parallel_loop3A_339 : vector<16xf32>, vector<16xi1> -> vector<16xf32>
      %parallel_loop3A_341 = vector.extract %parallel_loop3A_340[15] : f32 from vector<16xf32>
      %parallel_loop3A_342 = arith.constant 7.812500e-03 : f32
      %parallel_loop3A_343 = arith.mulf %parallel_loop3A_341, %parallel_loop3A_342 : f32
      %parallel_loop3A_344 = arith.mulf %parallel_loop3A_337, %parallel_loop3A_337 : f32
      %parallel_loop3A_345 = arith.subf %parallel_loop3A_343, %parallel_loop3A_344 : f32
      %parallel_loop3A_346 = vector.broadcast %parallel_loop3A_337 : f32 to vector<16xf32>
      %parallel_loop3A_347 = arith.constant 9.99999996E-13 : f32
      %parallel_loop3A_348 = arith.addf %parallel_loop3A_345, %parallel_loop3A_347 : f32
      %parallel_loop3A_349 = vector.broadcast %parallel_loop3A_348 : f32 to vector<16xf32>
      %parallel_loop3A_350 = vector.bitcast %parallel_loop3A_349 : vector<16xf32> to vector<16xi32>
      %parallel_loop3A_351 = arith.constant 1 : i32
      %parallel_loop3A_352 = vector.broadcast %parallel_loop3A_351 : i32 to vector<16xi32>
      %parallel_loop3A_353 = arith.shrsi %parallel_loop3A_350, %parallel_loop3A_352 : vector<16xi32>
      %parallel_loop3A_354 = arith.constant 1597463007 : i32
      %parallel_loop3A_355 = vector.broadcast %parallel_loop3A_354 : i32 to vector<16xi32>
      %parallel_loop3A_356 = arith.subi %parallel_loop3A_355, %parallel_loop3A_353 : vector<16xi32>
      %parallel_loop3A_357 = vector.bitcast %parallel_loop3A_356 : vector<16xi32> to vector<16xf32>
      %parallel_loop3A_358 = arith.constant 5.000000e-01 : f32
      %parallel_loop3A_359 = vector.broadcast %parallel_loop3A_358 : f32 to vector<16xf32>
      %parallel_loop3A_360 = arith.mulf %parallel_loop3A_359, %parallel_loop3A_349 : vector<16xf32>
      %parallel_loop3A_361 = arith.mulf %parallel_loop3A_360, %parallel_loop3A_357 : vector<16xf32>
      %parallel_loop3A_362 = arith.mulf %parallel_loop3A_361, %parallel_loop3A_357 : vector<16xf32>
      %parallel_loop3A_363 = arith.constant 1.500000e+00 : f32
      %parallel_loop3A_364 = vector.broadcast %parallel_loop3A_363 : f32 to vector<16xf32>
      %parallel_loop3A_365 = arith.subf %parallel_loop3A_364, %parallel_loop3A_362 : vector<16xf32>
      %parallel_loop3A_366 = arith.mulf %parallel_loop3A_357, %parallel_loop3A_365 : vector<16xf32>
      %parallel_loop3A_367 = arith.constant 5.000000e-01 : f32
      %parallel_loop3A_368 = vector.broadcast %parallel_loop3A_367 : f32 to vector<16xf32>
      %parallel_loop3A_369 = arith.mulf %parallel_loop3A_368, %parallel_loop3A_349 : vector<16xf32>
      %parallel_loop3A_370 = arith.mulf %parallel_loop3A_369, %parallel_loop3A_366 : vector<16xf32>
      %parallel_loop3A_371 = arith.mulf %parallel_loop3A_370, %parallel_loop3A_366 : vector<16xf32>
      %parallel_loop3A_372 = arith.constant 1.500000e+00 : f32
      %parallel_loop3A_373 = vector.broadcast %parallel_loop3A_372 : f32 to vector<16xf32>
      %parallel_loop3A_374 = arith.subf %parallel_loop3A_373, %parallel_loop3A_371 : vector<16xf32>
      %parallel_loop3A_375 = arith.mulf %parallel_loop3A_366, %parallel_loop3A_374 : vector<16xf32>
      %parallel_loop3A_376 = arith.subf %parallel_loop3A_274, %parallel_loop3A_346 : vector<16xf32>
      %parallel_loop3A_377 = arith.mulf %parallel_loop3A_375, %get3A_105 : vector<16xf32>
      %parallel_loop3A_378 = arith.mulf %parallel_loop3A_376, %parallel_loop3A_377 : vector<16xf32>
      %parallel_loop3A_379 = arith.addf %parallel_loop3A_378, %get3A_121 : vector<16xf32>
      %parallel_loop3A_380 = arith.index_cast %parallel_loop3A_267 : i32 to index
      %parallel_loop3A_381 = arith.constant 0 : index
      %parallel_loop3A_382 = tpu.vector_load %arg11[%parallel_loop3A_380, %parallel_loop3A_381] {strides = array<i32>} : memref<512x128xf32, #tpu.memory_space<vmem>>, vector<16xf32>,
      tpu.vector_store %arg11[%parallel_loop3A_380, %parallel_loop3A_381], %parallel_loop3A_379 {strides = array<i32>} : memref<512x128xf32, #tpu.memory_space<vmem>>, vector<16xf32>,
      %parallel_loop3A_383 = arith.subf %parallel_loop3A_280, %parallel_loop3A_346 : vector<16xf32>
      %parallel_loop3A_384 = arith.mulf %parallel_loop3A_375, %get3A_107 : vector<16xf32>
      %parallel_loop3A_385 = arith.mulf %parallel_loop3A_383, %parallel_loop3A_384 : vector<16xf32>
      %parallel_loop3A_386 = arith.addf %parallel_loop3A_385, %get3A_123 : vector<16xf32>
      %parallel_loop3A_387 = arith.index_cast %parallel_loop3A_267 : i32 to index
      %parallel_loop3A_388 = arith.constant 16 : index
      %parallel_loop3A_389 = tpu.vector_load %arg11[%parallel_loop3A_387, %parallel_loop3A_388] {strides = array<i32>} : memref<512x128xf32, #tpu.memory_space<vmem>>, vector<16xf32>,
      tpu.vector_store %arg11[%parallel_loop3A_387, %parallel_loop3A_388], %parallel_loop3A_386 {strides = array<i32>} : memref<512x128xf32, #tpu.memory_space<vmem>>, vector<16xf32>,
      %parallel_loop3A_390 = arith.subf %parallel_loop3A_288, %parallel_loop3A_346 : vector<16xf32>
      %parallel_loop3A_391 = arith.mulf %parallel_loop3A_375, %get3A_109 : vector<16xf32>
      %parallel_loop3A_392 = arith.mulf %parallel_loop3A_390, %parallel_loop3A_391 : vector<16xf32>
      %parallel_loop3A_393 = arith.addf %parallel_loop3A_392, %get3A_125 : vector<16xf32>
      %parallel_loop3A_394 = arith.index_cast %parallel_loop3A_267 : i32 to index
      %parallel_loop3A_395 = arith.constant 32 : index
      %parallel_loop3A_396 = tpu.vector_load %arg11[%parallel_loop3A_394, %parallel_loop3A_395] {strides = array<i32>} : memref<512x128xf32, #tpu.memory_space<vmem>>, vector<16xf32>,
      tpu.vector_store %arg11[%parallel_loop3A_394, %parallel_loop3A_395], %parallel_loop3A_393 {strides = array<i32>} : memref<512x128xf32, #tpu.memory_space<vmem>>, vector<16xf32>,
      %parallel_loop3A_397 = arith.subf %parallel_loop3A_296, %parallel_loop3A_346 : vector<16xf32>
      %parallel_loop3A_398 = arith.mulf %parallel_loop3A_375, %get3A_111 : vector<16xf32>
      %parallel_loop3A_399 = arith.mulf %parallel_loop3A_397, %parallel_loop3A_398 : vector<16xf32>
      %parallel_loop3A_400 = arith.addf %parallel_loop3A_399, %get3A_127 : vector<16xf32>
      %parallel_loop3A_401 = arith.index_cast %parallel_loop3A_267 : i32 to index
      %parallel_loop3A_402 = arith.constant 48 : index
      %parallel_loop3A_403 = tpu.vector_load %arg11[%parallel_loop3A_401, %parallel_loop3A_402] {strides = array<i32>} : memref<512x128xf32, #tpu.memory_space<vmem>>, vector<16xf32>,
      tpu.vector_store %arg11[%parallel_loop3A_401, %parallel_loop3A_402], %parallel_loop3A_400 {strides = array<i32>} : memref<512x128xf32, #tpu.memory_space<vmem>>, vector<16xf32>,
      %parallel_loop3A_404 = arith.subf %parallel_loop3A_304, %parallel_loop3A_346 : vector<16xf32>
      %parallel_loop3A_405 = arith.mulf %parallel_loop3A_375, %get3A_113 : vector<16xf32>
      %parallel_loop3A_406 = arith.mulf %parallel_loop3A_404, %parallel_loop3A_405 : vector<16xf32>
      %parallel_loop3A_407 = arith.addf %parallel_loop3A_406, %get3A_129 : vector<16xf32>
      %parallel_loop3A_408 = arith.index_cast %parallel_loop3A_267 : i32 to index
      %parallel_loop3A_409 = arith.constant 64 : index
      %parallel_loop3A_410 = tpu.vector_load %arg11[%parallel_loop3A_408, %parallel_loop3A_409] {strides = array<i32>} : memref<512x128xf32, #tpu.memory_space<vmem>>, vector<16xf32>,
      tpu.vector_store %arg11[%parallel_loop3A_408, %parallel_loop3A_409], %parallel_loop3A_407 {strides = array<i32>} : memref<512x128xf32, #tpu.memory_space<vmem>>, vector<16xf32>,
      %parallel_loop3A_411 = arith.subf %parallel_loop3A_312, %parallel_loop3A_346 : vector<16xf32>
      %parallel_loop3A_412 = arith.mulf %parallel_loop3A_375, %get3A_115 : vector<16xf32>
      %parallel_loop3A_413 = arith.mulf %parallel_loop3A_411, %parallel_loop3A_412 : vector<16xf32>
      %parallel_loop3A_414 = arith.addf %parallel_loop3A_413, %get3A_131 : vector<16xf32>
      %parallel_loop3A_415 = arith.index_cast %parallel_loop3A_267 : i32 to index
      %parallel_loop3A_416 = arith.constant 80 : index
      %parallel_loop3A_417 = tpu.vector_load %arg11[%parallel_loop3A_415, %parallel_loop3A_416] {strides = array<i32>} : memref<512x128xf32, #tpu.memory_space<vmem>>, vector<16xf32>,
      tpu.vector_store %arg11[%parallel_loop3A_415, %parallel_loop3A_416], %parallel_loop3A_414 {strides = array<i32>} : memref<512x128xf32, #tpu.memory_space<vmem>>, vector<16xf32>,
      %parallel_loop3A_418 = arith.subf %parallel_loop3A_320, %parallel_loop3A_346 : vector<16xf32>
      %parallel_loop3A_419 = arith.mulf %parallel_loop3A_375, %get3A_117 : vector<16xf32>
      %parallel_loop3A_420 = arith.mulf %parallel_loop3A_418, %parallel_loop3A_419 : vector<16xf32>
      %parallel_loop3A_421 = arith.addf %parallel_loop3A_420, %get3A_133 : vector<16xf32>
      %parallel_loop3A_422 = arith.index_cast %parallel_loop3A_267 : i32 to index
      %parallel_loop3A_423 = arith.constant 96 : index
      %parallel_loop3A_424 = tpu.vector_load %arg11[%parallel_loop3A_422, %parallel_loop3A_423] {strides = array<i32>} : memref<512x128xf32, #tpu.memory_space<vmem>>, vector<16xf32>,
      tpu.vector_store %arg11[%parallel_loop3A_422, %parallel_loop3A_423], %parallel_loop3A_421 {strides = array<i32>} : memref<512x128xf32, #tpu.memory_space<vmem>>, vector<16xf32>,
      %parallel_loop3A_425 = arith.subf %parallel_loop3A_328, %parallel_loop3A_346 : vector<16xf32>
      %parallel_loop3A_426 = arith.mulf %parallel_loop3A_375, %get3A_119 : vector<16xf32>
      %parallel_loop3A_427 = arith.mulf %parallel_loop3A_425, %parallel_loop3A_426 : vector<16xf32>
      %parallel_loop3A_428 = arith.addf %parallel_loop3A_427, %get3A_135 : vector<16xf32>
      %parallel_loop3A_429 = arith.index_cast %parallel_loop3A_267 : i32 to index
      %parallel_loop3A_430 = arith.constant 112 : index
      %parallel_loop3A_431 = tpu.vector_load %arg11[%parallel_loop3A_429, %parallel_loop3A_430] {strides = array<i32>} : memref<512x128xf32, #tpu.memory_space<vmem>>, vector<16xf32>,
      tpu.vector_store %arg11[%parallel_loop3A_429, %parallel_loop3A_430], %parallel_loop3A_428 {strides = array<i32>} : memref<512x128xf32, #tpu.memory_space<vmem>>, vector<16xf32>,
    } {sc.loop_unroll_factor = 2 : i64, sc.parallel_access}
    %add3A_146 = arith.constant 0 : i32
    %add3A_147 = arith.addi %mul3A_2, %add3A_146 : i32
    %dma_start3A_148 = arith.constant 0 : i32
    %dma_start3A_149 = arith.constant 0 : i32
    %dma_start3A_150 = tpu.memref_slice %arg11[%dma_start3A_148, %dma_start3A_149] : memref<512x128xf32, #tpu.memory_space<vmem>> -> memref<128x128xf32, #tpu.memory_space<vmem>>
    %dma_start3A_151 = arith.constant 0 : i32
    %dma_start3A_152 = tpu.memref_slice %arg8[%add3A_147, %dma_start3A_151] : memref<16384x128xf32, #tpu.memory_space<hbm>> -> memref<128x128xf32, #tpu.memory_space<hbm>>
    %dma_start3A_153 = arith.constant 0 : i32
    %dma_start3A_154 = tpu.memref_slice %arg8[%add3A_147, %dma_start3A_153] : memref<16384x128xf32, #tpu.memory_space<hbm>> -> memref<128x128xf32, #tpu.memory_space<hbm>>
    %dma_start3A_155 = arith.constant 0 : i32
    %dma_start3A_156 = arith.constant 0 : i32
    %dma_start3A_157 = tpu.memref_slice %arg11[%dma_start3A_155, %dma_start3A_156] : memref<512x128xf32, #tpu.memory_space<vmem>> -> memref<128x128xf32, #tpu.memory_space<vmem>>
    tpu.enqueue_dma source(%dma_start3A_157 : memref<128x128xf32, #tpu.memory_space<vmem>>) target(%dma_start3A_154 : memref<128x128xf32, #tpu.memory_space<hbm>>) target_semaphore(%arg20 : memref<!tpu.dma_semaphore, #tpu.memory_space<semaphore_mem>>)
    %dma_wait3A_158 = arith.constant 128 : i32
    %dma_wait3A_159 = arith.constant 0 : i32
    %dma_wait3A_160 = tpu.memref_slice %arg11[%dma_wait3A_158, %dma_wait3A_159] : memref<512x128xf32, #tpu.memory_space<vmem>> -> memref<128x128xf32, #tpu.memory_space<vmem>>
    %dma_wait3A_161 = arith.constant 128 : i32
    %dma_wait3A_162 = tpu.memref_slice %arg9[%dma_wait3A_161] : memref<512xi32, #tpu.memory_space<vmem>> -> memref<128xi32, #tpu.memory_space<vmem>>
    %dma_wait3A_163 = arith.constant 0 : i32
    %dma_wait3A_164 = arith.constant 0 : i32
    %dma_wait3A_165 = tpu.memref_slice %arg4[%dma_wait3A_163, %dma_wait3A_164] : memref<100000x128xf32, #tpu.memory_space<hbm>> -> memref<100000x128xf32, #tpu.memory_space<hbm>>
    tpu.wait_indirect_dma semaphore(%arg16 : memref<!tpu.dma_semaphore, #tpu.memory_space<semaphore_mem>>) src(%dma_wait3A_165 : memref<100000x128xf32, #tpu.memory_space<hbm>>) dst(%dma_wait3A_160 : memref<128x128xf32, #tpu.memory_space<vmem>>)
    %parallel_loop3A_166 = arith.constant 128 : i32
    %parallel_loop3A_167 = arith.constant 256 : i32
    %parallel_loop3A_168 = arith.constant 1 : i32
    scf.for %parallel_loop3A_267 = %parallel_loop3A_166 to %parallel_loop3A_167 step %parallel_loop3A_168  : i32 {
      %parallel_loop3A_268 = vector.broadcast %parallel_loop3A_267 : i32 to vector<16xi32>
      %parallel_loop3A_269 = tpu.vector_load_idx %arg10[%parallel_loop3A_268] : memref<512xi32, #tpu.memory_space<vmem>>[vector<16xi32>], vector<16xi32>,
      %parallel_loop3A_270 = arith.index_cast %parallel_loop3A_267 : i32 to index
      %parallel_loop3A_271 = arith.constant 0 : index
      %parallel_loop3A_272 = tpu.vector_load %arg11[%parallel_loop3A_270, %parallel_loop3A_271] {strides = array<i32>} : memref<512x128xf32, #tpu.memory_space<vmem>>, vector<16xf32>,
      %parallel_loop3A_273 = tpu.vector_load_idx %arg12[%parallel_loop3A_269, %add3A_83] : memref<2x128xf32, #tpu.memory_space<vmem>>[vector<16xi32>, vector<16xi32>], vector<16xf32>,
      %parallel_loop3A_274 = arith.addf %parallel_loop3A_272, %parallel_loop3A_273 : vector<16xf32>
      %parallel_loop3A_275 = arith.mulf %parallel_loop3A_274, %parallel_loop3A_274 : vector<16xf32>
      %parallel_loop3A_276 = arith.index_cast %parallel_loop3A_267 : i32 to index
      %parallel_loop3A_277 = arith.constant 16 : index
      %parallel_loop3A_278 = tpu.vector_load %arg11[%parallel_loop3A_276, %parallel_loop3A_277] {strides = array<i32>} : memref<512x128xf32, #tpu.memory_space<vmem>>, vector<16xf32>,
      %parallel_loop3A_279 = tpu.vector_load_idx %arg12[%parallel_loop3A_269, %add3A_86] : memref<2x128xf32, #tpu.memory_space<vmem>>[vector<16xi32>, vector<16xi32>], vector<16xf32>,
      %parallel_loop3A_280 = arith.addf %parallel_loop3A_278, %parallel_loop3A_279 : vector<16xf32>
      %parallel_loop3A_281 = arith.addf %parallel_loop3A_274, %parallel_loop3A_280 : vector<16xf32>
      %parallel_loop3A_282 = arith.mulf %parallel_loop3A_280, %parallel_loop3A_280 : vector<16xf32>
      %parallel_loop3A_283 = arith.addf %parallel_loop3A_275, %parallel_loop3A_282 : vector<16xf32>
      %parallel_loop3A_284 = arith.index_cast %parallel_loop3A_267 : i32 to index
      %parallel_loop3A_285 = arith.constant 32 : index
      %parallel_loop3A_286 = tpu.vector_load %arg11[%parallel_loop3A_284, %parallel_loop3A_285] {strides = array<i32>} : memref<512x128xf32, #tpu.memory_space<vmem>>, vector<16xf32>,
      %parallel_loop3A_287 = tpu.vector_load_idx %arg12[%parallel_loop3A_269, %add3A_89] : memref<2x128xf32, #tpu.memory_space<vmem>>[vector<16xi32>, vector<16xi32>], vector<16xf32>,
      %parallel_loop3A_288 = arith.addf %parallel_loop3A_286, %parallel_loop3A_287 : vector<16xf32>
      %parallel_loop3A_289 = arith.addf %parallel_loop3A_281, %parallel_loop3A_288 : vector<16xf32>
      %parallel_loop3A_290 = arith.mulf %parallel_loop3A_288, %parallel_loop3A_288 : vector<16xf32>
      %parallel_loop3A_291 = arith.addf %parallel_loop3A_283, %parallel_loop3A_290 : vector<16xf32>
      %parallel_loop3A_292 = arith.index_cast %parallel_loop3A_267 : i32 to index
      %parallel_loop3A_293 = arith.constant 48 : index
      %parallel_loop3A_294 = tpu.vector_load %arg11[%parallel_loop3A_292, %parallel_loop3A_293] {strides = array<i32>} : memref<512x128xf32, #tpu.memory_space<vmem>>, vector<16xf32>,
      %parallel_loop3A_295 = tpu.vector_load_idx %arg12[%parallel_loop3A_269, %add3A_92] : memref<2x128xf32, #tpu.memory_space<vmem>>[vector<16xi32>, vector<16xi32>], vector<16xf32>,
      %parallel_loop3A_296 = arith.addf %parallel_loop3A_294, %parallel_loop3A_295 : vector<16xf32>
      %parallel_loop3A_297 = arith.addf %parallel_loop3A_289, %parallel_loop3A_296 : vector<16xf32>
      %parallel_loop3A_298 = arith.mulf %parallel_loop3A_296, %parallel_loop3A_296 : vector<16xf32>
      %parallel_loop3A_299 = arith.addf %parallel_loop3A_291, %parallel_loop3A_298 : vector<16xf32>
      %parallel_loop3A_300 = arith.index_cast %parallel_loop3A_267 : i32 to index
      %parallel_loop3A_301 = arith.constant 64 : index
      %parallel_loop3A_302 = tpu.vector_load %arg11[%parallel_loop3A_300, %parallel_loop3A_301] {strides = array<i32>} : memref<512x128xf32, #tpu.memory_space<vmem>>, vector<16xf32>,
      %parallel_loop3A_303 = tpu.vector_load_idx %arg12[%parallel_loop3A_269, %add3A_95] : memref<2x128xf32, #tpu.memory_space<vmem>>[vector<16xi32>, vector<16xi32>], vector<16xf32>,
      %parallel_loop3A_304 = arith.addf %parallel_loop3A_302, %parallel_loop3A_303 : vector<16xf32>
      %parallel_loop3A_305 = arith.addf %parallel_loop3A_297, %parallel_loop3A_304 : vector<16xf32>
      %parallel_loop3A_306 = arith.mulf %parallel_loop3A_304, %parallel_loop3A_304 : vector<16xf32>
      %parallel_loop3A_307 = arith.addf %parallel_loop3A_299, %parallel_loop3A_306 : vector<16xf32>
      %parallel_loop3A_308 = arith.index_cast %parallel_loop3A_267 : i32 to index
      %parallel_loop3A_309 = arith.constant 80 : index
      %parallel_loop3A_310 = tpu.vector_load %arg11[%parallel_loop3A_308, %parallel_loop3A_309] {strides = array<i32>} : memref<512x128xf32, #tpu.memory_space<vmem>>, vector<16xf32>,
      %parallel_loop3A_311 = tpu.vector_load_idx %arg12[%parallel_loop3A_269, %add3A_98] : memref<2x128xf32, #tpu.memory_space<vmem>>[vector<16xi32>, vector<16xi32>], vector<16xf32>,
      %parallel_loop3A_312 = arith.addf %parallel_loop3A_310, %parallel_loop3A_311 : vector<16xf32>
      %parallel_loop3A_313 = arith.addf %parallel_loop3A_305, %parallel_loop3A_312 : vector<16xf32>
      %parallel_loop3A_314 = arith.mulf %parallel_loop3A_312, %parallel_loop3A_312 : vector<16xf32>
      %parallel_loop3A_315 = arith.addf %parallel_loop3A_307, %parallel_loop3A_314 : vector<16xf32>
      %parallel_loop3A_316 = arith.index_cast %parallel_loop3A_267 : i32 to index
      %parallel_loop3A_317 = arith.constant 96 : index
      %parallel_loop3A_318 = tpu.vector_load %arg11[%parallel_loop3A_316, %parallel_loop3A_317] {strides = array<i32>} : memref<512x128xf32, #tpu.memory_space<vmem>>, vector<16xf32>,
      %parallel_loop3A_319 = tpu.vector_load_idx %arg12[%parallel_loop3A_269, %add3A_101] : memref<2x128xf32, #tpu.memory_space<vmem>>[vector<16xi32>, vector<16xi32>], vector<16xf32>,
      %parallel_loop3A_320 = arith.addf %parallel_loop3A_318, %parallel_loop3A_319 : vector<16xf32>
      %parallel_loop3A_321 = arith.addf %parallel_loop3A_313, %parallel_loop3A_320 : vector<16xf32>
      %parallel_loop3A_322 = arith.mulf %parallel_loop3A_320, %parallel_loop3A_320 : vector<16xf32>
      %parallel_loop3A_323 = arith.addf %parallel_loop3A_315, %parallel_loop3A_322 : vector<16xf32>
      %parallel_loop3A_324 = arith.index_cast %parallel_loop3A_267 : i32 to index
      %parallel_loop3A_325 = arith.constant 112 : index
      %parallel_loop3A_326 = tpu.vector_load %arg11[%parallel_loop3A_324, %parallel_loop3A_325] {strides = array<i32>} : memref<512x128xf32, #tpu.memory_space<vmem>>, vector<16xf32>,
      %parallel_loop3A_327 = tpu.vector_load_idx %arg12[%parallel_loop3A_269, %add3A_104] : memref<2x128xf32, #tpu.memory_space<vmem>>[vector<16xi32>, vector<16xi32>], vector<16xf32>,
      %parallel_loop3A_328 = arith.addf %parallel_loop3A_326, %parallel_loop3A_327 : vector<16xf32>
      %parallel_loop3A_329 = arith.addf %parallel_loop3A_321, %parallel_loop3A_328 : vector<16xf32>
      %parallel_loop3A_330 = arith.mulf %parallel_loop3A_328, %parallel_loop3A_328 : vector<16xf32>
      %parallel_loop3A_331 = arith.addf %parallel_loop3A_323, %parallel_loop3A_330 : vector<16xf32>
      %parallel_loop3A_332 = arith.constant true
      %parallel_loop3A_333 = vector.broadcast %parallel_loop3A_332 : i1 to vector<16xi1>
      %parallel_loop3A_334 = tpu.scan <sum>, %parallel_loop3A_329 masked %parallel_loop3A_333 : vector<16xf32>, vector<16xi1> -> vector<16xf32>
      %parallel_loop3A_335 = vector.extract %parallel_loop3A_334[15] : f32 from vector<16xf32>
      %parallel_loop3A_336 = arith.constant 7.812500e-03 : f32
      %parallel_loop3A_337 = arith.mulf %parallel_loop3A_335, %parallel_loop3A_336 : f32
      %parallel_loop3A_338 = arith.constant true
      %parallel_loop3A_339 = vector.broadcast %parallel_loop3A_338 : i1 to vector<16xi1>
      %parallel_loop3A_340 = tpu.scan <sum>, %parallel_loop3A_331 masked %parallel_loop3A_339 : vector<16xf32>, vector<16xi1> -> vector<16xf32>
      %parallel_loop3A_341 = vector.extract %parallel_loop3A_340[15] : f32 from vector<16xf32>
      %parallel_loop3A_342 = arith.constant 7.812500e-03 : f32
      %parallel_loop3A_343 = arith.mulf %parallel_loop3A_341, %parallel_loop3A_342 : f32
      %parallel_loop3A_344 = arith.mulf %parallel_loop3A_337, %parallel_loop3A_337 : f32
      %parallel_loop3A_345 = arith.subf %parallel_loop3A_343, %parallel_loop3A_344 : f32
      %parallel_loop3A_346 = vector.broadcast %parallel_loop3A_337 : f32 to vector<16xf32>
      %parallel_loop3A_347 = arith.constant 9.99999996E-13 : f32
      %parallel_loop3A_348 = arith.addf %parallel_loop3A_345, %parallel_loop3A_347 : f32
      %parallel_loop3A_349 = vector.broadcast %parallel_loop3A_348 : f32 to vector<16xf32>
      %parallel_loop3A_350 = vector.bitcast %parallel_loop3A_349 : vector<16xf32> to vector<16xi32>
      %parallel_loop3A_351 = arith.constant 1 : i32
      %parallel_loop3A_352 = vector.broadcast %parallel_loop3A_351 : i32 to vector<16xi32>
      %parallel_loop3A_353 = arith.shrsi %parallel_loop3A_350, %parallel_loop3A_352 : vector<16xi32>
      %parallel_loop3A_354 = arith.constant 1597463007 : i32
      %parallel_loop3A_355 = vector.broadcast %parallel_loop3A_354 : i32 to vector<16xi32>
      %parallel_loop3A_356 = arith.subi %parallel_loop3A_355, %parallel_loop3A_353 : vector<16xi32>
      %parallel_loop3A_357 = vector.bitcast %parallel_loop3A_356 : vector<16xi32> to vector<16xf32>
      %parallel_loop3A_358 = arith.constant 5.000000e-01 : f32
      %parallel_loop3A_359 = vector.broadcast %parallel_loop3A_358 : f32 to vector<16xf32>
      %parallel_loop3A_360 = arith.mulf %parallel_loop3A_359, %parallel_loop3A_349 : vector<16xf32>
      %parallel_loop3A_361 = arith.mulf %parallel_loop3A_360, %parallel_loop3A_357 : vector<16xf32>
      %parallel_loop3A_362 = arith.mulf %parallel_loop3A_361, %parallel_loop3A_357 : vector<16xf32>
      %parallel_loop3A_363 = arith.constant 1.500000e+00 : f32
      %parallel_loop3A_364 = vector.broadcast %parallel_loop3A_363 : f32 to vector<16xf32>
      %parallel_loop3A_365 = arith.subf %parallel_loop3A_364, %parallel_loop3A_362 : vector<16xf32>
      %parallel_loop3A_366 = arith.mulf %parallel_loop3A_357, %parallel_loop3A_365 : vector<16xf32>
      %parallel_loop3A_367 = arith.constant 5.000000e-01 : f32
      %parallel_loop3A_368 = vector.broadcast %parallel_loop3A_367 : f32 to vector<16xf32>
      %parallel_loop3A_369 = arith.mulf %parallel_loop3A_368, %parallel_loop3A_349 : vector<16xf32>
      %parallel_loop3A_370 = arith.mulf %parallel_loop3A_369, %parallel_loop3A_366 : vector<16xf32>
      %parallel_loop3A_371 = arith.mulf %parallel_loop3A_370, %parallel_loop3A_366 : vector<16xf32>
      %parallel_loop3A_372 = arith.constant 1.500000e+00 : f32
      %parallel_loop3A_373 = vector.broadcast %parallel_loop3A_372 : f32 to vector<16xf32>
      %parallel_loop3A_374 = arith.subf %parallel_loop3A_373, %parallel_loop3A_371 : vector<16xf32>
      %parallel_loop3A_375 = arith.mulf %parallel_loop3A_366, %parallel_loop3A_374 : vector<16xf32>
      %parallel_loop3A_376 = arith.subf %parallel_loop3A_274, %parallel_loop3A_346 : vector<16xf32>
      %parallel_loop3A_377 = arith.mulf %parallel_loop3A_375, %get3A_105 : vector<16xf32>
      %parallel_loop3A_378 = arith.mulf %parallel_loop3A_376, %parallel_loop3A_377 : vector<16xf32>
      %parallel_loop3A_379 = arith.addf %parallel_loop3A_378, %get3A_121 : vector<16xf32>
      %parallel_loop3A_380 = arith.index_cast %parallel_loop3A_267 : i32 to index
      %parallel_loop3A_381 = arith.constant 0 : index
      %parallel_loop3A_382 = tpu.vector_load %arg11[%parallel_loop3A_380, %parallel_loop3A_381] {strides = array<i32>} : memref<512x128xf32, #tpu.memory_space<vmem>>, vector<16xf32>,
      tpu.vector_store %arg11[%parallel_loop3A_380, %parallel_loop3A_381], %parallel_loop3A_379 {strides = array<i32>} : memref<512x128xf32, #tpu.memory_space<vmem>>, vector<16xf32>,
      %parallel_loop3A_383 = arith.subf %parallel_loop3A_280, %parallel_loop3A_346 : vector<16xf32>
      %parallel_loop3A_384 = arith.mulf %parallel_loop3A_375, %get3A_107 : vector<16xf32>
      %parallel_loop3A_385 = arith.mulf %parallel_loop3A_383, %parallel_loop3A_384 : vector<16xf32>
      %parallel_loop3A_386 = arith.addf %parallel_loop3A_385, %get3A_123 : vector<16xf32>
      %parallel_loop3A_387 = arith.index_cast %parallel_loop3A_267 : i32 to index
      %parallel_loop3A_388 = arith.constant 16 : index
      %parallel_loop3A_389 = tpu.vector_load %arg11[%parallel_loop3A_387, %parallel_loop3A_388] {strides = array<i32>} : memref<512x128xf32, #tpu.memory_space<vmem>>, vector<16xf32>,
      tpu.vector_store %arg11[%parallel_loop3A_387, %parallel_loop3A_388], %parallel_loop3A_386 {strides = array<i32>} : memref<512x128xf32, #tpu.memory_space<vmem>>, vector<16xf32>,
      %parallel_loop3A_390 = arith.subf %parallel_loop3A_288, %parallel_loop3A_346 : vector<16xf32>
      %parallel_loop3A_391 = arith.mulf %parallel_loop3A_375, %get3A_109 : vector<16xf32>
      %parallel_loop3A_392 = arith.mulf %parallel_loop3A_390, %parallel_loop3A_391 : vector<16xf32>
      %parallel_loop3A_393 = arith.addf %parallel_loop3A_392, %get3A_125 : vector<16xf32>
      %parallel_loop3A_394 = arith.index_cast %parallel_loop3A_267 : i32 to index
      %parallel_loop3A_395 = arith.constant 32 : index
      %parallel_loop3A_396 = tpu.vector_load %arg11[%parallel_loop3A_394, %parallel_loop3A_395] {strides = array<i32>} : memref<512x128xf32, #tpu.memory_space<vmem>>, vector<16xf32>,
      tpu.vector_store %arg11[%parallel_loop3A_394, %parallel_loop3A_395], %parallel_loop3A_393 {strides = array<i32>} : memref<512x128xf32, #tpu.memory_space<vmem>>, vector<16xf32>,
      %parallel_loop3A_397 = arith.subf %parallel_loop3A_296, %parallel_loop3A_346 : vector<16xf32>
      %parallel_loop3A_398 = arith.mulf %parallel_loop3A_375, %get3A_111 : vector<16xf32>
      %parallel_loop3A_399 = arith.mulf %parallel_loop3A_397, %parallel_loop3A_398 : vector<16xf32>
      %parallel_loop3A_400 = arith.addf %parallel_loop3A_399, %get3A_127 : vector<16xf32>
      %parallel_loop3A_401 = arith.index_cast %parallel_loop3A_267 : i32 to index
      %parallel_loop3A_402 = arith.constant 48 : index
      %parallel_loop3A_403 = tpu.vector_load %arg11[%parallel_loop3A_401, %parallel_loop3A_402] {strides = array<i32>} : memref<512x128xf32, #tpu.memory_space<vmem>>, vector<16xf32>,
      tpu.vector_store %arg11[%parallel_loop3A_401, %parallel_loop3A_402], %parallel_loop3A_400 {strides = array<i32>} : memref<512x128xf32, #tpu.memory_space<vmem>>, vector<16xf32>,
      %parallel_loop3A_404 = arith.subf %parallel_loop3A_304, %parallel_loop3A_346 : vector<16xf32>
      %parallel_loop3A_405 = arith.mulf %parallel_loop3A_375, %get3A_113 : vector<16xf32>
      %parallel_loop3A_406 = arith.mulf %parallel_loop3A_404, %parallel_loop3A_405 : vector<16xf32>
      %parallel_loop3A_407 = arith.addf %parallel_loop3A_406, %get3A_129 : vector<16xf32>
      %parallel_loop3A_408 = arith.index_cast %parallel_loop3A_267 : i32 to index
      %parallel_loop3A_409 = arith.constant 64 : index
      %parallel_loop3A_410 = tpu.vector_load %arg11[%parallel_loop3A_408, %parallel_loop3A_409] {strides = array<i32>} : memref<512x128xf32, #tpu.memory_space<vmem>>, vector<16xf32>,
      tpu.vector_store %arg11[%parallel_loop3A_408, %parallel_loop3A_409], %parallel_loop3A_407 {strides = array<i32>} : memref<512x128xf32, #tpu.memory_space<vmem>>, vector<16xf32>,
      %parallel_loop3A_411 = arith.subf %parallel_loop3A_312, %parallel_loop3A_346 : vector<16xf32>
      %parallel_loop3A_412 = arith.mulf %parallel_loop3A_375, %get3A_115 : vector<16xf32>
      %parallel_loop3A_413 = arith.mulf %parallel_loop3A_411, %parallel_loop3A_412 : vector<16xf32>
      %parallel_loop3A_414 = arith.addf %parallel_loop3A_413, %get3A_131 : vector<16xf32>
      %parallel_loop3A_415 = arith.index_cast %parallel_loop3A_267 : i32 to index
      %parallel_loop3A_416 = arith.constant 80 : index
      %parallel_loop3A_417 = tpu.vector_load %arg11[%parallel_loop3A_415, %parallel_loop3A_416] {strides = array<i32>} : memref<512x128xf32, #tpu.memory_space<vmem>>, vector<16xf32>,
      tpu.vector_store %arg11[%parallel_loop3A_415, %parallel_loop3A_416], %parallel_loop3A_414 {strides = array<i32>} : memref<512x128xf32, #tpu.memory_space<vmem>>, vector<16xf32>,
      %parallel_loop3A_418 = arith.subf %parallel_loop3A_320, %parallel_loop3A_346 : vector<16xf32>
      %parallel_loop3A_419 = arith.mulf %parallel_loop3A_375, %get3A_117 : vector<16xf32>
      %parallel_loop3A_420 = arith.mulf %parallel_loop3A_418, %parallel_loop3A_419 : vector<16xf32>
      %parallel_loop3A_421 = arith.addf %parallel_loop3A_420, %get3A_133 : vector<16xf32>
      %parallel_loop3A_422 = arith.index_cast %parallel_loop3A_267 : i32 to index
      %parallel_loop3A_423 = arith.constant 96 : index
      %parallel_loop3A_424 = tpu.vector_load %arg11[%parallel_loop3A_422, %parallel_loop3A_423] {strides = array<i32>} : memref<512x128xf32, #tpu.memory_space<vmem>>, vector<16xf32>,
      tpu.vector_store %arg11[%parallel_loop3A_422, %parallel_loop3A_423], %parallel_loop3A_421 {strides = array<i32>} : memref<512x128xf32, #tpu.memory_space<vmem>>, vector<16xf32>,
      %parallel_loop3A_425 = arith.subf %parallel_loop3A_328, %parallel_loop3A_346 : vector<16xf32>
      %parallel_loop3A_426 = arith.mulf %parallel_loop3A_375, %get3A_119 : vector<16xf32>
      %parallel_loop3A_427 = arith.mulf %parallel_loop3A_425, %parallel_loop3A_426 : vector<16xf32>
      %parallel_loop3A_428 = arith.addf %parallel_loop3A_427, %get3A_135 : vector<16xf32>
      %parallel_loop3A_429 = arith.index_cast %parallel_loop3A_267 : i32 to index
      %parallel_loop3A_430 = arith.constant 112 : index
      %parallel_loop3A_431 = tpu.vector_load %arg11[%parallel_loop3A_429, %parallel_loop3A_430] {strides = array<i32>} : memref<512x128xf32, #tpu.memory_space<vmem>>, vector<16xf32>,
      tpu.vector_store %arg11[%parallel_loop3A_429, %parallel_loop3A_430], %parallel_loop3A_428 {strides = array<i32>} : memref<512x128xf32, #tpu.memory_space<vmem>>, vector<16xf32>,
    } {sc.loop_unroll_factor = 2 : i64, sc.parallel_access}
    %add3A_169 = arith.constant 128 : i32
    %add3A_170 = arith.addi %mul3A_2, %add3A_169 : i32
    %dma_start3A_171 = arith.constant 128 : i32
    %dma_start3A_172 = arith.constant 0 : i32
    %dma_start3A_173 = tpu.memref_slice %arg11[%dma_start3A_171, %dma_start3A_172] : memref<512x128xf32, #tpu.memory_space<vmem>> -> memref<128x128xf32, #tpu.memory_space<vmem>>
    %dma_start3A_174 = arith.constant 0 : i32
    %dma_start3A_175 = tpu.memref_slice %arg8[%add3A_170, %dma_start3A_174] : memref<16384x128xf32, #tpu.memory_space<hbm>> -> memref<128x128xf32, #tpu.memory_space<hbm>>
    %dma_start3A_176 = arith.constant 0 : i32
    %dma_start3A_177 = tpu.memref_slice %arg8[%add3A_170, %dma_start3A_176] : memref<16384x128xf32, #tpu.memory_space<hbm>> -> memref<128x128xf32, #tpu.memory_space<hbm>>
    %dma_start3A_178 = arith.constant 128 : i32
    %dma_start3A_179 = arith.constant 0 : i32
    %dma_start3A_180 = tpu.memref_slice %arg11[%dma_start3A_178, %dma_start3A_179] : memref<512x128xf32, #tpu.memory_space<vmem>> -> memref<128x128xf32, #tpu.memory_space<vmem>>
    tpu.enqueue_dma source(%dma_start3A_180 : memref<128x128xf32, #tpu.memory_space<vmem>>) target(%dma_start3A_177 : memref<128x128xf32, #tpu.memory_space<hbm>>) target_semaphore(%arg20 : memref<!tpu.dma_semaphore, #tpu.memory_space<semaphore_mem>>)
    %dma_wait3A_181 = arith.constant 256 : i32
    %dma_wait3A_182 = arith.constant 0 : i32
    %dma_wait3A_183 = tpu.memref_slice %arg11[%dma_wait3A_181, %dma_wait3A_182] : memref<512x128xf32, #tpu.memory_space<vmem>> -> memref<128x128xf32, #tpu.memory_space<vmem>>
    %dma_wait3A_184 = arith.constant 256 : i32
    %dma_wait3A_185 = tpu.memref_slice %arg9[%dma_wait3A_184] : memref<512xi32, #tpu.memory_space<vmem>> -> memref<128xi32, #tpu.memory_space<vmem>>
    %dma_wait3A_186 = arith.constant 0 : i32
    %dma_wait3A_187 = arith.constant 0 : i32
    %dma_wait3A_188 = tpu.memref_slice %arg4[%dma_wait3A_186, %dma_wait3A_187] : memref<100000x128xf32, #tpu.memory_space<hbm>> -> memref<100000x128xf32, #tpu.memory_space<hbm>>
    tpu.wait_indirect_dma semaphore(%arg17 : memref<!tpu.dma_semaphore, #tpu.memory_space<semaphore_mem>>) src(%dma_wait3A_188 : memref<100000x128xf32, #tpu.memory_space<hbm>>) dst(%dma_wait3A_183 : memref<128x128xf32, #tpu.memory_space<vmem>>)
    %parallel_loop3A_189 = arith.constant 256 : i32
    %parallel_loop3A_190 = arith.constant 384 : i32
    %parallel_loop3A_191 = arith.constant 1 : i32
    scf.for %parallel_loop3A_267 = %parallel_loop3A_189 to %parallel_loop3A_190 step %parallel_loop3A_191  : i32 {
      %parallel_loop3A_268 = vector.broadcast %parallel_loop3A_267 : i32 to vector<16xi32>
      %parallel_loop3A_269 = tpu.vector_load_idx %arg10[%parallel_loop3A_268] : memref<512xi32, #tpu.memory_space<vmem>>[vector<16xi32>], vector<16xi32>,
      %parallel_loop3A_270 = arith.index_cast %parallel_loop3A_267 : i32 to index
      %parallel_loop3A_271 = arith.constant 0 : index
      %parallel_loop3A_272 = tpu.vector_load %arg11[%parallel_loop3A_270, %parallel_loop3A_271] {strides = array<i32>} : memref<512x128xf32, #tpu.memory_space<vmem>>, vector<16xf32>,
      %parallel_loop3A_273 = tpu.vector_load_idx %arg12[%parallel_loop3A_269, %add3A_83] : memref<2x128xf32, #tpu.memory_space<vmem>>[vector<16xi32>, vector<16xi32>], vector<16xf32>,
      %parallel_loop3A_274 = arith.addf %parallel_loop3A_272, %parallel_loop3A_273 : vector<16xf32>
      %parallel_loop3A_275 = arith.mulf %parallel_loop3A_274, %parallel_loop3A_274 : vector<16xf32>
      %parallel_loop3A_276 = arith.index_cast %parallel_loop3A_267 : i32 to index
      %parallel_loop3A_277 = arith.constant 16 : index
      %parallel_loop3A_278 = tpu.vector_load %arg11[%parallel_loop3A_276, %parallel_loop3A_277] {strides = array<i32>} : memref<512x128xf32, #tpu.memory_space<vmem>>, vector<16xf32>,
      %parallel_loop3A_279 = tpu.vector_load_idx %arg12[%parallel_loop3A_269, %add3A_86] : memref<2x128xf32, #tpu.memory_space<vmem>>[vector<16xi32>, vector<16xi32>], vector<16xf32>,
      %parallel_loop3A_280 = arith.addf %parallel_loop3A_278, %parallel_loop3A_279 : vector<16xf32>
      %parallel_loop3A_281 = arith.addf %parallel_loop3A_274, %parallel_loop3A_280 : vector<16xf32>
      %parallel_loop3A_282 = arith.mulf %parallel_loop3A_280, %parallel_loop3A_280 : vector<16xf32>
      %parallel_loop3A_283 = arith.addf %parallel_loop3A_275, %parallel_loop3A_282 : vector<16xf32>
      %parallel_loop3A_284 = arith.index_cast %parallel_loop3A_267 : i32 to index
      %parallel_loop3A_285 = arith.constant 32 : index
      %parallel_loop3A_286 = tpu.vector_load %arg11[%parallel_loop3A_284, %parallel_loop3A_285] {strides = array<i32>} : memref<512x128xf32, #tpu.memory_space<vmem>>, vector<16xf32>,
      %parallel_loop3A_287 = tpu.vector_load_idx %arg12[%parallel_loop3A_269, %add3A_89] : memref<2x128xf32, #tpu.memory_space<vmem>>[vector<16xi32>, vector<16xi32>], vector<16xf32>,
      %parallel_loop3A_288 = arith.addf %parallel_loop3A_286, %parallel_loop3A_287 : vector<16xf32>
      %parallel_loop3A_289 = arith.addf %parallel_loop3A_281, %parallel_loop3A_288 : vector<16xf32>
      %parallel_loop3A_290 = arith.mulf %parallel_loop3A_288, %parallel_loop3A_288 : vector<16xf32>
      %parallel_loop3A_291 = arith.addf %parallel_loop3A_283, %parallel_loop3A_290 : vector<16xf32>
      %parallel_loop3A_292 = arith.index_cast %parallel_loop3A_267 : i32 to index
      %parallel_loop3A_293 = arith.constant 48 : index
      %parallel_loop3A_294 = tpu.vector_load %arg11[%parallel_loop3A_292, %parallel_loop3A_293] {strides = array<i32>} : memref<512x128xf32, #tpu.memory_space<vmem>>, vector<16xf32>,
      %parallel_loop3A_295 = tpu.vector_load_idx %arg12[%parallel_loop3A_269, %add3A_92] : memref<2x128xf32, #tpu.memory_space<vmem>>[vector<16xi32>, vector<16xi32>], vector<16xf32>,
      %parallel_loop3A_296 = arith.addf %parallel_loop3A_294, %parallel_loop3A_295 : vector<16xf32>
      %parallel_loop3A_297 = arith.addf %parallel_loop3A_289, %parallel_loop3A_296 : vector<16xf32>
      %parallel_loop3A_298 = arith.mulf %parallel_loop3A_296, %parallel_loop3A_296 : vector<16xf32>
      %parallel_loop3A_299 = arith.addf %parallel_loop3A_291, %parallel_loop3A_298 : vector<16xf32>
      %parallel_loop3A_300 = arith.index_cast %parallel_loop3A_267 : i32 to index
      %parallel_loop3A_301 = arith.constant 64 : index
      %parallel_loop3A_302 = tpu.vector_load %arg11[%parallel_loop3A_300, %parallel_loop3A_301] {strides = array<i32>} : memref<512x128xf32, #tpu.memory_space<vmem>>, vector<16xf32>,
      %parallel_loop3A_303 = tpu.vector_load_idx %arg12[%parallel_loop3A_269, %add3A_95] : memref<2x128xf32, #tpu.memory_space<vmem>>[vector<16xi32>, vector<16xi32>], vector<16xf32>,
      %parallel_loop3A_304 = arith.addf %parallel_loop3A_302, %parallel_loop3A_303 : vector<16xf32>
      %parallel_loop3A_305 = arith.addf %parallel_loop3A_297, %parallel_loop3A_304 : vector<16xf32>
      %parallel_loop3A_306 = arith.mulf %parallel_loop3A_304, %parallel_loop3A_304 : vector<16xf32>
      %parallel_loop3A_307 = arith.addf %parallel_loop3A_299, %parallel_loop3A_306 : vector<16xf32>
      %parallel_loop3A_308 = arith.index_cast %parallel_loop3A_267 : i32 to index
      %parallel_loop3A_309 = arith.constant 80 : index
      %parallel_loop3A_310 = tpu.vector_load %arg11[%parallel_loop3A_308, %parallel_loop3A_309] {strides = array<i32>} : memref<512x128xf32, #tpu.memory_space<vmem>>, vector<16xf32>,
      %parallel_loop3A_311 = tpu.vector_load_idx %arg12[%parallel_loop3A_269, %add3A_98] : memref<2x128xf32, #tpu.memory_space<vmem>>[vector<16xi32>, vector<16xi32>], vector<16xf32>,
      %parallel_loop3A_312 = arith.addf %parallel_loop3A_310, %parallel_loop3A_311 : vector<16xf32>
      %parallel_loop3A_313 = arith.addf %parallel_loop3A_305, %parallel_loop3A_312 : vector<16xf32>
      %parallel_loop3A_314 = arith.mulf %parallel_loop3A_312, %parallel_loop3A_312 : vector<16xf32>
      %parallel_loop3A_315 = arith.addf %parallel_loop3A_307, %parallel_loop3A_314 : vector<16xf32>
      %parallel_loop3A_316 = arith.index_cast %parallel_loop3A_267 : i32 to index
      %parallel_loop3A_317 = arith.constant 96 : index
      %parallel_loop3A_318 = tpu.vector_load %arg11[%parallel_loop3A_316, %parallel_loop3A_317] {strides = array<i32>} : memref<512x128xf32, #tpu.memory_space<vmem>>, vector<16xf32>,
      %parallel_loop3A_319 = tpu.vector_load_idx %arg12[%parallel_loop3A_269, %add3A_101] : memref<2x128xf32, #tpu.memory_space<vmem>>[vector<16xi32>, vector<16xi32>], vector<16xf32>,
      %parallel_loop3A_320 = arith.addf %parallel_loop3A_318, %parallel_loop3A_319 : vector<16xf32>
      %parallel_loop3A_321 = arith.addf %parallel_loop3A_313, %parallel_loop3A_320 : vector<16xf32>
      %parallel_loop3A_322 = arith.mulf %parallel_loop3A_320, %parallel_loop3A_320 : vector<16xf32>
      %parallel_loop3A_323 = arith.addf %parallel_loop3A_315, %parallel_loop3A_322 : vector<16xf32>
      %parallel_loop3A_324 = arith.index_cast %parallel_loop3A_267 : i32 to index
      %parallel_loop3A_325 = arith.constant 112 : index
      %parallel_loop3A_326 = tpu.vector_load %arg11[%parallel_loop3A_324, %parallel_loop3A_325] {strides = array<i32>} : memref<512x128xf32, #tpu.memory_space<vmem>>, vector<16xf32>,
      %parallel_loop3A_327 = tpu.vector_load_idx %arg12[%parallel_loop3A_269, %add3A_104] : memref<2x128xf32, #tpu.memory_space<vmem>>[vector<16xi32>, vector<16xi32>], vector<16xf32>,
      %parallel_loop3A_328 = arith.addf %parallel_loop3A_326, %parallel_loop3A_327 : vector<16xf32>
      %parallel_loop3A_329 = arith.addf %parallel_loop3A_321, %parallel_loop3A_328 : vector<16xf32>
      %parallel_loop3A_330 = arith.mulf %parallel_loop3A_328, %parallel_loop3A_328 : vector<16xf32>
      %parallel_loop3A_331 = arith.addf %parallel_loop3A_323, %parallel_loop3A_330 : vector<16xf32>
      %parallel_loop3A_332 = arith.constant true
      %parallel_loop3A_333 = vector.broadcast %parallel_loop3A_332 : i1 to vector<16xi1>
      %parallel_loop3A_334 = tpu.scan <sum>, %parallel_loop3A_329 masked %parallel_loop3A_333 : vector<16xf32>, vector<16xi1> -> vector<16xf32>
      %parallel_loop3A_335 = vector.extract %parallel_loop3A_334[15] : f32 from vector<16xf32>
      %parallel_loop3A_336 = arith.constant 7.812500e-03 : f32
      %parallel_loop3A_337 = arith.mulf %parallel_loop3A_335, %parallel_loop3A_336 : f32
      %parallel_loop3A_338 = arith.constant true
      %parallel_loop3A_339 = vector.broadcast %parallel_loop3A_338 : i1 to vector<16xi1>
      %parallel_loop3A_340 = tpu.scan <sum>, %parallel_loop3A_331 masked %parallel_loop3A_339 : vector<16xf32>, vector<16xi1> -> vector<16xf32>
      %parallel_loop3A_341 = vector.extract %parallel_loop3A_340[15] : f32 from vector<16xf32>
      %parallel_loop3A_342 = arith.constant 7.812500e-03 : f32
      %parallel_loop3A_343 = arith.mulf %parallel_loop3A_341, %parallel_loop3A_342 : f32
      %parallel_loop3A_344 = arith.mulf %parallel_loop3A_337, %parallel_loop3A_337 : f32
      %parallel_loop3A_345 = arith.subf %parallel_loop3A_343, %parallel_loop3A_344 : f32
      %parallel_loop3A_346 = vector.broadcast %parallel_loop3A_337 : f32 to vector<16xf32>
      %parallel_loop3A_347 = arith.constant 9.99999996E-13 : f32
      %parallel_loop3A_348 = arith.addf %parallel_loop3A_345, %parallel_loop3A_347 : f32
      %parallel_loop3A_349 = vector.broadcast %parallel_loop3A_348 : f32 to vector<16xf32>
      %parallel_loop3A_350 = vector.bitcast %parallel_loop3A_349 : vector<16xf32> to vector<16xi32>
      %parallel_loop3A_351 = arith.constant 1 : i32
      %parallel_loop3A_352 = vector.broadcast %parallel_loop3A_351 : i32 to vector<16xi32>
      %parallel_loop3A_353 = arith.shrsi %parallel_loop3A_350, %parallel_loop3A_352 : vector<16xi32>
      %parallel_loop3A_354 = arith.constant 1597463007 : i32
      %parallel_loop3A_355 = vector.broadcast %parallel_loop3A_354 : i32 to vector<16xi32>
      %parallel_loop3A_356 = arith.subi %parallel_loop3A_355, %parallel_loop3A_353 : vector<16xi32>
      %parallel_loop3A_357 = vector.bitcast %parallel_loop3A_356 : vector<16xi32> to vector<16xf32>
      %parallel_loop3A_358 = arith.constant 5.000000e-01 : f32
      %parallel_loop3A_359 = vector.broadcast %parallel_loop3A_358 : f32 to vector<16xf32>
      %parallel_loop3A_360 = arith.mulf %parallel_loop3A_359, %parallel_loop3A_349 : vector<16xf32>
      %parallel_loop3A_361 = arith.mulf %parallel_loop3A_360, %parallel_loop3A_357 : vector<16xf32>
      %parallel_loop3A_362 = arith.mulf %parallel_loop3A_361, %parallel_loop3A_357 : vector<16xf32>
      %parallel_loop3A_363 = arith.constant 1.500000e+00 : f32
      %parallel_loop3A_364 = vector.broadcast %parallel_loop3A_363 : f32 to vector<16xf32>
      %parallel_loop3A_365 = arith.subf %parallel_loop3A_364, %parallel_loop3A_362 : vector<16xf32>
      %parallel_loop3A_366 = arith.mulf %parallel_loop3A_357, %parallel_loop3A_365 : vector<16xf32>
      %parallel_loop3A_367 = arith.constant 5.000000e-01 : f32
      %parallel_loop3A_368 = vector.broadcast %parallel_loop3A_367 : f32 to vector<16xf32>
      %parallel_loop3A_369 = arith.mulf %parallel_loop3A_368, %parallel_loop3A_349 : vector<16xf32>
      %parallel_loop3A_370 = arith.mulf %parallel_loop3A_369, %parallel_loop3A_366 : vector<16xf32>
      %parallel_loop3A_371 = arith.mulf %parallel_loop3A_370, %parallel_loop3A_366 : vector<16xf32>
      %parallel_loop3A_372 = arith.constant 1.500000e+00 : f32
      %parallel_loop3A_373 = vector.broadcast %parallel_loop3A_372 : f32 to vector<16xf32>
      %parallel_loop3A_374 = arith.subf %parallel_loop3A_373, %parallel_loop3A_371 : vector<16xf32>
      %parallel_loop3A_375 = arith.mulf %parallel_loop3A_366, %parallel_loop3A_374 : vector<16xf32>
      %parallel_loop3A_376 = arith.subf %parallel_loop3A_274, %parallel_loop3A_346 : vector<16xf32>
      %parallel_loop3A_377 = arith.mulf %parallel_loop3A_375, %get3A_105 : vector<16xf32>
      %parallel_loop3A_378 = arith.mulf %parallel_loop3A_376, %parallel_loop3A_377 : vector<16xf32>
      %parallel_loop3A_379 = arith.addf %parallel_loop3A_378, %get3A_121 : vector<16xf32>
      %parallel_loop3A_380 = arith.index_cast %parallel_loop3A_267 : i32 to index
      %parallel_loop3A_381 = arith.constant 0 : index
      %parallel_loop3A_382 = tpu.vector_load %arg11[%parallel_loop3A_380, %parallel_loop3A_381] {strides = array<i32>} : memref<512x128xf32, #tpu.memory_space<vmem>>, vector<16xf32>,
      tpu.vector_store %arg11[%parallel_loop3A_380, %parallel_loop3A_381], %parallel_loop3A_379 {strides = array<i32>} : memref<512x128xf32, #tpu.memory_space<vmem>>, vector<16xf32>,
      %parallel_loop3A_383 = arith.subf %parallel_loop3A_280, %parallel_loop3A_346 : vector<16xf32>
      %parallel_loop3A_384 = arith.mulf %parallel_loop3A_375, %get3A_107 : vector<16xf32>
      %parallel_loop3A_385 = arith.mulf %parallel_loop3A_383, %parallel_loop3A_384 : vector<16xf32>
      %parallel_loop3A_386 = arith.addf %parallel_loop3A_385, %get3A_123 : vector<16xf32>
      %parallel_loop3A_387 = arith.index_cast %parallel_loop3A_267 : i32 to index
      %parallel_loop3A_388 = arith.constant 16 : index
      %parallel_loop3A_389 = tpu.vector_load %arg11[%parallel_loop3A_387, %parallel_loop3A_388] {strides = array<i32>} : memref<512x128xf32, #tpu.memory_space<vmem>>, vector<16xf32>,
      tpu.vector_store %arg11[%parallel_loop3A_387, %parallel_loop3A_388], %parallel_loop3A_386 {strides = array<i32>} : memref<512x128xf32, #tpu.memory_space<vmem>>, vector<16xf32>,
      %parallel_loop3A_390 = arith.subf %parallel_loop3A_288, %parallel_loop3A_346 : vector<16xf32>
      %parallel_loop3A_391 = arith.mulf %parallel_loop3A_375, %get3A_109 : vector<16xf32>
      %parallel_loop3A_392 = arith.mulf %parallel_loop3A_390, %parallel_loop3A_391 : vector<16xf32>
      %parallel_loop3A_393 = arith.addf %parallel_loop3A_392, %get3A_125 : vector<16xf32>
      %parallel_loop3A_394 = arith.index_cast %parallel_loop3A_267 : i32 to index
      %parallel_loop3A_395 = arith.constant 32 : index
      %parallel_loop3A_396 = tpu.vector_load %arg11[%parallel_loop3A_394, %parallel_loop3A_395] {strides = array<i32>} : memref<512x128xf32, #tpu.memory_space<vmem>>, vector<16xf32>,
      tpu.vector_store %arg11[%parallel_loop3A_394, %parallel_loop3A_395], %parallel_loop3A_393 {strides = array<i32>} : memref<512x128xf32, #tpu.memory_space<vmem>>, vector<16xf32>,
      %parallel_loop3A_397 = arith.subf %parallel_loop3A_296, %parallel_loop3A_346 : vector<16xf32>
      %parallel_loop3A_398 = arith.mulf %parallel_loop3A_375, %get3A_111 : vector<16xf32>
      %parallel_loop3A_399 = arith.mulf %parallel_loop3A_397, %parallel_loop3A_398 : vector<16xf32>
      %parallel_loop3A_400 = arith.addf %parallel_loop3A_399, %get3A_127 : vector<16xf32>
      %parallel_loop3A_401 = arith.index_cast %parallel_loop3A_267 : i32 to index
      %parallel_loop3A_402 = arith.constant 48 : index
      %parallel_loop3A_403 = tpu.vector_load %arg11[%parallel_loop3A_401, %parallel_loop3A_402] {strides = array<i32>} : memref<512x128xf32, #tpu.memory_space<vmem>>, vector<16xf32>,
      tpu.vector_store %arg11[%parallel_loop3A_401, %parallel_loop3A_402], %parallel_loop3A_400 {strides = array<i32>} : memref<512x128xf32, #tpu.memory_space<vmem>>, vector<16xf32>,
      %parallel_loop3A_404 = arith.subf %parallel_loop3A_304, %parallel_loop3A_346 : vector<16xf32>
      %parallel_loop3A_405 = arith.mulf %parallel_loop3A_375, %get3A_113 : vector<16xf32>
      %parallel_loop3A_406 = arith.mulf %parallel_loop3A_404, %parallel_loop3A_405 : vector<16xf32>
      %parallel_loop3A_407 = arith.addf %parallel_loop3A_406, %get3A_129 : vector<16xf32>
      %parallel_loop3A_408 = arith.index_cast %parallel_loop3A_267 : i32 to index
      %parallel_loop3A_409 = arith.constant 64 : index
      %parallel_loop3A_410 = tpu.vector_load %arg11[%parallel_loop3A_408, %parallel_loop3A_409] {strides = array<i32>} : memref<512x128xf32, #tpu.memory_space<vmem>>, vector<16xf32>,
      tpu.vector_store %arg11[%parallel_loop3A_408, %parallel_loop3A_409], %parallel_loop3A_407 {strides = array<i32>} : memref<512x128xf32, #tpu.memory_space<vmem>>, vector<16xf32>,
      %parallel_loop3A_411 = arith.subf %parallel_loop3A_312, %parallel_loop3A_346 : vector<16xf32>
      %parallel_loop3A_412 = arith.mulf %parallel_loop3A_375, %get3A_115 : vector<16xf32>
      %parallel_loop3A_413 = arith.mulf %parallel_loop3A_411, %parallel_loop3A_412 : vector<16xf32>
      %parallel_loop3A_414 = arith.addf %parallel_loop3A_413, %get3A_131 : vector<16xf32>
      %parallel_loop3A_415 = arith.index_cast %parallel_loop3A_267 : i32 to index
      %parallel_loop3A_416 = arith.constant 80 : index
      %parallel_loop3A_417 = tpu.vector_load %arg11[%parallel_loop3A_415, %parallel_loop3A_416] {strides = array<i32>} : memref<512x128xf32, #tpu.memory_space<vmem>>, vector<16xf32>,
      tpu.vector_store %arg11[%parallel_loop3A_415, %parallel_loop3A_416], %parallel_loop3A_414 {strides = array<i32>} : memref<512x128xf32, #tpu.memory_space<vmem>>, vector<16xf32>,
      %parallel_loop3A_418 = arith.subf %parallel_loop3A_320, %parallel_loop3A_346 : vector<16xf32>
      %parallel_loop3A_419 = arith.mulf %parallel_loop3A_375, %get3A_117 : vector<16xf32>
      %parallel_loop3A_420 = arith.mulf %parallel_loop3A_418, %parallel_loop3A_419 : vector<16xf32>
      %parallel_loop3A_421 = arith.addf %parallel_loop3A_420, %get3A_133 : vector<16xf32>
      %parallel_loop3A_422 = arith.index_cast %parallel_loop3A_267 : i32 to index
      %parallel_loop3A_423 = arith.constant 96 : index
      %parallel_loop3A_424 = tpu.vector_load %arg11[%parallel_loop3A_422, %parallel_loop3A_423] {strides = array<i32>} : memref<512x128xf32, #tpu.memory_space<vmem>>, vector<16xf32>,
      tpu.vector_store %arg11[%parallel_loop3A_422, %parallel_loop3A_423], %parallel_loop3A_421 {strides = array<i32>} : memref<512x128xf32, #tpu.memory_space<vmem>>, vector<16xf32>,
      %parallel_loop3A_425 = arith.subf %parallel_loop3A_328, %parallel_loop3A_346 : vector<16xf32>
      %parallel_loop3A_426 = arith.mulf %parallel_loop3A_375, %get3A_119 : vector<16xf32>
      %parallel_loop3A_427 = arith.mulf %parallel_loop3A_425, %parallel_loop3A_426 : vector<16xf32>
      %parallel_loop3A_428 = arith.addf %parallel_loop3A_427, %get3A_135 : vector<16xf32>
      %parallel_loop3A_429 = arith.index_cast %parallel_loop3A_267 : i32 to index
      %parallel_loop3A_430 = arith.constant 112 : index
      %parallel_loop3A_431 = tpu.vector_load %arg11[%parallel_loop3A_429, %parallel_loop3A_430] {strides = array<i32>} : memref<512x128xf32, #tpu.memory_space<vmem>>, vector<16xf32>,
      tpu.vector_store %arg11[%parallel_loop3A_429, %parallel_loop3A_430], %parallel_loop3A_428 {strides = array<i32>} : memref<512x128xf32, #tpu.memory_space<vmem>>, vector<16xf32>,
    } {sc.loop_unroll_factor = 2 : i64, sc.parallel_access}
    %add3A_192 = arith.constant 256 : i32
    %add3A_193 = arith.addi %mul3A_2, %add3A_192 : i32
    %dma_start3A_194 = arith.constant 256 : i32
    %dma_start3A_195 = arith.constant 0 : i32
    %dma_start3A_196 = tpu.memref_slice %arg11[%dma_start3A_194, %dma_start3A_195] : memref<512x128xf32, #tpu.memory_space<vmem>> -> memref<128x128xf32, #tpu.memory_space<vmem>>
    %dma_start3A_197 = arith.constant 0 : i32
    %dma_start3A_198 = tpu.memref_slice %arg8[%add3A_193, %dma_start3A_197] : memref<16384x128xf32, #tpu.memory_space<hbm>> -> memref<128x128xf32, #tpu.memory_space<hbm>>
    %dma_start3A_199 = arith.constant 0 : i32
    %dma_start3A_200 = tpu.memref_slice %arg8[%add3A_193, %dma_start3A_199] : memref<16384x128xf32, #tpu.memory_space<hbm>> -> memref<128x128xf32, #tpu.memory_space<hbm>>
    %dma_start3A_201 = arith.constant 256 : i32
    %dma_start3A_202 = arith.constant 0 : i32
    %dma_start3A_203 = tpu.memref_slice %arg11[%dma_start3A_201, %dma_start3A_202] : memref<512x128xf32, #tpu.memory_space<vmem>> -> memref<128x128xf32, #tpu.memory_space<vmem>>
    tpu.enqueue_dma source(%dma_start3A_203 : memref<128x128xf32, #tpu.memory_space<vmem>>) target(%dma_start3A_200 : memref<128x128xf32, #tpu.memory_space<hbm>>) target_semaphore(%arg20 : memref<!tpu.dma_semaphore, #tpu.memory_space<semaphore_mem>>)
    %dma_wait3A_204 = arith.constant 384 : i32
    %dma_wait3A_205 = arith.constant 0 : i32
    %dma_wait3A_206 = tpu.memref_slice %arg11[%dma_wait3A_204, %dma_wait3A_205] : memref<512x128xf32, #tpu.memory_space<vmem>> -> memref<128x128xf32, #tpu.memory_space<vmem>>
    %dma_wait3A_207 = arith.constant 384 : i32
    %dma_wait3A_208 = tpu.memref_slice %arg9[%dma_wait3A_207] : memref<512xi32, #tpu.memory_space<vmem>> -> memref<128xi32, #tpu.memory_space<vmem>>
    %dma_wait3A_209 = arith.constant 0 : i32
    %dma_wait3A_210 = arith.constant 0 : i32
    %dma_wait3A_211 = tpu.memref_slice %arg4[%dma_wait3A_209, %dma_wait3A_210] : memref<100000x128xf32, #tpu.memory_space<hbm>> -> memref<100000x128xf32, #tpu.memory_space<hbm>>
    tpu.wait_indirect_dma semaphore(%arg18 : memref<!tpu.dma_semaphore, #tpu.memory_space<semaphore_mem>>) src(%dma_wait3A_211 : memref<100000x128xf32, #tpu.memory_space<hbm>>) dst(%dma_wait3A_206 : memref<128x128xf32, #tpu.memory_space<vmem>>)
    %parallel_loop3A_212 = arith.constant 384 : i32
    %parallel_loop3A_213 = arith.constant 512 : i32
    %parallel_loop3A_214 = arith.constant 1 : i32
    scf.for %parallel_loop3A_267 = %parallel_loop3A_212 to %parallel_loop3A_213 step %parallel_loop3A_214  : i32 {
      %parallel_loop3A_268 = vector.broadcast %parallel_loop3A_267 : i32 to vector<16xi32>
      %parallel_loop3A_269 = tpu.vector_load_idx %arg10[%parallel_loop3A_268] : memref<512xi32, #tpu.memory_space<vmem>>[vector<16xi32>], vector<16xi32>,
      %parallel_loop3A_270 = arith.index_cast %parallel_loop3A_267 : i32 to index
      %parallel_loop3A_271 = arith.constant 0 : index
      %parallel_loop3A_272 = tpu.vector_load %arg11[%parallel_loop3A_270, %parallel_loop3A_271] {strides = array<i32>} : memref<512x128xf32, #tpu.memory_space<vmem>>, vector<16xf32>,
      %parallel_loop3A_273 = tpu.vector_load_idx %arg12[%parallel_loop3A_269, %add3A_83] : memref<2x128xf32, #tpu.memory_space<vmem>>[vector<16xi32>, vector<16xi32>], vector<16xf32>,
      %parallel_loop3A_274 = arith.addf %parallel_loop3A_272, %parallel_loop3A_273 : vector<16xf32>
      %parallel_loop3A_275 = arith.mulf %parallel_loop3A_274, %parallel_loop3A_274 : vector<16xf32>
      %parallel_loop3A_276 = arith.index_cast %parallel_loop3A_267 : i32 to index
      %parallel_loop3A_277 = arith.constant 16 : index
      %parallel_loop3A_278 = tpu.vector_load %arg11[%parallel_loop3A_276, %parallel_loop3A_277] {strides = array<i32>} : memref<512x128xf32, #tpu.memory_space<vmem>>, vector<16xf32>,
      %parallel_loop3A_279 = tpu.vector_load_idx %arg12[%parallel_loop3A_269, %add3A_86] : memref<2x128xf32, #tpu.memory_space<vmem>>[vector<16xi32>, vector<16xi32>], vector<16xf32>,
      %parallel_loop3A_280 = arith.addf %parallel_loop3A_278, %parallel_loop3A_279 : vector<16xf32>
      %parallel_loop3A_281 = arith.addf %parallel_loop3A_274, %parallel_loop3A_280 : vector<16xf32>
      %parallel_loop3A_282 = arith.mulf %parallel_loop3A_280, %parallel_loop3A_280 : vector<16xf32>
      %parallel_loop3A_283 = arith.addf %parallel_loop3A_275, %parallel_loop3A_282 : vector<16xf32>
      %parallel_loop3A_284 = arith.index_cast %parallel_loop3A_267 : i32 to index
      %parallel_loop3A_285 = arith.constant 32 : index
      %parallel_loop3A_286 = tpu.vector_load %arg11[%parallel_loop3A_284, %parallel_loop3A_285] {strides = array<i32>} : memref<512x128xf32, #tpu.memory_space<vmem>>, vector<16xf32>,
      %parallel_loop3A_287 = tpu.vector_load_idx %arg12[%parallel_loop3A_269, %add3A_89] : memref<2x128xf32, #tpu.memory_space<vmem>>[vector<16xi32>, vector<16xi32>], vector<16xf32>,
      %parallel_loop3A_288 = arith.addf %parallel_loop3A_286, %parallel_loop3A_287 : vector<16xf32>
      %parallel_loop3A_289 = arith.addf %parallel_loop3A_281, %parallel_loop3A_288 : vector<16xf32>
      %parallel_loop3A_290 = arith.mulf %parallel_loop3A_288, %parallel_loop3A_288 : vector<16xf32>
      %parallel_loop3A_291 = arith.addf %parallel_loop3A_283, %parallel_loop3A_290 : vector<16xf32>
      %parallel_loop3A_292 = arith.index_cast %parallel_loop3A_267 : i32 to index
      %parallel_loop3A_293 = arith.constant 48 : index
      %parallel_loop3A_294 = tpu.vector_load %arg11[%parallel_loop3A_292, %parallel_loop3A_293] {strides = array<i32>} : memref<512x128xf32, #tpu.memory_space<vmem>>, vector<16xf32>,
      %parallel_loop3A_295 = tpu.vector_load_idx %arg12[%parallel_loop3A_269, %add3A_92] : memref<2x128xf32, #tpu.memory_space<vmem>>[vector<16xi32>, vector<16xi32>], vector<16xf32>,
      %parallel_loop3A_296 = arith.addf %parallel_loop3A_294, %parallel_loop3A_295 : vector<16xf32>
      %parallel_loop3A_297 = arith.addf %parallel_loop3A_289, %parallel_loop3A_296 : vector<16xf32>
      %parallel_loop3A_298 = arith.mulf %parallel_loop3A_296, %parallel_loop3A_296 : vector<16xf32>
      %parallel_loop3A_299 = arith.addf %parallel_loop3A_291, %parallel_loop3A_298 : vector<16xf32>
      %parallel_loop3A_300 = arith.index_cast %parallel_loop3A_267 : i32 to index
      %parallel_loop3A_301 = arith.constant 64 : index
      %parallel_loop3A_302 = tpu.vector_load %arg11[%parallel_loop3A_300, %parallel_loop3A_301] {strides = array<i32>} : memref<512x128xf32, #tpu.memory_space<vmem>>, vector<16xf32>,
      %parallel_loop3A_303 = tpu.vector_load_idx %arg12[%parallel_loop3A_269, %add3A_95] : memref<2x128xf32, #tpu.memory_space<vmem>>[vector<16xi32>, vector<16xi32>], vector<16xf32>,
      %parallel_loop3A_304 = arith.addf %parallel_loop3A_302, %parallel_loop3A_303 : vector<16xf32>
      %parallel_loop3A_305 = arith.addf %parallel_loop3A_297, %parallel_loop3A_304 : vector<16xf32>
      %parallel_loop3A_306 = arith.mulf %parallel_loop3A_304, %parallel_loop3A_304 : vector<16xf32>
      %parallel_loop3A_307 = arith.addf %parallel_loop3A_299, %parallel_loop3A_306 : vector<16xf32>
      %parallel_loop3A_308 = arith.index_cast %parallel_loop3A_267 : i32 to index
      %parallel_loop3A_309 = arith.constant 80 : index
      %parallel_loop3A_310 = tpu.vector_load %arg11[%parallel_loop3A_308, %parallel_loop3A_309] {strides = array<i32>} : memref<512x128xf32, #tpu.memory_space<vmem>>, vector<16xf32>,
      %parallel_loop3A_311 = tpu.vector_load_idx %arg12[%parallel_loop3A_269, %add3A_98] : memref<2x128xf32, #tpu.memory_space<vmem>>[vector<16xi32>, vector<16xi32>], vector<16xf32>,
      %parallel_loop3A_312 = arith.addf %parallel_loop3A_310, %parallel_loop3A_311 : vector<16xf32>
      %parallel_loop3A_313 = arith.addf %parallel_loop3A_305, %parallel_loop3A_312 : vector<16xf32>
      %parallel_loop3A_314 = arith.mulf %parallel_loop3A_312, %parallel_loop3A_312 : vector<16xf32>
      %parallel_loop3A_315 = arith.addf %parallel_loop3A_307, %parallel_loop3A_314 : vector<16xf32>
      %parallel_loop3A_316 = arith.index_cast %parallel_loop3A_267 : i32 to index
      %parallel_loop3A_317 = arith.constant 96 : index
      %parallel_loop3A_318 = tpu.vector_load %arg11[%parallel_loop3A_316, %parallel_loop3A_317] {strides = array<i32>} : memref<512x128xf32, #tpu.memory_space<vmem>>, vector<16xf32>,
      %parallel_loop3A_319 = tpu.vector_load_idx %arg12[%parallel_loop3A_269, %add3A_101] : memref<2x128xf32, #tpu.memory_space<vmem>>[vector<16xi32>, vector<16xi32>], vector<16xf32>,
      %parallel_loop3A_320 = arith.addf %parallel_loop3A_318, %parallel_loop3A_319 : vector<16xf32>
      %parallel_loop3A_321 = arith.addf %parallel_loop3A_313, %parallel_loop3A_320 : vector<16xf32>
      %parallel_loop3A_322 = arith.mulf %parallel_loop3A_320, %parallel_loop3A_320 : vector<16xf32>
      %parallel_loop3A_323 = arith.addf %parallel_loop3A_315, %parallel_loop3A_322 : vector<16xf32>
      %parallel_loop3A_324 = arith.index_cast %parallel_loop3A_267 : i32 to index
      %parallel_loop3A_325 = arith.constant 112 : index
      %parallel_loop3A_326 = tpu.vector_load %arg11[%parallel_loop3A_324, %parallel_loop3A_325] {strides = array<i32>} : memref<512x128xf32, #tpu.memory_space<vmem>>, vector<16xf32>,
      %parallel_loop3A_327 = tpu.vector_load_idx %arg12[%parallel_loop3A_269, %add3A_104] : memref<2x128xf32, #tpu.memory_space<vmem>>[vector<16xi32>, vector<16xi32>], vector<16xf32>,
      %parallel_loop3A_328 = arith.addf %parallel_loop3A_326, %parallel_loop3A_327 : vector<16xf32>
      %parallel_loop3A_329 = arith.addf %parallel_loop3A_321, %parallel_loop3A_328 : vector<16xf32>
      %parallel_loop3A_330 = arith.mulf %parallel_loop3A_328, %parallel_loop3A_328 : vector<16xf32>
      %parallel_loop3A_331 = arith.addf %parallel_loop3A_323, %parallel_loop3A_330 : vector<16xf32>
      %parallel_loop3A_332 = arith.constant true
      %parallel_loop3A_333 = vector.broadcast %parallel_loop3A_332 : i1 to vector<16xi1>
      %parallel_loop3A_334 = tpu.scan <sum>, %parallel_loop3A_329 masked %parallel_loop3A_333 : vector<16xf32>, vector<16xi1> -> vector<16xf32>
      %parallel_loop3A_335 = vector.extract %parallel_loop3A_334[15] : f32 from vector<16xf32>
      %parallel_loop3A_336 = arith.constant 7.812500e-03 : f32
      %parallel_loop3A_337 = arith.mulf %parallel_loop3A_335, %parallel_loop3A_336 : f32
      %parallel_loop3A_338 = arith.constant true
      %parallel_loop3A_339 = vector.broadcast %parallel_loop3A_338 : i1 to vector<16xi1>
      %parallel_loop3A_340 = tpu.scan <sum>, %parallel_loop3A_331 masked %parallel_loop3A_339 : vector<16xf32>, vector<16xi1> -> vector<16xf32>
      %parallel_loop3A_341 = vector.extract %parallel_loop3A_340[15] : f32 from vector<16xf32>
      %parallel_loop3A_342 = arith.constant 7.812500e-03 : f32
      %parallel_loop3A_343 = arith.mulf %parallel_loop3A_341, %parallel_loop3A_342 : f32
      %parallel_loop3A_344 = arith.mulf %parallel_loop3A_337, %parallel_loop3A_337 : f32
      %parallel_loop3A_345 = arith.subf %parallel_loop3A_343, %parallel_loop3A_344 : f32
      %parallel_loop3A_346 = vector.broadcast %parallel_loop3A_337 : f32 to vector<16xf32>
      %parallel_loop3A_347 = arith.constant 9.99999996E-13 : f32
      %parallel_loop3A_348 = arith.addf %parallel_loop3A_345, %parallel_loop3A_347 : f32
      %parallel_loop3A_349 = vector.broadcast %parallel_loop3A_348 : f32 to vector<16xf32>
      %parallel_loop3A_350 = vector.bitcast %parallel_loop3A_349 : vector<16xf32> to vector<16xi32>
      %parallel_loop3A_351 = arith.constant 1 : i32
      %parallel_loop3A_352 = vector.broadcast %parallel_loop3A_351 : i32 to vector<16xi32>
      %parallel_loop3A_353 = arith.shrsi %parallel_loop3A_350, %parallel_loop3A_352 : vector<16xi32>
      %parallel_loop3A_354 = arith.constant 1597463007 : i32
      %parallel_loop3A_355 = vector.broadcast %parallel_loop3A_354 : i32 to vector<16xi32>
      %parallel_loop3A_356 = arith.subi %parallel_loop3A_355, %parallel_loop3A_353 : vector<16xi32>
      %parallel_loop3A_357 = vector.bitcast %parallel_loop3A_356 : vector<16xi32> to vector<16xf32>
      %parallel_loop3A_358 = arith.constant 5.000000e-01 : f32
      %parallel_loop3A_359 = vector.broadcast %parallel_loop3A_358 : f32 to vector<16xf32>
      %parallel_loop3A_360 = arith.mulf %parallel_loop3A_359, %parallel_loop3A_349 : vector<16xf32>
      %parallel_loop3A_361 = arith.mulf %parallel_loop3A_360, %parallel_loop3A_357 : vector<16xf32>
      %parallel_loop3A_362 = arith.mulf %parallel_loop3A_361, %parallel_loop3A_357 : vector<16xf32>
      %parallel_loop3A_363 = arith.constant 1.500000e+00 : f32
      %parallel_loop3A_364 = vector.broadcast %parallel_loop3A_363 : f32 to vector<16xf32>
      %parallel_loop3A_365 = arith.subf %parallel_loop3A_364, %parallel_loop3A_362 : vector<16xf32>
      %parallel_loop3A_366 = arith.mulf %parallel_loop3A_357, %parallel_loop3A_365 : vector<16xf32>
      %parallel_loop3A_367 = arith.constant 5.000000e-01 : f32
      %parallel_loop3A_368 = vector.broadcast %parallel_loop3A_367 : f32 to vector<16xf32>
      %parallel_loop3A_369 = arith.mulf %parallel_loop3A_368, %parallel_loop3A_349 : vector<16xf32>
      %parallel_loop3A_370 = arith.mulf %parallel_loop3A_369, %parallel_loop3A_366 : vector<16xf32>
      %parallel_loop3A_371 = arith.mulf %parallel_loop3A_370, %parallel_loop3A_366 : vector<16xf32>
      %parallel_loop3A_372 = arith.constant 1.500000e+00 : f32
      %parallel_loop3A_373 = vector.broadcast %parallel_loop3A_372 : f32 to vector<16xf32>
      %parallel_loop3A_374 = arith.subf %parallel_loop3A_373, %parallel_loop3A_371 : vector<16xf32>
      %parallel_loop3A_375 = arith.mulf %parallel_loop3A_366, %parallel_loop3A_374 : vector<16xf32>
      %parallel_loop3A_376 = arith.subf %parallel_loop3A_274, %parallel_loop3A_346 : vector<16xf32>
      %parallel_loop3A_377 = arith.mulf %parallel_loop3A_375, %get3A_105 : vector<16xf32>
      %parallel_loop3A_378 = arith.mulf %parallel_loop3A_376, %parallel_loop3A_377 : vector<16xf32>
      %parallel_loop3A_379 = arith.addf %parallel_loop3A_378, %get3A_121 : vector<16xf32>
      %parallel_loop3A_380 = arith.index_cast %parallel_loop3A_267 : i32 to index
      %parallel_loop3A_381 = arith.constant 0 : index
      %parallel_loop3A_382 = tpu.vector_load %arg11[%parallel_loop3A_380, %parallel_loop3A_381] {strides = array<i32>} : memref<512x128xf32, #tpu.memory_space<vmem>>, vector<16xf32>,
      tpu.vector_store %arg11[%parallel_loop3A_380, %parallel_loop3A_381], %parallel_loop3A_379 {strides = array<i32>} : memref<512x128xf32, #tpu.memory_space<vmem>>, vector<16xf32>,
      %parallel_loop3A_383 = arith.subf %parallel_loop3A_280, %parallel_loop3A_346 : vector<16xf32>
      %parallel_loop3A_384 = arith.mulf %parallel_loop3A_375, %get3A_107 : vector<16xf32>
      %parallel_loop3A_385 = arith.mulf %parallel_loop3A_383, %parallel_loop3A_384 : vector<16xf32>
      %parallel_loop3A_386 = arith.addf %parallel_loop3A_385, %get3A_123 : vector<16xf32>
      %parallel_loop3A_387 = arith.index_cast %parallel_loop3A_267 : i32 to index
      %parallel_loop3A_388 = arith.constant 16 : index
      %parallel_loop3A_389 = tpu.vector_load %arg11[%parallel_loop3A_387, %parallel_loop3A_388] {strides = array<i32>} : memref<512x128xf32, #tpu.memory_space<vmem>>, vector<16xf32>,
      tpu.vector_store %arg11[%parallel_loop3A_387, %parallel_loop3A_388], %parallel_loop3A_386 {strides = array<i32>} : memref<512x128xf32, #tpu.memory_space<vmem>>, vector<16xf32>,
      %parallel_loop3A_390 = arith.subf %parallel_loop3A_288, %parallel_loop3A_346 : vector<16xf32>
      %parallel_loop3A_391 = arith.mulf %parallel_loop3A_375, %get3A_109 : vector<16xf32>
      %parallel_loop3A_392 = arith.mulf %parallel_loop3A_390, %parallel_loop3A_391 : vector<16xf32>
      %parallel_loop3A_393 = arith.addf %parallel_loop3A_392, %get3A_125 : vector<16xf32>
      %parallel_loop3A_394 = arith.index_cast %parallel_loop3A_267 : i32 to index
      %parallel_loop3A_395 = arith.constant 32 : index
      %parallel_loop3A_396 = tpu.vector_load %arg11[%parallel_loop3A_394, %parallel_loop3A_395] {strides = array<i32>} : memref<512x128xf32, #tpu.memory_space<vmem>>, vector<16xf32>,
      tpu.vector_store %arg11[%parallel_loop3A_394, %parallel_loop3A_395], %parallel_loop3A_393 {strides = array<i32>} : memref<512x128xf32, #tpu.memory_space<vmem>>, vector<16xf32>,
      %parallel_loop3A_397 = arith.subf %parallel_loop3A_296, %parallel_loop3A_346 : vector<16xf32>
      %parallel_loop3A_398 = arith.mulf %parallel_loop3A_375, %get3A_111 : vector<16xf32>
      %parallel_loop3A_399 = arith.mulf %parallel_loop3A_397, %parallel_loop3A_398 : vector<16xf32>
      %parallel_loop3A_400 = arith.addf %parallel_loop3A_399, %get3A_127 : vector<16xf32>
      %parallel_loop3A_401 = arith.index_cast %parallel_loop3A_267 : i32 to index
      %parallel_loop3A_402 = arith.constant 48 : index
      %parallel_loop3A_403 = tpu.vector_load %arg11[%parallel_loop3A_401, %parallel_loop3A_402] {strides = array<i32>} : memref<512x128xf32, #tpu.memory_space<vmem>>, vector<16xf32>,
      tpu.vector_store %arg11[%parallel_loop3A_401, %parallel_loop3A_402], %parallel_loop3A_400 {strides = array<i32>} : memref<512x128xf32, #tpu.memory_space<vmem>>, vector<16xf32>,
      %parallel_loop3A_404 = arith.subf %parallel_loop3A_304, %parallel_loop3A_346 : vector<16xf32>
      %parallel_loop3A_405 = arith.mulf %parallel_loop3A_375, %get3A_113 : vector<16xf32>
      %parallel_loop3A_406 = arith.mulf %parallel_loop3A_404, %parallel_loop3A_405 : vector<16xf32>
      %parallel_loop3A_407 = arith.addf %parallel_loop3A_406, %get3A_129 : vector<16xf32>
      %parallel_loop3A_408 = arith.index_cast %parallel_loop3A_267 : i32 to index
      %parallel_loop3A_409 = arith.constant 64 : index
      %parallel_loop3A_410 = tpu.vector_load %arg11[%parallel_loop3A_408, %parallel_loop3A_409] {strides = array<i32>} : memref<512x128xf32, #tpu.memory_space<vmem>>, vector<16xf32>,
      tpu.vector_store %arg11[%parallel_loop3A_408, %parallel_loop3A_409], %parallel_loop3A_407 {strides = array<i32>} : memref<512x128xf32, #tpu.memory_space<vmem>>, vector<16xf32>,
      %parallel_loop3A_411 = arith.subf %parallel_loop3A_312, %parallel_loop3A_346 : vector<16xf32>
      %parallel_loop3A_412 = arith.mulf %parallel_loop3A_375, %get3A_115 : vector<16xf32>
      %parallel_loop3A_413 = arith.mulf %parallel_loop3A_411, %parallel_loop3A_412 : vector<16xf32>
      %parallel_loop3A_414 = arith.addf %parallel_loop3A_413, %get3A_131 : vector<16xf32>
      %parallel_loop3A_415 = arith.index_cast %parallel_loop3A_267 : i32 to index
      %parallel_loop3A_416 = arith.constant 80 : index
      %parallel_loop3A_417 = tpu.vector_load %arg11[%parallel_loop3A_415, %parallel_loop3A_416] {strides = array<i32>} : memref<512x128xf32, #tpu.memory_space<vmem>>, vector<16xf32>,
      tpu.vector_store %arg11[%parallel_loop3A_415, %parallel_loop3A_416], %parallel_loop3A_414 {strides = array<i32>} : memref<512x128xf32, #tpu.memory_space<vmem>>, vector<16xf32>,
      %parallel_loop3A_418 = arith.subf %parallel_loop3A_320, %parallel_loop3A_346 : vector<16xf32>
      %parallel_loop3A_419 = arith.mulf %parallel_loop3A_375, %get3A_117 : vector<16xf32>
      %parallel_loop3A_420 = arith.mulf %parallel_loop3A_418, %parallel_loop3A_419 : vector<16xf32>
      %parallel_loop3A_421 = arith.addf %parallel_loop3A_420, %get3A_133 : vector<16xf32>
      %parallel_loop3A_422 = arith.index_cast %parallel_loop3A_267 : i32 to index
      %parallel_loop3A_423 = arith.constant 96 : index
      %parallel_loop3A_424 = tpu.vector_load %arg11[%parallel_loop3A_422, %parallel_loop3A_423] {strides = array<i32>} : memref<512x128xf32, #tpu.memory_space<vmem>>, vector<16xf32>,
      tpu.vector_store %arg11[%parallel_loop3A_422, %parallel_loop3A_423], %parallel_loop3A_421 {strides = array<i32>} : memref<512x128xf32, #tpu.memory_space<vmem>>, vector<16xf32>,
      %parallel_loop3A_425 = arith.subf %parallel_loop3A_328, %parallel_loop3A_346 : vector<16xf32>
      %parallel_loop3A_426 = arith.mulf %parallel_loop3A_375, %get3A_119 : vector<16xf32>
      %parallel_loop3A_427 = arith.mulf %parallel_loop3A_425, %parallel_loop3A_426 : vector<16xf32>
      %parallel_loop3A_428 = arith.addf %parallel_loop3A_427, %get3A_135 : vector<16xf32>
      %parallel_loop3A_429 = arith.index_cast %parallel_loop3A_267 : i32 to index
      %parallel_loop3A_430 = arith.constant 112 : index
      %parallel_loop3A_431 = tpu.vector_load %arg11[%parallel_loop3A_429, %parallel_loop3A_430] {strides = array<i32>} : memref<512x128xf32, #tpu.memory_space<vmem>>, vector<16xf32>,
      tpu.vector_store %arg11[%parallel_loop3A_429, %parallel_loop3A_430], %parallel_loop3A_428 {strides = array<i32>} : memref<512x128xf32, #tpu.memory_space<vmem>>, vector<16xf32>,
    } {sc.loop_unroll_factor = 2 : i64, sc.parallel_access}
    %add3A_215 = arith.constant 384 : i32
    %add3A_216 = arith.addi %mul3A_2, %add3A_215 : i32
    %dma_start3A_217 = arith.constant 384 : i32
    %dma_start3A_218 = arith.constant 0 : i32
    %dma_start3A_219 = tpu.memref_slice %arg11[%dma_start3A_217, %dma_start3A_218] : memref<512x128xf32, #tpu.memory_space<vmem>> -> memref<128x128xf32, #tpu.memory_space<vmem>>
    %dma_start3A_220 = arith.constant 0 : i32
    %dma_start3A_221 = tpu.memref_slice %arg8[%add3A_216, %dma_start3A_220] : memref<16384x128xf32, #tpu.memory_space<hbm>> -> memref<128x128xf32, #tpu.memory_space<hbm>>
    %dma_start3A_222 = arith.constant 0 : i32
    %dma_start3A_223 = tpu.memref_slice %arg8[%add3A_216, %dma_start3A_222] : memref<16384x128xf32, #tpu.memory_space<hbm>> -> memref<128x128xf32, #tpu.memory_space<hbm>>
    %dma_start3A_224 = arith.constant 384 : i32
    %dma_start3A_225 = arith.constant 0 : i32
    %dma_start3A_226 = tpu.memref_slice %arg11[%dma_start3A_224, %dma_start3A_225] : memref<512x128xf32, #tpu.memory_space<vmem>> -> memref<128x128xf32, #tpu.memory_space<vmem>>
    tpu.enqueue_dma source(%dma_start3A_226 : memref<128x128xf32, #tpu.memory_space<vmem>>) target(%dma_start3A_223 : memref<128x128xf32, #tpu.memory_space<hbm>>) target_semaphore(%arg20 : memref<!tpu.dma_semaphore, #tpu.memory_space<semaphore_mem>>)
    %dma_wait3A_227 = arith.constant 0 : i32
    %dma_wait3A_228 = arith.constant 0 : i32
    %dma_wait3A_229 = tpu.memref_slice %arg11[%dma_wait3A_227, %dma_wait3A_228] : memref<512x128xf32, #tpu.memory_space<vmem>> -> memref<128x128xf32, #tpu.memory_space<vmem>>
    %dma_wait3A_230 = arith.constant 0 : i32
    %dma_wait3A_231 = tpu.memref_slice %arg8[%add3A_147, %dma_wait3A_230] : memref<16384x128xf32, #tpu.memory_space<hbm>> -> memref<128x128xf32, #tpu.memory_space<hbm>>
    %dma_wait3A_232 = arith.constant 0 : i32
    %dma_wait3A_233 = tpu.memref_slice %arg8[%add3A_147, %dma_wait3A_232] : memref<16384x128xf32, #tpu.memory_space<hbm>> -> memref<128x128xf32, #tpu.memory_space<hbm>>
    %dma_wait3A_234 = arith.constant 0 : i32
    %dma_wait3A_235 = arith.constant 0 : i32
    %dma_wait3A_236 = tpu.memref_slice %arg11[%dma_wait3A_234, %dma_wait3A_235] : memref<512x128xf32, #tpu.memory_space<vmem>> -> memref<128x128xf32, #tpu.memory_space<vmem>>
    tpu.wait_dma2 semaphore(%arg20 : memref<!tpu.dma_semaphore, #tpu.memory_space<semaphore_mem>>) src(%dma_wait3A_236 : memref<128x128xf32, #tpu.memory_space<vmem>>) dst(%dma_wait3A_233 : memref<128x128xf32, #tpu.memory_space<hbm>>)
    %dma_wait3A_237 = arith.constant 128 : i32
    %dma_wait3A_238 = arith.constant 0 : i32
    %dma_wait3A_239 = tpu.memref_slice %arg11[%dma_wait3A_237, %dma_wait3A_238] : memref<512x128xf32, #tpu.memory_space<vmem>> -> memref<128x128xf32, #tpu.memory_space<vmem>>
    %dma_wait3A_240 = arith.constant 0 : i32
    %dma_wait3A_241 = tpu.memref_slice %arg8[%add3A_170, %dma_wait3A_240] : memref<16384x128xf32, #tpu.memory_space<hbm>> -> memref<128x128xf32, #tpu.memory_space<hbm>>
    %dma_wait3A_242 = arith.constant 0 : i32
    %dma_wait3A_243 = tpu.memref_slice %arg8[%add3A_170, %dma_wait3A_242] : memref<16384x128xf32, #tpu.memory_space<hbm>> -> memref<128x128xf32, #tpu.memory_space<hbm>>
    %dma_wait3A_244 = arith.constant 128 : i32
    %dma_wait3A_245 = arith.constant 0 : i32
    %dma_wait3A_246 = tpu.memref_slice %arg11[%dma_wait3A_244, %dma_wait3A_245] : memref<512x128xf32, #tpu.memory_space<vmem>> -> memref<128x128xf32, #tpu.memory_space<vmem>>
    tpu.wait_dma2 semaphore(%arg20 : memref<!tpu.dma_semaphore, #tpu.memory_space<semaphore_mem>>) src(%dma_wait3A_246 : memref<128x128xf32, #tpu.memory_space<vmem>>) dst(%dma_wait3A_243 : memref<128x128xf32, #tpu.memory_space<hbm>>)
    %dma_wait3A_247 = arith.constant 256 : i32
    %dma_wait3A_248 = arith.constant 0 : i32
    %dma_wait3A_249 = tpu.memref_slice %arg11[%dma_wait3A_247, %dma_wait3A_248] : memref<512x128xf32, #tpu.memory_space<vmem>> -> memref<128x128xf32, #tpu.memory_space<vmem>>
    %dma_wait3A_250 = arith.constant 0 : i32
    %dma_wait3A_251 = tpu.memref_slice %arg8[%add3A_193, %dma_wait3A_250] : memref<16384x128xf32, #tpu.memory_space<hbm>> -> memref<128x128xf32, #tpu.memory_space<hbm>>
    %dma_wait3A_252 = arith.constant 0 : i32
    %dma_wait3A_253 = tpu.memref_slice %arg8[%add3A_193, %dma_wait3A_252] : memref<16384x128xf32, #tpu.memory_space<hbm>> -> memref<128x128xf32, #tpu.memory_space<hbm>>
    %dma_wait3A_254 = arith.constant 256 : i32
    %dma_wait3A_255 = arith.constant 0 : i32
    %dma_wait3A_256 = tpu.memref_slice %arg11[%dma_wait3A_254, %dma_wait3A_255] : memref<512x128xf32, #tpu.memory_space<vmem>> -> memref<128x128xf32, #tpu.memory_space<vmem>>
    tpu.wait_dma2 semaphore(%arg20 : memref<!tpu.dma_semaphore, #tpu.memory_space<semaphore_mem>>) src(%dma_wait3A_256 : memref<128x128xf32, #tpu.memory_space<vmem>>) dst(%dma_wait3A_253 : memref<128x128xf32, #tpu.memory_space<hbm>>)
    %dma_wait3A_257 = arith.constant 384 : i32
    %dma_wait3A_258 = arith.constant 0 : i32
    %dma_wait3A_259 = tpu.memref_slice %arg11[%dma_wait3A_257, %dma_wait3A_258] : memref<512x128xf32, #tpu.memory_space<vmem>> -> memref<128x128xf32, #tpu.memory_space<vmem>>
    %dma_wait3A_260 = arith.constant 0 : i32
    %dma_wait3A_261 = tpu.memref_slice %arg8[%add3A_216, %dma_wait3A_260] : memref<16384x128xf32, #tpu.memory_space<hbm>> -> memref<128x128xf32, #tpu.memory_space<hbm>>
    %dma_wait3A_262 = arith.constant 0 : i32
    %dma_wait3A_263 = tpu.memref_slice %arg8[%add3A_216, %dma_wait3A_262] : memref<16384x128xf32, #tpu.memory_space<hbm>> -> memref<128x128xf32, #tpu.memory_space<hbm>>
    %dma_wait3A_264 = arith.constant 384 : i32
    %dma_wait3A_265 = arith.constant 0 : i32
    %dma_wait3A_266 = tpu.memref_slice %arg11[%dma_wait3A_264, %dma_wait3A_265] : memref<512x128xf32, #tpu.memory_space<vmem>> -> memref<128x128xf32, #tpu.memory_space<vmem>>
    tpu.wait_dma2 semaphore(%arg20 : memref<!tpu.dma_semaphore, #tpu.memory_space<semaphore_mem>>) src(%dma_wait3A_266 : memref<128x128xf32, #tpu.memory_space<vmem>>) dst(%dma_wait3A_263 : memref<128x128xf32, #tpu.memory_space<hbm>>)
    return
  }
}

</mosaic_0001>

<sc_bundles>
// kernel: _emb_ln.3.cloned.1.call-start
scs
__scs_entry_jumppad:
0x0: {  	(pc) =	sbr.rel $0x88, $3  }
0x1: {  	(tag) =	ssettag $0x0;
	lr =	simm.s32 $0x1  }
0x2: {  	[smem:$0x3F9B] =	sst lr;
	_ =	strace $0xD0000000  }
0x3: {  	_ = 	snop  }
0x4: {  	_ = 	snop  }
0x5: {  	_ = 	snop  }
0x6: {  	_ = 	snop  }
0x7: {  	_ = 	snop  }
__scs_overlays_trampoline_lowered:
0x8: {  	[smem:$0x3FAA] =	sst s0  }
0x9: {  	[smem:$0x3FAB] =	sst s1  }
0xa: {  	[smem:$0x3FAC] =	sst s2  }
0xb: {  	[smem:$0x3FAD] =	sst s3  }
0xc: {  	[smem:$0x3FAE] =	sst s4  }
0xd: {  	[smem:$0x3FAF] =	sst s5  }
0xe: {  	[smem:$0x3FB0] =	sst s6  }
0xf: {  	[smem:$0x3FB1] =	sst s7  }
0x10: {  	[smem:$0x3FB2] =	sst s8  }
0x11: {  	[smem:$0x3FB3] =	sst s9;
	s0 =	simm.s32 @!p0 $0x0  }
0x12: {  	s1 =	sld [smem:$0x3F99];
	s0 =	simm.s32 @p0 $0x1  }
0x13: {  	[smem:$0x3FB4] =	sst s0;
	s0 =	simm.s32 @!p1 $0x0  }
0x14: {  	s2 =	sld [smem:$0x3F98];
	s0 =	simm.s32 @p1 $0x1  }
0x15: {  	[smem:$0x3FB5] =	sst s0;
	s0 =	simm.s32 @!p2 $0x0  }
0x16: {  	s3 =	sld [smem:$0x3FDB];
	s0 =	simm.s32 @p2 $0x1  }
0x17: {  	s4 =	simm.s32 $0x1BF5;
	[smem:$0x3FB7] =	sst s0  }
0x18: {  	s0 =	sld [smem:$0x3F9A];
	_ =	swait.ge [sflag:s4], $0x0  }
0x19: {  	s7 =	sld [smem:$0x3F9B]  }
0x1a: {  	s8 =	sadd.s32 $0xFFFFE003, lr  }
0x1b: {  	s9 =	sadd.s32 $0xFFFFFEF7, lr;
	s5 =	simm.s32 $0xFFFFFFFF;
	p2 =	slt.u32 s8, $0xFFFFF086  }
0x1c: {  	p1 =	slt.u32 s9, $0xF7A;
	s5 =	simm.s32 @!p2 $0x0  }
0x1d: {  	s5 =	simm.s32 @p1 $0x1;
	p0 =	seq.s32 s7, s2  }
0x1e: {  	s7 =	smul.u32 @!p0 $0xF7A, s2;
	p2 =	seq.s32 @!p0 s5, $0x0  }
0x1f: {  	s9 =	smul.u32 $0xF7A, s1;
	s8 =	simm.s32 @!p0 $0x1BF5;
	p2 =	por !p2, p0  }
0x20: {  	[sflag:s8] =	ssyncset.s32 @!p0 $0xFFFFF086;
	s6 =	sadd.s32 @!p0 s3, s7;
	s7 =	simm.s32 @!p0 $0x108  }
0x21: {  	s3 =	sadd.s32 s3, s9;
	s6 =	sadd.s32 @!p0 $0x88, s6;
	s7 =	simm.s32 @p2 $0x1082  }
0x22: {  	[simem:s7], [sflag:s8] =	dma.local @!p0 [hbm:s6], $0xF7A  }
0x23: {  	s9 =	sor.u32 $0xD0000000, s2;
	s6 =	simm.s32 $0x108;
	_ =	swait.ge @!p0 [sflag:s8], $0x0  }
0x24: {  	s3 =	sadd.s32 $0x88, s3;
	s6 =	simm.s32 @!p1 $0x1082;
	[sflag:s4] =	ssyncset.s32 $0xFFFFF086  }
0x25: {  	[simem:s6], [sflag:s4] =	dma.local [hbm:s3], $0xF7A  }
0x26: {  	[smem:$0x3F9B] =	sst s1;
	(tag) =	ssettag s2;
	_ =	strace s9  }
0x27: {  	s1 =	sld [smem:$0x3FAB]  }
0x28: {  	s2 =	sld [smem:$0x3FAC]  }
0x29: {  	s4 =	sld [smem:$0x3FAE]  }
0x2a: {  	p0 =	seq.s32 s5, $0x0;
	s5 =	sld [smem:$0x3FAF]  }
0x2b: {  	s6 =	sld [smem:$0x3FB0]  }
0x2c: {  	s7 =	sld [smem:$0x3FB1]  }
0x2d: {  	s3 =	simm.s32 $0x108;
	s8 =	sld [smem:$0x3FB2]  }
0x2e: {  	s3 =	simm.s32 @!p0 $0x1082;
	s9 =	sld [smem:$0x3FB3]  }
0x2f: {  	lr =	sadd.s32 s0, s3;
	s0 =	sld [smem:$0x3FAA]  }
0x30: {  	s3 =	sld [smem:$0x3FAD]  }
0x31: {  	[smem:$0x3FB6] =	sst s10  }
0x32: {  	s10 =	sld [smem:$0x3FB4];
	_ =	sdelay $0x3  }
0x33: {  	p0 =	seq.s32 s10, $0x1;
	s10 =	sld [smem:$0x3FB6];
	_ =	sdelay $0x3  }
0x34: {  	[smem:$0x3FB6] =	sst s10  }
0x35: {  	s10 =	sld [smem:$0x3FB5];
	_ =	sdelay $0x3  }
0x36: {  	p1 =	seq.s32 s10, $0x1;
	s10 =	sld [smem:$0x3FB6];
	_ =	sdelay $0x3  }
0x37: {  	[smem:$0x3FB6] =	sst s10  }
0x38: {  	s10 =	sld [smem:$0x3FB7]  }
0x39: {  	_ = 	snop;
	(pc) =	sbr.ind lr, $3  }
0x3a: {  	_ = 	snop  }
0x3b: {  	_ = 	snop  }
0x3c: {  	p2 =	seq.s32 s10, $0x1;
	s10 =	sld [smem:$0x3FB6]  }
0x3d: {  	_ =	shalt  }
0x3e: {  	_ =	shalt  }
0x3f: {  	_ =	shalt  }
0x40: {  	_ =	shalt  }
0x41: {  	_ =	shalt  }
0x42: {  	_ =	shalt  }
0x43: {  	_ =	shalt  }
0x44: {  	_ =	shalt  }
0x45: {  	_ =	shalt  }
0x46: {  	_ =	shalt  }
0x47: {  	_ =	shalt  }
0x48: {  	_ =	shalt  }
0x49: {  	_ =	shalt  }
0x4a: {  	_ =	shalt  }
0x4b: {  	_ =	shalt  }
0x4c: {  	_ =	shalt  }
0x4d: {  	_ =	shalt  }
0x4e: {  	_ =	shalt  }
0x4f: {  	_ =	shalt  }
0x50: {  	_ =	shalt  }
0x51: {  	_ =	shalt  }
0x52: {  	_ =	shalt  }
0x53: {  	_ =	shalt  }
0x54: {  	_ =	shalt  }
0x55: {  	_ =	shalt  }
0x56: {  	_ =	shalt  }
0x57: {  	_ =	shalt  }
0x58: {  	_ =	shalt  }
0x59: {  	_ =	shalt  }
0x5a: {  	_ =	shalt  }
0x5b: {  	_ =	shalt  }
0x5c: {  	_ =	shalt  }
0x5d: {  	_ =	shalt  }
0x5e: {  	_ =	shalt  }
0x5f: {  	_ =	shalt  }
0x60: {  	_ =	shalt  }
0x61: {  	_ =	shalt  }
0x62: {  	_ =	shalt  }
0x63: {  	_ =	shalt  }
0x64: {  	_ =	shalt  }
0x65: {  	_ =	shalt  }
0x66: {  	_ =	shalt  }
0x67: {  	_ =	shalt  }
0x68: {  	_ =	shalt  }
0x69: {  	_ =	shalt  }
0x6a: {  	_ =	shalt  }
0x6b: {  	_ =	shalt  }
0x6c: {  	_ =	shalt  }
0x6d: {  	_ =	shalt  }
0x6e: {  	_ =	shalt  }
0x6f: {  	_ =	shalt  }
0x70: {  	_ =	shalt  }
0x71: {  	_ =	shalt  }
0x72: {  	_ =	shalt  }
0x73: {  	_ =	shalt  }
0x74: {  	_ =	shalt  }
0x75: {  	_ =	shalt  }
0x76: {  	_ =	shalt  }
0x77: {  	_ =	shalt  }
0x78: {  	_ =	shalt  }
0x79: {  	_ =	shalt  }
0x7a: {  	_ =	shalt  }
0x7b: {  	_ =	shalt  }
0x7c: {  	_ =	shalt  }
0x7d: {  	_ =	shalt  }
0x7e: {  	_ =	shalt  }
0x7f: {  	_ =	shalt  }
0x80: {  	_ =	shalt  }
0x81: {  	_ =	shalt  }
0x82: {  	_ =	shalt  }
0x83: {  	_ =	shalt  }
0x84: {  	_ =	shalt  }
0x85: {  	_ =	shalt  }
0x86: {  	_ =	shalt  }
0x87: {  	_ =	shalt  }
.Lfunc_end0:
.L_simem_size_0:
called_computation_lowered:
.L_overlay_start_0:
0x88: {  	s2 =	sld [smem:$0x3FD9]  }
0x89: {  	s3 =	sld [smem:$0x3FFE];
	_ =	sdelay $0x1  }
0x8a: {  	s1 =	srdreg.scid  }
0x8b: {  	s0 =	sand.u32 $0x1, s1  }
0x8c: {  	s18 =	sshll.u32 s0, $0xA;
	s2 =	sadd.s32 s3, s2  }
0x8d: {  	s2 =	sadd.s32 s2, s18  }
0x8e: {  	[smem:$0x3FC2] =	sst s2  }
0x8f: {  	_ = 	snop  }
0x90: {  	s2 =	sld [smem:$0x3FC9]  }
0x91: {  	s19 =	sld [smem:$0x3FC8]  }
0x92: {  	s4 =	sld [smem:$0x3FC7]  }
0x93: {  	s5 =	sld [smem:$0x3FC6]  }
0x94: {  	s6 =	sld [smem:$0x3FC5]  }
0x95: {  	s7 =	sld [smem:$0x3FC4]  }
0x96: {  	s8 =	sld [smem:$0x3FD0];
	(tm) =	ssettm $0x1  }
0x97: {  	s9 =	sld [smem:$0x3FFB];
	_ =	sdelay $0x3  }
0x98: {  	_ =	strace s9  }
0x99: {  	s9 =	sld [smem:$0x3FFC];
	_ =	sdelay $0x3  }
0x9a: {  	_ =	strace s9  }
0x9b: {  	s9 =	sld [smem:$0x3FFD];
	_ =	sdelay $0x3  }
0x9c: {  	_ =	strace s9  }
0x9d: {  	_ =	strace $0x8FFFFFFF  }
0x9e: {  	s20 =	sld [smem:$0x3FDB];
	_ =	sdelay $0x1  }
0x9f: {  	s10 =	simm.s32 $_scs_section_size  }
0xa0: {  	s11 =	simm.s32 $_size__tile_overlayer_lowered;
	s12 =	simm.s32 $_tile_overlayer_lowered  }
0xa1: {  	s23 =	simm.s32 $0x1BFF;
	s22 =	sshll.u32 s12, $0x1;
	s9 =	sadd.s32 s10, s20  }
0xa2: {  	s13 =	simm.s32 $0x0;
	s21 =	sshll.u32 s11, $0x1;
	s11 =	sadd.s32 s22, s9  }
0xa3: {  	[timem:s13], [sflag:s23] =	dma.local [hbm:s11], s21  }
0xa4: {  	_ =	swait.ge [sflag:s23], s21  }
0xa5: {  	s10 =	ssub.s32 $0x0, s21;
	[sflag:s23] =	ssyncset.done $0x0  }
0xa6: {  	[sflag:s23] =	ssyncadd.s32 s10;
	_ =	sdelay $0x1  }
0xa7: {  	s24 =	simm.s32 $0x1B8B  }
0xa8: {  	_ =	swait.ge [sflag:s24], $0x1  }
0xa9: {  	[sflag:s24] =	ssyncset.done $0x0  }
0xaa: {  	s25 =	simm.s32 $0x1B8E;
	[sflag:s24] =	ssyncadd.s32 $0xFFFFFFFF  }
0xab: {  	s26 =	simm.s32 $execute0_lowered;
	[smem:$0x3FD2] =	sst s25  }
0xac: {  	s10 =	sshll.u32 s26, $0x1;
	_ =	strace $0x80000046;
	[dreg:$0x1] =	wrdreg $0xFFFFFFFF  }
0xad: {  	s28 =	simm.s32 $_size_execute0_lowered;
	s9 =	sadd.s32 s9, s10;
	[dreg:$0x0] =	wrdreg $0x0  }
0xae: {  	s10 =	sshll.u32 s28, $0x1;
	[dreg:$0x2] =	wrdreg s9  }
0xaf: {  	[dreg:$0x3] =	wrdreg s10  }
0xb0: {  	[dreg:$0x4] =	wrdreg $0xC0  }
0xb1: {  	_ =	task [dreg:s13], $0x5FFFF  }
0xb2: {  	[dreg:$0x1] =	wrdreg $0xFFFFFFFF  }
0xb3: {  	[dreg:$0x0] =	wrdreg $0x60  }
0xb4: {  	[dreg:$0x2] =	wrdreg s2  }
0xb5: {  	[dreg:$0x3] =	wrdreg s19  }
0xb6: {  	[dreg:$0x4] =	wrdreg s4  }
0xb7: {  	[dreg:$0x5] =	wrdreg s5  }
0xb8: {  	[dreg:$0x6] =	wrdreg s6  }
0xb9: {  	[dreg:$0x7] =	wrdreg s7  }
0xba: {  	[dreg:$0x8] =	wrdreg s8  }
0xbb: {  	[dreg:$0x9] =	wrdreg $0x9  }
0xbc: {  	_ =	task.clear_ibuf [dreg:s13], $0xAFFFF;
	_ =	strace $0x90000046  }
0xbd: {  	s29 =	simm.s32 $0x9;
	_ =	strace $0x80000048  }
0xbe: {  	_ =	swait.ge [sflag:s29], $0x1  }
0xbf: {  	[sflag:s29] =	ssyncadd.s32 $0xFFFFFFFF  }
0xc0: {  	_ =	strace $0x90000048  }
0xc1: {  	_ =	sfence  }
0xc2: {  	s30 =	sld [smem:$0x0];
	_ =	sdelay $0x2  }
0xc3: {  	s31 =	sshll.u32 s1, $0xD;
	s1 =	sshrl.u32 s1, $0x2  }
0xc4: {  	s3 =	sand.u32 $0x4000, s31;
	s1 =	sadd.s32 s1, s30  }
0xc5: {  	s0 =	sor.u32 s3, s0;
	s1 =	sshll.u32 s1, $0x11  }
0xc6: {  	s0 =	sor.u32 s1, s0  }
0xc7: {  	s0 =	sadd.s32 $0x8F2B, s0  }
0xc8: {  	[sflag:s0] =	ssyncadd.remote.s32 $0x1  }
0xc9: {  	_ =	sfence.sel $0xFFFF  }
0xca: {  	[dreg:$0x0] =	wrdreg $0xFFFFFFFF;
	(pc) =	sbr.abs _section_cstart, $3  }
0xcb: {  	[dreg:$0x1] =	wrdreg $0xFFFFFFFF  }
0xcc: {  	_ =	task.clear_ibuf [dreg:s13], $0x2FFFF;
	_ =	strace $0x9FFFFFFF  }
0xcd: {  	(tm) =	ssettm $0x7FFFFFFF  }
tec
execute0_lowered:
.L_overlay_start_1:
0x0: {  	(tag) =	ssettag $0x1  }
0x1: {  	s0 =	rddreg [dreg:$0x0]  }
0x2: {  	s2 =	rddreg [dreg:$0x1]  }
0x3: {  	s1 =	rddreg [dreg:$0x2]  }
0x4: {  	s3 =	rddreg [dreg:$0x6];
	s6 =	simm.s32 $0x0  }
0x5: {  	s4 =	srdreg.scid;
	s8 =	stileid.u32;
	s14 =	simm.s32 $0x80  }
0x6: {  	s15 =	simm.s32 $0x200;
	s16 =	simm.s32 $0x10400;
	s19 =	simm.s32 $0x5  }
0x7: {  	s20 =	simm.s32 $0x400;
	s21 =	simm.s32 $0x4400;
	s23 =	simm.s32 $0x8400  }
0x8: {  	s25 =	simm.s32 $0xC400;
	s28 =	simm.s32 $0x2;
	s29 =	simm.s32 $0x3  }
0x9: {  	s30 =	simm.s32 $0x4;
	s4 =	sand.u32 $0x1, s4;
	s5 =	sshll.u32 s8, $0x1  }
0xa: {  	s31 =	simm.s32 $0x6;
	[smem:$0x7FF] =	sst s6;
	s5 =	sor.u32 s4, s5  }
0xb: {  	s8 =	sshll.u32 s8, $0x2;
	s4 =	ssub.s32 $0x2, s4;
	s7 =	sshll.u32 s5, $0x8  }
0xc: {  	_ =	strace $0x80000047;
	s9 =	sshrl.u32 s4, $0x1;
	s7 =	sor.u32 s8, s7  }
0xd: {  	v0 =	vlaneseq.u32;
	s5 =	sshll.u32 s5, $0xD;
	s4 =	ssub.s32 s4, s9;
	s26 =	sand.u32 $0x730, s7  }
0xe: {  	v7 =	vor.u32 $0x10, v0;
	s7 =	sadd.s32 s3, s5;
	s13 =	smax.u32 s4, $0x1;
	s8 =	sadd.s32 s0, s26  }
0xf: {  	v8 =	vor.u32 $0x20, v0;
	v9 =	vor.u32 $0x30, v0;
	v10 =	vor.u32 $0x40, v0;
	s9 =	sadd.s32 s2, s26;
	s10 =	sadd.s32 $0x800, s7;
	s11 =	sadd.s32 $0x1000, s7  }
0x10: {  	v11 =	vor.u32 $0x50, v0;
	v12 =	vor.u32 $0x60, v0;
	v13 =	vor.u32 $0x70, v0;
	s12 =	sadd.s32 $0x1800, s7;
	s26 =	simm.s32 $0x1;
	s0 =	simm.s32 $0x0  }
.LBB2_1:
0x11: {  	[tilespmem:s6], [sflag:$0x5] =	stream.strided.gather [hbm4b:s8+s14], $0x200, s15, s14, $0x38;
	[tilespmem:$0x10600] =	vst v63  }
0x12: {  	_ = 	snop  }
0x13: {  	[tilespmem:s15], [sflag:$0x5] =	stream.strided.gather [hbm4b:s9+s14], $0x200, s15, s14, $0x38;
	[tilespmem:$0x10600] =	vst v63  }
0x14: {  	s2 =	rddreg [dreg:$0x3]  }
0x15: {  	[tilespmem:s16], [sflag:$0x5] =	stream.linear.gather [hbm4b:s2+s6], $0x100, $0x38;
	[tilespmem:$0x10600] =	vst v63  }
0x16: {  	s4 =	rddreg [dreg:$0x4];
	s3 =	simm.s32 $0x10500  }
0x17: {  	[tilespmem:s3], [sflag:$0x5] =	stream.linear.gather [hbm4b:s4+s6], $0x80, $0x38;
	[tilespmem:$0x10600] =	vst v63  }
0x18: {  	s5 =	rddreg [dreg:$0x5];
	s17 =	simm.s32 $0x10580  }
0x19: {  	[tilespmem:s17], [sflag:$0x5] =	stream.linear.gather [hbm4b:s5+s6], $0x80, $0x38;
	[tilespmem:$0x10600] =	vst v63  }
0x1a: {  	_ =	swait.ge [sflag:s19], $0x200  }
0x1b: {  	[sflag:s19] =	ssyncset.done $0x0  }
0x1c: {  	[sflag:s19] =	ssyncadd.s32 $0xFFFFFE00  }
0x1d: {  	[tilespmem:s20], [sflag:$0x1] =	stream.indirect.gather [hbm4b:s1+s14], $0x80, s6, s14, $0xb8;
	[tilespmem:$0x10600] =	vst v63  }
0x1e: {  	_ = 	snop  }
0x1f: {  	[tilespmem:s21], [sflag:$0x2] =	stream.indirect.gather [hbm4b:s1+s14], $0x80, s14, s14, $0xb8;
	[tilespmem:$0x10600] =	vst v63  }
0x20: {  	s18 =	simm.s32 $0x100  }
0x21: {  	[tilespmem:s23], [sflag:$0x3] =	stream.indirect.gather [hbm4b:s1+s14], $0x80, s18, s14, $0xb8;
	[tilespmem:$0x10600] =	vst v63  }
0x22: {  	s22 =	simm.s32 $0x180  }
0x23: {  	[tilespmem:s25], [sflag:$0x4] =	stream.indirect.gather [hbm4b:s1+s14], $0x80, s22, s14, $0xb8;
	[tilespmem:$0x10600] =	vst v63  }
0x24: {  	_ =	swait.ge [sflag:s19], $0x200  }
0x25: {  	[sflag:s19] =	ssyncset.done $0x0  }
0x26: {  	[sflag:s19] =	ssyncadd.s32 $0xFFFFFE00  }
0x27: {  	_ =	swait.ge [sflag:s19], $0x100  }
0x28: {  	[sflag:s19] =	ssyncset.done $0x0  }
0x29: {  	[sflag:s19] =	ssyncadd.s32 $0xFFFFFF00  }
0x2a: {  	_ =	swait.ge [sflag:s19], $0x80  }
0x2b: {  	[sflag:s19] =	ssyncset.done $0x0  }
0x2c: {  	[sflag:s19] =	ssyncadd.s32 $0xFFFFFF80  }
0x2d: {  	_ =	swait.ge [sflag:s19], $0x80  }
0x2e: {  	[sflag:s19] =	ssyncset.done $0x0  }
0x2f: {  	[sflag:s19] =	ssyncadd.s32 $0xFFFFFF80  }
0x30: {  	v0 =	vld [tilespmem:$0x10510];
	_ =	sdelay $0x4  }
0x31: {  	[tilespmem:$0x1FF70] =	vst v0;
	v0 =	vld [tilespmem:$0x10540];
	_ =	sdelay $0x4  }
0x32: {  	[tilespmem:$0x1FF80] =	vst v0;
	v0 =	vld [tilespmem:$0x10590];
	_ =	sdelay $0x4  }
0x33: {  	[tilespmem:$0x1FF90] =	vst v0;
	v0 =	vld [tilespmem:$0x105A0];
	_ =	sdelay $0x4  }
0x34: {  	[tilespmem:$0x1FFA0] =	vst v0;
	v0 =	vld [tilespmem:$0x105B0];
	_ =	sdelay $0x4  }
0x35: {  	[tilespmem:$0x1FFB0] =	vst v0;
	v0 =	vld [tilespmem:$0x105C0];
	_ =	sdelay $0x2  }
0x36: {  	v22 =	vld [tilespmem:$0x10500]  }
0x37: {  	v21 =	vld [tilespmem:$0x10520]  }
0x38: {  	[tilespmem:$0x1FFC0] =	vst v0;
	v0 =	vld [tilespmem:$0x105D0]  }
0x39: {  	v20 =	vld [tilespmem:$0x10530]  }
0x3a: {  	v17 =	vld [tilespmem:$0x10550]  }
0x3b: {  	v2 =	vld [tilespmem:$0x10560]  }
0x3c: {  	s24 =	simm.s32 $0x1;
	v23 =	vld [tilespmem:$0x10570]  }
0x3d: {  	v18 =	vld [tilespmem:$0x10580];
	[tilespmem:$0x1FFD0] =	vst v0;
	v0 =	vmov s24  }
0x3e: {  	v1 =	vld [tilespmem:$0x105E0]  }
0x3f: {  	v19 =	vld [tilespmem:$0x105F0];
	_ =	swait.ge [sflag:s26], $0x4000  }
0x40: {  	[sflag:s26] =	ssyncset.done $0x0  }
0x41: {  	[sflag:s26] =	ssyncadd.s32 $0xFFFFC000  }
0x42: {  	v0 =	vld.idx.msk [tilespmem:v0+s15+$0x0], $0xffff;
	_ =	sdelay $0x4  }
0x43: {  	v0 =	vshll.u32 v0, $0x7  }
0x44: {  	v3 =	vlaneseq.u32;
	v24 =	vor.u32 v7, v0  }
0x45: {  	s5 =	simm.s32 $0x480;
	v25 =	vor.u32 v3, v0  }
0x46: {  	v28 =	vld [tilespmem:s5+$0x60]  }
0x47: {  	v29 =	vld [tilespmem:s5+$0x0];
	v26 =	vor.u32 v8, v0  }
0x48: {  	v30 =	vld [tilespmem:s5+$0x10]  }
0x49: {  	v27 =	vor.u32 v9, v0;
	v24 =	vld.idx.msk [tilespmem:v24+s16+$0x0], $0xffff  }
0x4a: {  	v25 =	vld.idx.msk [tilespmem:v25+s16+$0x0], $0xffff  }
0x4b: {  	v32 =	vmov s6;
	v33 =	vld [tilespmem:s5+$0x20];
	v31 =	vor.u32 v10, v0  }
0x4c: {  	v32 =	vand.u32 $0xFFFFFFFE, v32;
	v26 =	vld.idx.msk [tilespmem:v26+s16+$0x0], $0xffff  }
0x4d: {  	v32 =	vbroadcast v32, $0x0;
	v37 =	vld [tilespmem:s5+$0x30];
	v34 =	vor.u32 v11, v0  }
0x4e: {  	v35 =	vld.idx.msk [tilespmem:v27+s16+$0x0], $0xffff  }
0x4f: {  	v38 =	vld [tilespmem:s5+$0x40];
	v36 =	vor.u32 v12, v0;
	v27 =	vadd.f32 v24, v30;
	v25 =	vadd.f32 v25, v29  }
0x50: {  	v24 =	vld.idx.msk [tilespmem:v31+s16+$0x0], $0xffff  }
0x51: {  	v39 =	vld [tilespmem:s5+$0x50];
	v0 =	vor.u32 v13, v0;
	v54 =	vadd.f32 v26, v33;
	v26 =	vadd.f32 v27, v25  }
0x52: {  	v52 =	vld.idx.msk [tilespmem:v34+s16+$0x0], $0xffff;
	v30 =	vmul.f32 v27, v27;
	v53 =	vmul.f32 v25, v25  }
0x53: {  	v55 =	vld.idx.msk [tilespmem:v32+s15+$0x0], $0xffff;
	v29 =	vadd.f32 v35, v37;
	v26 =	vadd.f32 v54, v26  }
0x54: {  	v36 =	vld.idx.msk [tilespmem:v36+s16+$0x0], $0xffff;
	v56 =	vmul.f32 v54, v54;
	v34 =	vadd.f32 v30, v53  }
0x55: {  	v57 =	vld [tilespmem:s5+$0x70];
	v30 =	vadd.f32 v24, v38;
	v24 =	vadd.f32 v29, v26  }
0x56: {  	v0 =	vld.idx.msk [tilespmem:v0+s16+$0x0], $0xffff;
	v26 =	vmul.f32 v29, v29;
	v34 =	vadd.f32 v56, v34  }
0x57: {  	v32 =	vadd.f32 v52, v39;
	v24 =	vadd.f32 v30, v24  }
0x58: {  	v58 =	vmul.f32 v30, v30;
	v26 =	vadd.f32 v26, v34  }
0x59: {  	v28 =	vadd.f32 v36, v28;
	v24 =	vadd.f32 v32, v24  }
0x5a: {  	v35 =	vshll.u32 v55, $0x7;
	v59 =	vmul.f32 v32, v32;
	v26 =	vadd.f32 v58, v26  }
0x5b: {  	v34 =	vadd.f32 v0, v57;
	v0 =	vor.u32 v7, v35;
	v24 =	vadd.f32 v28, v24  }
0x5c: {  	v60 =	vor.u32 v3, v35;
	v61 =	vmul.f32 v28, v28;
	v26 =	vadd.f32 v59, v26  }
0x5d: {  	v63 =	vld [tilespmem:s5+$0xFFFFFF90];
	v62 =	vor.u32 v8, v35;
	v24 =	vadd.f32 v34, v24  }
0x5e: {  	v40 =	vld [tilespmem:s5+$0xFFFFFF80];
	v47 =	vmul.f32 v34, v34;
	v26 =	vadd.f32 v61, v26  }
0x5f: {  	v42 =	vld [tilespmem:s5+$0xFFFFFFB0];
	v48 =	vor.u32 v9, v35;
	(xrf2) =	vadd.scan.msk.f32 $0xffff, v24  }
0x60: {  	v0 =	vld.idx.msk [tilespmem:v0+s16+$0x0], $0xffff;
	v26 =	vadd.f32 v47, v26  }
0x61: {  	v49 =	vor.u32 v10, v35;
	v24 =	vld.idx.msk [tilespmem:v60+s16+$0x0], $0xffff  }
0x62: {  	v36 =	vld.idx.msk [tilespmem:v62+s16+$0x0], $0xffff;
	(xrf2) =	vadd.scan.msk.f32 $0xffff, v26  }
0x63: {  	v26 =	vld [tilespmem:s5+$0xFFFFFFA0]  }
0x64: {  	v50 =	vor.u32 v11, v35;
	v41 =	vld.idx.msk [tilespmem:v48+s16+$0x0], $0xffff  }
0x65: {  	v43 =	vor.u32 v12, v35  }
0x66: {  	v44 =	vld.idx.msk [tilespmem:v49+s16+$0x0], $0xffff;
	v56 =	vadd.f32 v0, v63;
	v37 =	vadd.f32 v24, v40  }
0x67: {  	v35 =	vor.u32 v13, v35;
	v0 =	vld [tilespmem:s5+$0xFFFFFFC0]  }
0x68: {  	v51 =	vld [tilespmem:s5+$0xFFFFFFD0];
	v24 =	vmul.f32 v37, v37;
	v38 =	vadd.f32 v36, v26;
	v26 =	vmul.f32 v56, v56  }
0x69: {  	v39 =	vld.idx.msk [tilespmem:v50+s16+$0x0], $0xffff;
	v4 =	vadd.f32 v41, v42;
	v52, _, _ =	vpop (xrf2)  }
0x6a: {  	v55 =	vld.idx.msk [tilespmem:v43+s16+$0x0], $0xffff;
	v53 =	vmul.f32 v38, v38;
	v26 =	vadd.f32 v26, v24;
	(v2sf) =	vpush v52, $0xF  }
0x6b: {  	v58 =	vld [tilespmem:s5+$0xFFFFFFE0];
	v57 =	vadd.f32 v56, v37  }
0x6c: {  	v59 =	vmul.f32 v4, v4;
	v45 =	vld.idx.msk [tilespmem:v35+s16+$0x0], $0xffff;
	v24 =	vadd.f32 v44, v0;
	v26 =	vadd.f32 v53, v26;
	v0, _, _ =	vpop (xrf2)  }
0x6d: {  	v60 =	vld [tilespmem:s5+$0xFFFFFFF0];
	(v2sf) =	vpush v0, $0xF;
	v0 =	vadd.f32 v38, v57  }
0x6e: {  	s3 =	simm.s32 $0x3;
	v5 =	vadd.f32 v39, v51;
	v61 =	vmul.f32 v24, v24;
	v26 =	vadd.f32 v59, v26  }
0x6f: {  	v63 =	vmov s3;
	v0 =	vadd.f32 v4, v0  }
0x70: {  	v62 =	vmul.f32 v5, v5;
	v59 =	vadd.f32 v55, v58;
	v26 =	vadd.f32 v61, v26  }
0x71: {  	v0 =	vadd.f32 v24, v0  }
0x72: {  	v39 =	vadd.f32 v45, v60;
	v41 =	vmul.f32 v59, v59;
	v26 =	vadd.f32 v62, v26  }
0x73: {  	v0 =	vadd.f32 v5, v0  }
0x74: {  	v40 =	vmul.f32 v39, v39;
	v36 =	vld.idx.msk [tilespmem:v63+s15+$0x0], $0xffff;
	v26 =	vadd.f32 v41, v26  }
0x75: {  	v0 =	vadd.f32 v59, v0  }
0x76: {  	v26 =	vadd.f32 v40, v26  }
0x77: {  	v0 =	vadd.f32 v39, v0  }
0x78: {  	(xrf2) =	vadd.scan.msk.f32 $0xffff, v26  }
0x79: {  	(xrf2) =	vadd.scan.msk.f32 $0xffff, v0;
	v0 =	vshll.u32 v36, $0x7;
	s4 =	spop (v2sf)  }
0x7a: {  	s18 =	simm.s32 $0x2;
	s3 =	simm.s32 $0x580;
	v26 =	vor.u32 v7, v0;
	s2 =	smul.f32 $7.812500000e-03, s4  }
0x7b: {  	v43 =	vld [tilespmem:s3+$0x40];
	v58 =	vmov s18;
	v36 =	vor.u32 v3, v0  }
0x7c: {  	v35 =	vld [tilespmem:s3+$0x0];
	v42 =	vand.u32 $0xFFFFFFFE, v58;
	v33 =	vor.u32 v8, v0;
	s17 =	spop (v2sf);
	s4 =	smul.f32 s2, s2  }
0x7d: {  	v63 =	vld [tilespmem:s3+$0x20];
	v42 =	vbroadcast v42, $0x0;
	v46 =	vor.u32 v10, v0;
	s17 =	smul.f32 $7.812500000e-03, s17  }
0x7e: {  	v61 =	vld [tilespmem:s3+$0x10]  }
0x7f: {  	s4 =	ssub.f32 s17, s4;
	v26 =	vld.idx.msk [tilespmem:v26+s16+$0x0], $0xffff  }
0x80: {  	v60 =	vor.u32 v9, v0;
	v36 =	vld.idx.msk [tilespmem:v36+s16+$0x0], $0xffff  }
0x81: {  	v49 =	vld.idx.msk [tilespmem:v33+s16+$0x0], $0xffff;
	s4 =	sadd.f32 $9.999999960e-13, s4  }
0x82: {  	v51 =	vor.u32 v11, v0;
	v53 =	vor.u32 v12, v0;
	v45 =	vld.idx.msk [tilespmem:v46+s16+$0x0], $0xffff;
	v47, _, _ =	vpop (xrf2)  }
0x83: {  	v0 =	vor.u32 v13, v0;
	v33 =	vld.idx.msk [tilespmem:v42+s15+$0x0], $0xffff;
	(v2sf) =	vpush v47, $0xF;
	v48 =	vmov s4;
	v50, _, _ =	vpop (xrf2)  }
0x84: {  	v55 =	vld [tilespmem:s3+$0x30];
	(v2sf) =	vpush v50, $0xF;
	v50 =	vmov s2;
	v26 =	vadd.f32 v26, v61  }
0x85: {  	v44 =	vld.idx.msk [tilespmem:v60+s16+$0x0], $0xffff;
	v62 =	vshra.s32 v48, $0x1;
	v40 =	vsub.f32 v25, v50;
	v6 =	vsub.f32 v28, v50  }
0x86: {  	v48 =	vmul.f32 $5.000000000e-01, v48;
	v28 =	vadd.f32 v36, v35;
	v25 =	vadd.f32 v49, v63  }
0x87: {  	v52 =	vsub.s32 $0x5F3759DF, v62;
	v41 =	vsub.f32 v27, v50;
	v42 =	vsub.f32 v29, v50  }
0x88: {  	v51 =	vld.idx.msk [tilespmem:v51+s16+$0x0], $0xffff;
	v29 =	vadd.f32 v45, v43;
	v45 =	vshll.u32 v33, $0x7;
	v57 =	vmul.f32 v52, v48  }
0x89: {  	v47 =	vld [tilespmem:s3+$0x50];
	v58 =	vmul.f32 v26, v26;
	v35 =	vmul.f32 v28, v28;
	v60 =	vadd.f32 v26, v28  }
0x8a: {  	v27 =	vadd.f32 v44, v55;
	v44 =	vld.idx.msk [tilespmem:v53+s16+$0x0], $0xffff;
	v53 =	vor.u32 v3, v45;
	v61 =	vmul.f32 v25, v25  }
0x8b: {  	v36 =	vmul.f32 v52, v57;
	v57 =	vld [tilespmem:s3+$0x60];
	v49 =	vadd.f32 v58, v35;
	v62 =	vadd.f32 v25, v60  }
0x8c: {  	v31 =	vld.idx.msk [tilespmem:v0+s16+$0x0], $0xffff;
	v43 =	vsub.f32 v30, v50;
	v55 =	vmul.f32 v27, v27  }
0x8d: {  	v58 =	vld [tilespmem:s3+$0x70];
	v63 =	vadd.f32 v27, v62;
	v33 =	vadd.f32 v61, v49;
	v62 =	vor.u32 v9, v45  }
0x8e: {  	v30 =	vadd.f32 v51, v47;
	v51 =	vor.u32 v8, v45;
	v36 =	vsub.f32 $1.500000000e+00, v36  }
0x8f: {  	v60 =	vmul.f32 v29, v29;
	v49 =	vor.u32 v7, v45;
	v53 =	vld.idx.msk [tilespmem:v53+s16+$0x0], $0xffff;
	v33 =	vadd.f32 v55, v33  }
0x90: {  	v52 =	vmul.f32 v52, v36;
	v35 =	vadd.f32 v29, v63;
	v36 =	vadd.f32 v44, v57;
	v57 =	vld [tilespmem:s3+$0xFFFFFF90]  }
0x91: {  	v46 =	vsub.f32 v54, v50;
	v44 =	vadd.f32 v60, v33;
	v33 =	vld [tilespmem:s3+$0xFFFFFFB0]  }
0x92: {  	v48 =	vmul.f32 v52, v48;
	v31 =	vadd.f32 v31, v58;
	v47 =	vadd.f32 v30, v35;
	v62 =	vld.idx.msk [tilespmem:v62+s16+$0x0], $0xffff  }
0x93: {  	v63 =	vld [tilespmem:s3+$0xFFFFFF80];
	v58 =	vor.u32 v11, v45;
	v35 =	vmul.f32 v30, v30;
	v60 =	vor.u32 v10, v45;
	s22 =	spop (v2sf)  }
0x94: {  	v61 =	vmul.f32 v48, v52;
	v54 =	vld.idx.msk [tilespmem:v49+s16+$0x0], $0xffff;
	v48 =	vsub.f32 v32, v50;
	v0 =	vadd.f32 v36, v47;
	s24 =	spop (v2sf)  }
0x95: {  	v49 =	vmul.f32 v36, v36;
	v55 =	vadd.f32 v35, v44;
	v44 =	vld.idx.msk [tilespmem:v51+s16+$0x0], $0xffff;
	v47 =	vsub.f32 v34, v50;
	s4 =	smul.f32 $7.812500000e-03, s24  }
0x96: {  	v50 =	vld [tilespmem:s3+$0xFFFFFFA0];
	v34 =	vmul.f32 v31, v31;
	v61 =	vsub.f32 $1.500000000e+00, v61;
	v0 =	vadd.f32 v31, v0  }
0x97: {  	v32 =	vadd.f32 v49, v55;
	v33 =	vadd.f32 v62, v33;
	v55 =	vmov s4  }
0x98: {  	v35 =	vor.u32 v12, v45;
	s2 =	smul.f32 $7.812500000e-03, s22;
	v51 =	vsub.f32 v37, v55;
	v49 =	vsub.f32 v38, v55  }
0x99: {  	(xrf2) =	vadd.scan.msk.f32 $0xffff, v0;
	s4 =	smul.f32 s4, s4;
	v37 =	vadd.f32 v34, v32;
	v38 =	vld.idx.msk [tilespmem:v60+s16+$0x0], $0xffff;
	v34 =	vadd.f32 v53, v63  }
0x9a: {  	v60 =	vor.u32 v13, v45;
	v32 =	vadd.f32 v54, v57;
	v54 =	vld [tilespmem:s3+$0xFFFFFFC0];
	v45 =	vsub.f32 v39, v55  }
0x9b: {  	v62 =	vld [tilespmem:s3+$0xFFFFFFE0];
	v53 =	vmul.f32 v61, v52;
	s2 =	ssub.f32 s2, s4;
	(xrf2) =	vadd.scan.msk.f32 $0xffff, v37;
	v52 =	vmul.f32 v34, v34;
	v37 =	vadd.f32 v44, v50  }
0x9c: {  	v39 =	vld.idx.msk [tilespmem:v58+s16+$0x0], $0xffff;
	v50 =	vmul.f32 v32, v32;
	v44 =	vsub.f32 v56, v55;
	v56 =	vadd.f32 v32, v34  }
0x9d: {  	v57 =	vld [tilespmem:s3+$0xFFFFFFD0];
	s2 =	sadd.f32 $9.999999960e-13, s2  }
0x9e: {  	v63 =	vld.idx.msk [tilespmem:v35+s16+$0x0], $0xffff;
	v0 =	vmul.f32 v37, v37;
	v50 =	vadd.f32 v50, v52;
	v56 =	vadd.f32 v37, v56  }
0x9f: {  	v61 =	vmov s2;
	v60 =	vld.idx.msk [tilespmem:v60+s16+$0x0], $0xffff;
	v52 =	vadd.f32 v38, v54;
	v38 =	vmul.f32 v33, v33  }
0xa0: {  	v54 =	vld [tilespmem:s3+$0xFFFFFFF0];
	v58 =	vmul.f32 $5.000000000e-01, v61;
	v61 =	vshra.s32 v61, $0x1;
	v0 =	vadd.f32 v0, v50  }
0xa1: {  	v50 =	vsub.f32 v59, v55;
	v56 =	vadd.f32 v33, v56;
	v59 =	vsub.s32 $0x5F3759DF, v61  }
0xa2: {  	v35 =	vadd.f32 v39, v57;
	v39 =	vmul.f32 v59, v58;
	v0 =	vadd.f32 v38, v0  }
0xa3: {  	v57 =	vmul.f32 v52, v52;
	v38 =	vadd.f32 v63, v62;
	v56 =	vadd.f32 v52, v56;
	v61, _, _ =	vpop (xrf2)  }
0xa4: {  	(v2sf) =	vpush v61, $0xF;
	v61 =	vmul.f32 v53, v2;
	v62 =	vmul.f32 v59, v39  }
0xa5: {  	v63 =	vmul.f32 v35, v35;
	v0 =	vadd.f32 v57, v0;
	v39 =	vadd.f32 v60, v54  }
0xa6: {  	[tilespmem:$0x1FFE0] =	vst v2;
	v54 =	vsub.f32 v4, v55;
	v2 =	vmul.f32 v61, v6;
	v60 =	vsub.f32 $1.500000000e+00, v62  }
0xa7: {  	v57, _, _ =	vpop (xrf2);
	v0 =	vadd.f32 v63, v0;
	v63 =	vmul.f32 v38, v38;
	v61 =	vadd.f32 v35, v56  }
0xa8: {  	v62 =	vmul.f32 v39, v39;
	v56 =	vsub.f32 v5, v55;
	(v2sf) =	vpush v57, $0xF  }
0xa9: {  	s4 =	simm.s32 $0x4;
	[tilespmem:$0x1FFF0] =	vst v1;
	s2 =	simm.s32 $0x580;
	v57 =	vmul.f32 v53, v20;
	v60 =	vmul.f32 v59, v60;
	v59 =	vadd.f32 v2, v1  }
.LBB2_2:
0xaa: {  	v16 =	vld [tilespmem:$0x1FF70]  }
0xab: {  	s18 =	sadd.s32 $0x1, s4  }
0xac: {  	v3 =	vmul.f32 v53, v21;
	v6 =	vld [tilespmem:$0x1FF80];
	v58 =	vmul.f32 v60, v58;
	v1 =	vmov s18  }
0xad: {  	v4 =	vld [tilespmem:$0x1FF90];
	v0 =	vadd.f32 v63, v0;
	v63 =	vmul.f32 v53, v22;
	v42 =	vmul.f32 v57, v42  }
0xae: {  	v5 =	vld [tilespmem:$0x1FFC0];
	v57 =	vmul.f32 v53, v17;
	v58 =	vmul.f32 v58, v60  }
0xaf: {  	v55 =	vsub.f32 v24, v55;
	v15 =	vld [tilespmem:$0x1FFD0];
	v0 =	vadd.f32 v62, v0;
	v2 =	vmul.f32 v53, v16  }
0xb0: {  	v24 =	vmovc v52;
	v14 =	vld [tilespmem:$0x1FFE0];
	[tilespmem:s5+$0x60] =	vst v59;
	v40 =	vmul.f32 v63, v40;
	v52 =	vmul.f32 v57, v48;
	v63 =	vsub.f32 $1.500000000e+00, v58  }
0xb1: {  	v61 =	vadd.f32 v38, v61;
	v62 =	vmul.f32 v53, v6;
	v1 =	vld.idx.msk [tilespmem:v1+s15+$0x0], $0xffff;
	v2 =	vmul.f32 v2, v41  }
0xb2: {  	v57 =	vmul.f32 v53, v23;
	(xrf2) =	vadd.scan.msk.f32 $0xffff, v0;
	v0 =	vadd.f32 v40, v18;
	v41 =	vmul.f32 v63, v60;
	v60 =	vld [tilespmem:$0x1FFB0]  }
0xb3: {  	v40 =	vadd.f32 v39, v61;
	v59 =	vmul.f32 v62, v43;
	v62 =	vld [tilespmem:$0x1FFA0];
	v2 =	vadd.f32 v2, v4  }
0xb4: {  	[tilespmem:s5+$0x0] =	vst v0;
	v0 =	vadd.f32 v52, v15;
	v58 =	vmul.f32 v41, v22;
	v48 =	vmul.f32 v41, v23  }
0xb5: {  	v52 =	vmul.f32 v41, v14;
	[tilespmem:s5+$0x10] =	vst v2;
	v2 =	vmul.f32 v3, v46;
	v3 =	vadd.f32 v59, v5  }
0xb6: {  	[tilespmem:s5+$0x50] =	vst v0;
	v59 =	vmul.f32 v41, v21;
	v0 =	vmul.f32 v58, v51;
	v1 =	vshll.u32 v1, $0x7  }
0xb7: {  	(xrf2) =	vadd.scan.msk.f32 $0xffff, v40;
	v45 =	vmul.f32 v48, v45;
	v42 =	vadd.f32 v42, v60;
	v46 =	vor.u32 v7, v1  }
0xb8: {  	v2 =	vadd.f32 v2, v62;
	[tilespmem:s5+$0x40] =	vst v3;
	v3 =	vmul.f32 v57, v47;
	v47 =	vmul.f32 v41, v20  }
0xb9: {  	v43 =	vmul.f32 v59, v49;
	v49 =	vmul.f32 v41, v16;
	v0 =	vadd.f32 v0, v18;
	[tilespmem:s5+$0x30] =	vst v42  }
0xba: {  	s3 =	sadd.s32 $0x100, s3;
	v45 =	vadd.f32 v45, v19;
	v42 =	vmul.f32 v41, v17;
	v41 =	vmul.f32 v41, v6;
	v6 =	vld [tilespmem:$0x1FFF0];
	[tilespmem:s5+$0x20] =	vst v2  }
0xbb: {  	s24 =	spop (v2sf);
	v3 =	vadd.f32 v3, v19;
	[tilespmem:s5+$0xFFFFFF80] =	vst v0;
	v0 =	vmul.f32 v47, v54;
	v47 =	vmul.f32 v52, v50;
	v50 =	vld [tilespmem:s3+$0x0]  }
0xbc: {  	v40 =	vor.u32 v9, v1;
	s18 =	smul.f32 $7.812500000e-03, s24;
	v44 =	vmul.f32 v49, v44;
	[tilespmem:s5+$0xFFFFFFF0] =	vst v45;
	v49 =	vld [tilespmem:s3+$0x10]  }
0xbd: {  	v61 =	vlaneseq.u32;
	v51 =	vor.u32 v10, v1;
	v45 =	vld [tilespmem:s3+$0x20];
	[tilespmem:s5+$0x70] =	vst v3  }
0xbe: {  	s24 =	spop (v2sf);
	s22 =	smul.f32 s18, s18;
	v2 =	vor.u32 v61, v1;
	v63, _, _ =	vpop (xrf2);
	v43 =	vadd.f32 v43, v62;
	v53 =	vld [tilespmem:s3+$0x60]  }
0xbf: {  	v58 =	vor.u32 v11, v1;
	s24 =	smul.f32 $7.812500000e-03, s24;
	(v2sf) =	vpush v63, $0xF;
	v0 =	vadd.f32 v0, v60;
	v48 =	vld [tilespmem:s3+$0x40]  }
0xc0: {  	s17 =	smov.u32 s4;
	v42 =	vmul.f32 v42, v56;
	v3 =	vor.u32 v8, v1;
	v44 =	vadd.f32 v44, v4;
	v46 =	vld.idx.msk [tilespmem:v46+s16+$0x0], $0xffff  }
0xc1: {  	v63 =	vmov s17;
	v41 =	vmul.f32 v41, v55;
	v55 =	vor.u32 v12, v1;
	s22 =	ssub.f32 s24, s22;
	[tilespmem:s5+$0xFFFFFFB0] =	vst v0;
	v0 =	vld.idx.msk [tilespmem:v40+s16+$0x0], $0xffff  }
0xc2: {  	v62 =	vand.u32 $0xFFFFFFFE, v63;
	v1 =	vor.u32 v13, v1;
	v42 =	vadd.f32 v42, v15;
	[tilespmem:s5+$0xFFFFFF90] =	vst v44;
	v44 =	vld.idx.msk [tilespmem:v51+s16+$0x0], $0xffff  }
0xc3: {  	v52 =	vmov s18;
	[tilespmem:s5+$0xFFFFFFA0] =	vst v43;
	v43 =	vbroadcast v62, $0x0;
	v41 =	vadd.f32 v41, v5;
	s22 =	sadd.f32 $9.999999960e-13, s22;
	v2 =	vld.idx.msk [tilespmem:v2+s16+$0x0], $0xffff  }
0xc4: {  	v40 =	vsub.f32 v28, v52;
	v28, _, _ =	vpop (xrf2);
	[tilespmem:s5+$0xFFFFFFD0] =	vst v42;
	v42 =	vadd.f32 v47, v6;
	v47 =	vld [tilespmem:s3+$0x30]  }
0xc5: {  	(v2sf) =	vpush v28, $0xF;
	v54 =	vmov s22;
	v3 =	vld.idx.msk [tilespmem:v3+s16+$0x0], $0xffff  }
0xc6: {  	v56 =	vsub.f32 v36, v52;
	v51 =	vld [tilespmem:s3+$0x70];
	[tilespmem:s5+$0xFFFFFFC0] =	vst v41;
	v60 =	vshra.s32 v54, $0x1;
	v54 =	vmul.f32 $5.000000000e-01, v54  }
0xc7: {  	v41 =	vsub.f32 v26, v52;
	[tilespmem:s5+$0xFFFFFFE0] =	vst v42;
	v1 =	vld.idx.msk [tilespmem:v1+s16+$0x0], $0xffff;
	v59 =	vsub.s32 $0x5F3759DF, v60;
	v63 =	vadd.f32 v46, v49  }
0xc8: {  	v42 =	vsub.f32 v27, v52;
	v60 =	vmul.f32 v59, v54;
	v28 =	vadd.f32 v2, v50;
	v2 =	vld.idx.msk [tilespmem:v55+s16+$0x0], $0xffff  }
0xc9: {  	v49 =	vmul.f32 v63, v63;
	v50 =	vld.idx.msk [tilespmem:v43+s15+$0x0], $0xffff;
	v43 =	vsub.f32 v29, v52;
	v29 =	vadd.f32 v44, v48  }
0xca: {  	v57 =	vld [tilespmem:s3+$0x50];
	v27 =	vadd.f32 v0, v47;
	v55 =	vmul.f32 v59, v60;
	v3 =	vadd.f32 v3, v45  }
0xcb: {  	v45 =	vld.idx.msk [tilespmem:v58+s16+$0x0], $0xffff;
	v60 =	vmul.f32 v28, v28;
	v62 =	vadd.f32 v63, v28;
	v48 =	vmul.f32 v29, v29  }
0xcc: {  	v26 =	vmovc v63;
	v1 =	vadd.f32 v1, v51;
	v46 =	vsub.f32 $1.500000000e+00, v55;
	v63 =	vmul.f32 v3, v3  }
0xcd: {  	v0 =	vadd.f32 v49, v60;
	v55 =	vadd.f32 v3, v62;
	v60 =	vmul.f32 v27, v27  }
0xce: {  	v58 =	vmul.f32 v59, v46;
	v36 =	vadd.f32 v2, v53;
	v2 =	vshll.u32 v50, $0x7  }
0xcf: {  	v0 =	vadd.f32 v63, v0;
	v62 =	vadd.f32 v27, v55;
	v49 =	vor.u32 v61, v2  }
0xd0: {  	v46 =	vsub.f32 v25, v52;
	v50 =	vor.u32 v7, v2;
	v45 =	vadd.f32 v45, v57  }
0xd1: {  	v55 =	vor.u32 v8, v2;
	v0 =	vadd.f32 v60, v0;
	v44 =	vadd.f32 v29, v62  }
0xd2: {  	v59 =	vor.u32 v12, v2;
	v61 =	vld [tilespmem:s3+$0xFFFFFF90];
	v63 =	vmul.f32 v58, v54;
	v54 =	vor.u32 v9, v2  }
0xd3: {  	v25 =	vmovc v3;
	s18 =	spop (v2sf);
	v62 =	vld [tilespmem:s3+$0xFFFFFF80];
	v47 =	vmul.f32 v45, v45;
	v0 =	vadd.f32 v48, v0;
	v44 =	vadd.f32 v45, v44  }
0xd4: {  	s17 =	smul.f32 $7.812500000e-03, s18;
	v57 =	vor.u32 v10, v2;
	v53 =	vmul.f32 v63, v58;
	v48 =	vsub.f32 v30, v52;
	s22 =	spop (v2sf);
	v3 =	vld.idx.msk [tilespmem:v49+s16+$0x0], $0xffff  }
0xd5: {  	v63 =	vmul.f32 v36, v36;
	v50 =	vld.idx.msk [tilespmem:v50+s16+$0x0], $0xffff;
	s18 =	smul.f32 $7.812500000e-03, s22;
	v44 =	vadd.f32 v36, v44;
	v0 =	vadd.f32 v47, v0  }
0xd6: {  	v30 =	vmov v45;
	v45 =	vmul.f32 v1, v1;
	v47 =	vsub.f32 v31, v52;
	v52 =	vld.idx.msk [tilespmem:v55+s16+$0x0], $0xffff  }
0xd7: {  	v54 =	vld.idx.msk [tilespmem:v54+s16+$0x0], $0xffff;
	s24 =	smul.f32 s18, s18;
	v55 =	vmov s18;
	v44 =	vadd.f32 v1, v44;
	v0 =	vadd.f32 v63, v0  }
0xd8: {  	v60 =	vor.u32 v13, v2;
	v53 =	vsub.f32 $1.500000000e+00, v53;
	v31 =	vmovc v1;
	v1 =	vld [tilespmem:s3+$0xFFFFFFA0];
	v51 =	vsub.f32 v34, v55  }
0xd9: {  	v2 =	vor.u32 v11, v2;
	v63 =	vld [tilespmem:s3+$0xFFFFFFB0];
	s17 =	ssub.f32 s17, s24;
	(xrf2) =	vadd.scan.msk.f32 $0xffff, v44;
	v0 =	vadd.f32 v45, v0;
	v34 =	vadd.f32 v3, v62  }
0xda: {  	v3 =	vld.idx.msk [tilespmem:v57+s16+$0x0], $0xffff;
	v44 =	vsub.f32 v32, v55;
	v32 =	vadd.f32 v50, v61  }
0xdb: {  	v53 =	vmul.f32 v53, v58;
	v49 =	vsub.f32 v37, v55;
	v45 =	vsub.f32 v39, v55;
	v39 =	vld [tilespmem:s3+$0xFFFFFFC0];
	s17 =	sadd.f32 $9.999999960e-13, s17  }
0xdc: {  	v50 =	vsub.f32 v38, v55;
	(xrf2) =	vadd.scan.msk.f32 $0xffff, v0;
	v0 =	vmul.f32 v34, v34;
	v38 =	vadd.f32 v32, v34  }
0xdd: {  	v61 =	vld [tilespmem:s3+$0xFFFFFFD0];
	v37 =	vadd.f32 v52, v1;
	v52 =	vmul.f32 v32, v32;
	v62 =	vmov s17  }
0xde: {  	v1 =	vld.idx.msk [tilespmem:v2+s16+$0x0], $0xffff;
	v2 =	vmul.f32 v53, v14;
	v63 =	vadd.f32 v54, v63;
	v58 =	vmul.f32 $5.000000000e-01, v62  }
0xdf: {  	v5 =	vld [tilespmem:s3+$0xFFFFFFE0];
	v54 =	vshra.s32 v62, $0x1;
	v4 =	vmul.f32 v37, v37;
	v0 =	vadd.f32 v52, v0  }
0xe0: {  	v59 =	vld.idx.msk [tilespmem:v59+s16+$0x0], $0xffff;
	v38 =	vadd.f32 v37, v38;
	v62 =	vmul.f32 v63, v63;
	v52 =	vadd.f32 v3, v39  }
0xe1: {  	v3 =	vld.idx.msk [tilespmem:v60+s16+$0x0], $0xffff;
	v60 =	vsub.s32 $0x5F3759DF, v54;
	v54 =	vsub.f32 v33, v55;
	v2 =	vmul.f32 v2, v56  }
0xe2: {  	v33 =	vmovc v63;
	v56 =	vsub.f32 v35, v55;
	v39 =	vmul.f32 v60, v58;
	v0 =	vadd.f32 v4, v0;
	v4 =	vld [tilespmem:s3+$0xFFFFFFF0]  }
0xe3: {  	v38 =	vadd.f32 v33, v38;
	v63 =	vmul.f32 v52, v52;
	v1 =	vadd.f32 v1, v61;
	v61, _, _ =	vpop (xrf2)  }
0xe4: {  	p0 =	slt.u32 s4, $0x7E;
	v39 =	vmul.f32 v60, v39;
	v0 =	vadd.f32 v62, v0;
	(v2sf) =	vpush v61, $0xF  }
.Ltmp0:
0xe5: {  	v61 =	vadd.f32 v52, v38;
	v38 =	vadd.f32 v59, v5;
	(pc) =	sbr.rel @p0 .LBB2_2-.Ltmp0, $4  }
0xe6: {  	v62 =	vmul.f32 v1, v1;
	v0 =	vadd.f32 v63, v0;
	v59 =	vsub.f32 $1.500000000e+00, v39;
	v5, _, _ =	vpop (xrf2)  }
0xe7: {  	v57 =	vmul.f32 v53, v20;
	v39 =	vadd.f32 v3, v4;
	(v2sf) =	vpush v5, $0xF  }
0xe8: {  	v63 =	vmul.f32 v38, v38;
	v61 =	vadd.f32 v1, v61;
	v0 =	vadd.f32 v62, v0  }
0xe9: {  	s4 =	sadd.s32 $0x2, s4;
	s5 =	smov.u32 s2;
	s2 =	smov.u32 s3;
	v35 =	vmovc v1;
	v60 =	vmul.f32 v60, v59;
	v59 =	vadd.f32 v2, v6;
	v62 =	vmul.f32 v39, v39  }
0xea: {  	v0 =	vadd.f32 v63, v0  }
0xeb: {  	v1 =	vadd.f32 v38, v61  }
0xec: {  	v0 =	vadd.f32 v62, v0  }
0xed: {  	v1 =	vadd.f32 v39, v1  }
0xee: {  	(xrf2) =	vadd.scan.msk.f32 $0xffff, v0  }
0xef: {  	(xrf2) =	vadd.scan.msk.f32 $0xffff, v1;
	_ =	sdelay $0x8  }
0xf0: {  	v0, _, _ =	vpop (xrf2)  }
0xf1: {  	(v2sf) =	vpush v0, $0xF;
	v0, _, _ =	vpop (xrf2)  }
0xf2: {  	(v2sf) =	vpush v0, $0xF  }
0xf3: {  	s3 =	spop (v2sf)  }
0xf4: {  	s3 =	smul.f32 $7.812500000e-03, s3  }
0xf5: {  	v61 =	vld [tilespmem:$0x1FF70]  }
0xf6: {  	v3 =	vmul.f32 v53, v21;
	v14 =	vld [tilespmem:$0x1FF80];
	s4 =	spop (v2sf);
	s17 =	smul.f32 s3, s3;
	v0 =	vmul.f32 v60, v58  }
0xf7: {  	v5 =	vmul.f32 v53, v17;
	v24 =	vsub.f32 v24, v55;
	v55 =	vmul.f32 v57, v42;
	v15 =	vld [tilespmem:$0x1FFD0];
	s4 =	smul.f32 $7.812500000e-03, s4  }
0xf8: {  	v57 =	vmul.f32 v53, v23;
	v0 =	vmul.f32 v0, v60  }
0xf9: {  	v16 =	vld [tilespmem:$0x1FFB0];
	v5 =	vmul.f32 v5, v48;
	v1 =	vmul.f32 v53, v22;
	s4 =	ssub.f32 s4, s17  }
0xfa: {  	v3 =	vmul.f32 v3, v46;
	v2 =	vmul.f32 v53, v61;
	v0 =	vsub.f32 $1.500000000e+00, v0  }
0xfb: {  	v6 =	vld [tilespmem:$0x1FFE0];
	v4 =	vmul.f32 v53, v14;
	v1 =	vmul.f32 v1, v40;
	s4 =	sadd.f32 $9.999999960e-13, s4  }
0xfc: {  	v5 =	vadd.f32 v5, v15;
	v2 =	vmul.f32 v2, v41;
	v0 =	vmul.f32 v0, v60  }
0xfd: {  	v4 =	vmul.f32 v4, v43;
	v41 =	vmul.f32 v57, v47;
	v57 =	vmov s4  }
0xfe: {  	v40 =	vadd.f32 v55, v16;
	v58 =	vld [tilespmem:$0x1FF90];
	v53 =	vmul.f32 $5.000000000e-01, v57;
	v42 =	vmul.f32 v0, v22  }
0xff: {  	v1 =	vadd.f32 v1, v18;
	v43 =	vmul.f32 v0, v23;
	v63 =	vmul.f32 v0, v21  }
0x100: {  	v41 =	vadd.f32 v41, v19;
	v60 =	vld [tilespmem:$0x1FFC0];
	v47 =	vmul.f32 v0, v20;
	v48 =	vmul.f32 v0, v6;
	s22 =	spop (v2sf)  }
0x101: {  	v62 =	vshra.s32 v57, $0x1;
	v55 =	vmul.f32 v0, v61;
	v42 =	vmul.f32 v42, v51;
	s24 =	spop (v2sf)  }
0x102: {  	v46 =	vmul.f32 v63, v49;
	v49 =	vmul.f32 v0, v17;
	v51 =	vsub.s32 $0x5F3759DF, v62;
	s17 =	smul.f32 $7.812500000e-03, s24  }
0x103: {  	v2 =	vadd.f32 v2, v58;
	v43 =	vmul.f32 v43, v45;
	v57 =	vmul.f32 v51, v53;
	s4 =	smul.f32 $7.812500000e-03, s22  }
0x104: {  	v45 =	vmul.f32 v47, v54;
	v63 =	vmul.f32 v48, v50;
	v50 =	vmov s3;
	s18 =	smul.f32 s17, s17  }
0x105: {  	v4 =	vadd.f32 v4, v60;
	v28 =	vsub.f32 v28, v50;
	v54 =	vmul.f32 v51, v57  }
0x106: {  	v62 =	vld [tilespmem:$0x1FFA0];
	v44 =	vmul.f32 v55, v44;
	[tilespmem:s5+$0x60] =	vst v59;
	v25 =	vsub.f32 v25, v50;
	v30 =	vsub.f32 v30, v50;
	s4 =	ssub.f32 s4, s18  }
0x107: {  	v0 =	vmul.f32 v0, v14;
	[tilespmem:s5+$0x10] =	vst v2;
	v31 =	vsub.f32 v31, v50;
	v48 =	vsub.f32 $1.500000000e+00, v54  }
0x108: {  	v42 =	vadd.f32 v42, v18;
	v45 =	vadd.f32 v45, v16;
	v49 =	vmul.f32 v49, v56;
	v54 =	vld [tilespmem:$0x1FFF0];
	s18 =	sadd.f32 $9.999999960e-13, s4  }
0x109: {  	v0 =	vmul.f32 v0, v24;
	v24 =	vadd.f32 v44, v58;
	v44 =	vmul.f32 v51, v48  }
0x10a: {  	v43 =	vadd.f32 v43, v19;
	v48 =	vadd.f32 v49, v15;
	v56 =	vmov s18  }
0x10b: {  	v51 =	vmul.f32 v44, v53;
	v57 =	vmul.f32 $5.000000000e-01, v56;
	v49 =	vshra.s32 v56, $0x1  }
0x10c: {  	v0 =	vadd.f32 v0, v60;
	v3 =	vadd.f32 v3, v62;
	v59 =	vsub.s32 $0x5F3759DF, v49  }
0x10d: {  	[tilespmem:s5+$0x0] =	vst v1;
	v2 =	vadd.f32 v63, v54;
	v63 =	vmul.f32 v51, v44;
	v49 =	vmul.f32 v59, v57  }
0x10e: {  	[tilespmem:s5+$0x40] =	vst v4;
	v4 =	vsub.f32 v26, v50;
	v26 =	vsub.f32 v27, v50  }
0x10f: {  	[tilespmem:s5+$0x50] =	vst v5;
	v5 =	vsub.f32 v29, v50;
	v27 =	vsub.f32 $1.500000000e+00, v63;
	v29 =	vmul.f32 v59, v49  }
0x110: {  	v46 =	vadd.f32 v46, v62;
	v1 =	vsub.f32 v36, v50;
	[tilespmem:s5+$0x30] =	vst v40  }
0x111: {  	[tilespmem:s5+$0x20] =	vst v3;
	v3 =	vmov s17;
	v27 =	vmul.f32 v27, v44;
	v29 =	vsub.f32 $1.500000000e+00, v29  }
0x112: {  	[tilespmem:s5+$0x70] =	vst v41;
	v34 =	vsub.f32 v34, v3;
	v36 =	vsub.f32 v37, v3  }
0x113: {  	[tilespmem:s5+$0xFFFFFF80] =	vst v42;
	v32 =	vsub.f32 v32, v3;
	v44 =	vmul.f32 v27, v6;
	v29 =	vmul.f32 v59, v29  }
0x114: {  	[tilespmem:s5+$0xFFFFFFF0] =	vst v43;
	v33 =	vsub.f32 v33, v3;
	v50 =	vmul.f32 v27, v20;
	v56 =	vmul.f32 v27, v22  }
0x115: {  	[tilespmem:s5+$0xFFFFFF90] =	vst v24;
	v35 =	vsub.f32 v35, v3;
	v24 =	vmul.f32 v27, v14;
	v55 =	vmul.f32 v29, v57  }
0x116: {  	[tilespmem:s5+$0xFFFFFFB0] =	vst v45;
	v51 =	vsub.f32 v38, v3;
	v63 =	vmul.f32 v27, v17;
	v57 =	vmul.f32 v27, v61  }
0x117: {  	[tilespmem:s5+$0xFFFFFFE0] =	vst v2;
	v2 =	vsub.f32 v52, v3;
	v1 =	vmul.f32 v44, v1;
	v37 =	vmul.f32 v55, v29  }
0x118: {  	[tilespmem:s5+$0xFFFFFFC0] =	vst v0;
	v49 =	vsub.f32 v39, v3;
	v59 =	vmul.f32 v27, v21;
	v4 =	vmul.f32 v57, v4  }
0x119: {  	[tilespmem:s5+$0xFFFFFFA0] =	vst v46;
	v0 =	vmul.f32 v56, v28;
	v1 =	vadd.f32 v1, v54;
	v28 =	vsub.f32 $1.500000000e+00, v37  }
0x11a: {  	[tilespmem:s5+$0xFFFFFFD0] =	vst v48;
	v25 =	vmul.f32 v59, v25;
	v3 =	vadd.f32 v4, v58;
	v4 =	vmul.f32 v24, v5  }
0x11b: {  	v0 =	vadd.f32 v0, v18;
	[tilespmem:s2+$0x60] =	vst v1;
	v5 =	vmul.f32 v63, v30;
	v1 =	vmul.f32 v28, v29  }
0x11c: {  	v24 =	vmul.f32 v50, v26;
	[tilespmem:s2+$0x10] =	vst v3;
	v3 =	vadd.f32 v4, v60;
	v4 =	vmul.f32 v27, v23  }
0x11d: {  	[tilespmem:s2+$0x0] =	vst v0;
	v25 =	vadd.f32 v25, v62;
	v0 =	vadd.f32 v5, v15;
	v26 =	vmul.f32 v1, v22  }
0x11e: {  	v5 =	vadd.f32 v24, v16;
	v24 =	vmul.f32 v1, v21;
	[tilespmem:s2+$0x40] =	vst v3;
	v3 =	vmul.f32 v4, v31  }
0x11f: {  	v4 =	vmul.f32 v1, v23;
	[tilespmem:s2+$0x50] =	vst v0;
	v0 =	vmul.f32 v26, v34  }
0x120: {  	[tilespmem:s2+$0x20] =	vst v25;
	v26 =	vmul.f32 v1, v20;
	v24 =	vmul.f32 v24, v36;
	v3 =	vadd.f32 v3, v19  }
0x121: {  	[tilespmem:s2+$0x30] =	vst v5;
	v25 =	vmul.f32 v1, v61;
	v4 =	vmul.f32 v4, v49;
	v0 =	vadd.f32 v0, v18  }
0x122: {  	v5 =	vmul.f32 v1, v17;
	[tilespmem:s2+$0x70] =	vst v3;
	v3 =	vmul.f32 v26, v33;
	v24 =	vadd.f32 v24, v62  }
0x123: {  	v25 =	vmul.f32 v25, v32;
	v4 =	vadd.f32 v4, v19;
	[tilespmem:s2+$0xFFFFFF80] =	vst v0;
	v0 =	vmul.f32 v1, v14  }
0x124: {  	v5 =	vmul.f32 v5, v35;
	v1 =	vmul.f32 v1, v6;
	v3 =	vadd.f32 v3, v16;
	[tilespmem:s2+$0xFFFFFFA0] =	vst v24  }
0x125: {  	[tilespmem:s2+$0xFFFFFFF0] =	vst v4;
	v4 =	vadd.f32 v25, v58;
	v0 =	vmul.f32 v0, v2  }
0x126: {  	v2 =	vadd.f32 v5, v15;
	v1 =	vmul.f32 v1, v51;
	[tilespmem:s2+$0xFFFFFFB0] =	vst v3  }
0x127: {  	[tilespmem:s2+$0xFFFFFF90] =	vst v4;
	v0 =	vadd.f32 v0, v60  }
0x128: {  	[tilespmem:s2+$0xFFFFFFD0] =	vst v2;
	v1 =	vadd.f32 v1, v54  }
0x129: {  	s22 =	simm.s32 $0x81;
	[tilespmem:s2+$0xFFFFFFC0] =	vst v0  }
0x12a: {  	[tilespmem:s2+$0xFFFFFFE0] =	vst v1;
	v0 =	vmov s22  }
0x12b: {  	[hbm4b:s7+s6] =	stream.linear.scatter [tilespmem:s20], [sflag:$0x6], $0x4000, $0x38;
	[tilespmem:$0x10600] =	vst v63  }
0x12c: {  	_ =	swait.ge [sflag:s28], $0x4000  }
0x12d: {  	[sflag:s28] =	ssyncset.done $0x0  }
0x12e: {  	[sflag:s28] =	ssyncadd.s32 $0xFFFFC000  }
0x12f: {  	v0 =	vld.idx.msk [tilespmem:v0+s15+$0x0], $0xffff;
	_ =	sdelay $0x4  }
0x130: {  	v0 =	vshll.u32 v0, $0x7  }
0x131: {  	s5 =	simm.s32 $0x44F0;
	v14 =	vlaneseq.u32;
	v1 =	vor.u32 v7, v0  }
0x132: {  	v4 =	vld [tilespmem:s5+$0xFFFFFFF0];
	v2 =	vor.u32 v14, v0  }
0x133: {  	v5 =	vld [tilespmem:s5+$0xFFFFFF90];
	v3 =	vor.u32 v8, v0  }
0x134: {  	v25 =	vld [tilespmem:s5+$0xFFFFFFA0]  }
0x135: {  	v28 =	vld [tilespmem:s5+$0xFFFFFFB0];
	v24 =	vor.u32 v9, v0  }
0x136: {  	v1 =	vld.idx.msk [tilespmem:v1+s16+$0x0], $0xffff  }
0x137: {  	s24 =	simm.s32 $0x80;
	v26 =	vor.u32 v10, v0;
	v2 =	vld.idx.msk [tilespmem:v2+s16+$0x0], $0xffff  }
0x138: {  	v27 =	vmov s24;
	v3 =	vld.idx.msk [tilespmem:v3+s16+$0x0], $0xffff  }
0x139: {  	v27 =	vand.u32 $0xFFFFFFFE, v27;
	v41 =	vld [tilespmem:s5+$0xFFFFFFC0];
	v29 =	vor.u32 v11, v0  }
0x13a: {  	v40 =	vbroadcast v27, $0x0;
	v30 =	vor.u32 v12, v0;
	v24 =	vld.idx.msk [tilespmem:v24+s16+$0x0], $0xffff  }
0x13b: {  	v42 =	vld [tilespmem:s5+$0xFFFFFFD0]  }
0x13c: {  	v0 =	vor.u32 v13, v0;
	v27 =	vadd.f32 v1, v25;
	v25 =	vadd.f32 v2, v5;
	v1 =	vld.idx.msk [tilespmem:v26+s16+$0x0], $0xffff  }
0x13d: {  	v2 =	vld [tilespmem:s5+$0xFFFFFFE0];
	v31 =	vadd.f32 v3, v28  }
0x13e: {  	v26 =	vld.idx.msk [tilespmem:v29+s16+$0x0], $0xffff;
	v3 =	vadd.f32 v27, v25;
	v5 =	vmul.f32 v27, v27;
	v28 =	vmul.f32 v25, v25  }
0x13f: {  	v43 =	vld.idx.msk [tilespmem:v30+s16+$0x0], $0xffff;
	v29 =	vadd.f32 v24, v41  }
0x140: {  	v24 =	vld.idx.msk [tilespmem:v40+s15+$0x0], $0xffff;
	v44 =	vmul.f32 v31, v31;
	v3 =	vadd.f32 v31, v3;
	v5 =	vadd.f32 v5, v28  }
0x141: {  	v0 =	vld.idx.msk [tilespmem:v0+s16+$0x0], $0xffff;
	v30 =	vadd.f32 v1, v42  }
0x142: {  	v28 =	vld [tilespmem:s5+$0x0];
	v1 =	vadd.f32 v29, v3;
	v3 =	vmul.f32 v29, v29;
	v5 =	vadd.f32 v44, v5  }
0x143: {  	v32 =	vadd.f32 v26, v2  }
0x144: {  	v2 =	vmul.f32 v30, v30;
	v1 =	vadd.f32 v30, v1;
	v3 =	vadd.f32 v3, v5  }
0x145: {  	v4 =	vadd.f32 v43, v4;
	v5 =	vshll.u32 v24, $0x7  }
0x146: {  	v24 =	vmul.f32 v32, v32;
	v1 =	vadd.f32 v32, v1;
	v2 =	vadd.f32 v2, v3  }
0x147: {  	v26 =	vmul.f32 v4, v4;
	v34 =	vadd.f32 v0, v28;
	v0 =	vor.u32 v7, v5  }
0x148: {  	v3 =	vor.u32 v14, v5;
	v1 =	vadd.f32 v4, v1;
	v2 =	vadd.f32 v24, v2  }
0x149: {  	v46 =	vld [tilespmem:s5+$0xFFFFFF10];
	v24 =	vor.u32 v8, v5  }
0x14a: {  	v48 =	vld [tilespmem:s5+$0xFFFFFF40];
	v45 =	vmul.f32 v34, v34;
	v1 =	vadd.f32 v34, v1;
	v2 =	vadd.f32 v26, v2  }
0x14b: {  	v28 =	vld [tilespmem:s5+$0xFFFFFF20]  }
0x14c: {  	v26 =	vor.u32 v9, v5;
	v0 =	vld.idx.msk [tilespmem:v0+s16+$0x0], $0xffff;
	(xrf2) =	vadd.scan.msk.f32 $0xffff, v1;
	v2 =	vadd.f32 v45, v2  }
0x14d: {  	v1 =	vld.idx.msk [tilespmem:v3+s16+$0x0], $0xffff  }
0x14e: {  	v3 =	vor.u32 v10, v5;
	v24 =	vld.idx.msk [tilespmem:v24+s16+$0x0], $0xffff;
	(xrf2) =	vadd.scan.msk.f32 $0xffff, v2  }
0x14f: {  	v47 =	vor.u32 v11, v5;
	v2 =	vld [tilespmem:s5+$0xFFFFFF30]  }
0x150: {  	v50 =	vld [tilespmem:s5+$0xFFFFFF60]  }
0x151: {  	v26 =	vld.idx.msk [tilespmem:v26+s16+$0x0], $0xffff  }
0x152: {  	v33 =	vadd.f32 v0, v28;
	v0 =	vld [tilespmem:s5+$0xFFFFFF50];
	v37 =	vadd.f32 v1, v46  }
0x153: {  	v49 =	vor.u32 v12, v5;
	v3 =	vld.idx.msk [tilespmem:v3+s16+$0x0], $0xffff;
	v1 =	vor.u32 v13, v5  }
0x154: {  	v5 =	vld.idx.msk [tilespmem:v47+s16+$0x0], $0xffff;
	v28 =	vmul.f32 v37, v37;
	v38 =	vadd.f32 v24, v2;
	v2 =	vmul.f32 v33, v33  }
0x155: {  	v15 =	vmov v54  }
0x156: {  	v54 =	vadd.f32 v26, v48;
	v51 =	vmul.f32 v38, v38;
	v2 =	vadd.f32 v2, v28;
	v24, _, _ =	vpop (xrf2)  }
0x157: {  	v52 =	vld [tilespmem:s5+$0xFFFFFF70];
	v28 =	vadd.f32 v33, v37;
	(v2sf) =	vpush v24, $0xF  }
0x158: {  	v26 =	vld.idx.msk [tilespmem:v49+s16+$0x0], $0xffff;
	v24 =	vadd.f32 v3, v0;
	v3 =	vmul.f32 v54, v54;
	v2 =	vadd.f32 v51, v2;
	v0, _, _ =	vpop (xrf2)  }
0x159: {  	v1 =	vld.idx.msk [tilespmem:v1+s16+$0x0], $0xffff;
	v56 =	vadd.f32 v5, v50;
	(v2sf) =	vpush v0, $0xF  }
0x15a: {  	v0 =	vadd.f32 v38, v28;
	v28 =	vld [tilespmem:s5+$0xFFFFFF80];
	v5 =	vmul.f32 v24, v24;
	v2 =	vadd.f32 v3, v2  }
0x15b: {  	s3 =	simm.s32 $0x83  }
0x15c: {  	v0 =	vadd.f32 v54, v0;
	v2 =	vadd.f32 v5, v2;
	v5 =	vmov s3  }
0x15d: {  	v3 =	vmul.f32 v56, v56;
	v35 =	vadd.f32 v26, v52  }
0x15e: {  	v0 =	vadd.f32 v24, v0  }
0x15f: {  	v26 =	vmul.f32 v35, v35;
	v39 =	vadd.f32 v1, v28;
	v1 =	vadd.f32 v3, v2  }
0x160: {  	v0 =	vadd.f32 v56, v0  }
0x161: {  	v2 =	vmul.f32 v39, v39;
	v1 =	vadd.f32 v26, v1;
	v3 =	vld.idx.msk [tilespmem:v5+s15+$0x0], $0xffff  }
0x162: {  	v0 =	vadd.f32 v35, v0  }
0x163: {  	v1 =	vadd.f32 v2, v1  }
0x164: {  	v0 =	vadd.f32 v39, v0  }
0x165: {  	(xrf2) =	vadd.scan.msk.f32 $0xffff, v1  }
0x166: {  	(xrf2) =	vadd.scan.msk.f32 $0xffff, v0;
	v0 =	vshll.u32 v3, $0x7  }
0x167: {  	s3 =	simm.s32 $0x45F0;
	v1 =	vor.u32 v7, v0  }
0x168: {  	v36 =	vld [tilespmem:s3+$0xFFFFFFA0];
	s4 =	spop (v2sf);
	v2 =	vor.u32 v14, v0  }
0x169: {  	v61 =	vld [tilespmem:s3+$0xFFFFFFB0];
	v3 =	vor.u32 v8, v0;
	s2 =	smul.f32 $7.812500000e-03, s4  }
0x16a: {  	s24 =	simm.s32 $0x82;
	v28 =	vld [tilespmem:s3+$0xFFFFFF90];
	v26 =	vor.u32 v9, v0  }
0x16b: {  	v53 =	vmov s24;
	v5 =	vld [tilespmem:s3+$0xFFFFFFD0];
	v63 =	vor.u32 v11, v0;
	s18 =	spop (v2sf);
	s17 =	smul.f32 s2, s2  }
0x16c: {  	v40 =	vand.u32 $0xFFFFFFFE, v53;
	s22 =	smul.f32 $7.812500000e-03, s18;
	v1 =	vld.idx.msk [tilespmem:v1+s16+$0x0], $0xffff  }
0x16d: {  	v55 =	vbroadcast v40, $0x0;
	v41 =	vor.u32 v10, v0;
	v2 =	vld.idx.msk [tilespmem:v2+s16+$0x0], $0xffff  }
0x16e: {  	s4 =	ssub.f32 s22, s17;
	v3 =	vld.idx.msk [tilespmem:v3+s16+$0x0], $0xffff  }
0x16f: {  	v47 =	vld.idx.msk [tilespmem:v26+s16+$0x0], $0xffff  }
0x170: {  	v57 =	vor.u32 v12, v0;
	v49 =	vmov s2;
	v46 =	vld.idx.msk [tilespmem:v63+s16+$0x0], $0xffff;
	s4 =	sadd.f32 $9.999999960e-13, s4;
	v58, _, _ =	vpop (xrf2)  }
0x171: {  	v0 =	vor.u32 v13, v0;
	v40 =	vsub.f32 v25, v49;
	(v2sf) =	vpush v58, $0xF;
	v58 =	vld [tilespmem:s3+$0xFFFFFFC0]  }
0x172: {  	v42 =	vsub.f32 v29, v49;
	v59 =	vmov s4;
	v26 =	vadd.f32 v1, v36;
	v1 =	vld.idx.msk [tilespmem:v41+s16+$0x0], $0xffff  }
0x173: {  	v43 =	vsub.f32 v30, v49;
	v62, _, _ =	vpop (xrf2);
	v60 =	vshra.s32 v59, $0x1;
	v28 =	vadd.f32 v2, v28;
	v36 =	vld.idx.msk [tilespmem:v55+s15+$0x0], $0xffff  }
0x174: {  	v45 =	vmul.f32 $5.000000000e-01, v59;
	(v2sf) =	vpush v62, $0xF;
	v25 =	vadd.f32 v3, v61;
	v3 =	vld [tilespmem:s3+$0xFFFFFFE0]  }
0x175: {  	v51 =	vld [tilespmem:s3+$0xFFFFFFF0];
	v48 =	vsub.s32 $0x5F3759DF, v60;
	v60 =	vmul.f32 v26, v26;
	v61 =	vmul.f32 v28, v28  }
0x176: {  	v57 =	vld.idx.msk [tilespmem:v57+s16+$0x0], $0xffff;
	v41 =	vsub.f32 v27, v49;
	v59 =	vmul.f32 v48, v45;
	v62 =	vadd.f32 v26, v28  }
0x177: {  	v63 =	vmul.f32 v25, v25;
	v27 =	vadd.f32 v47, v58;
	v44 =	vadd.f32 v60, v61  }
0x178: {  	v2 =	vmul.f32 v48, v59;
	v58 =	vadd.f32 v25, v62;
	v47 =	vsub.f32 v34, v49  }
0x179: {  	v29 =	vadd.f32 v1, v5;
	v1 =	vshll.u32 v36, $0x7;
	v30 =	vadd.f32 v46, v3  }
0x17a: {  	v0 =	vld.idx.msk [tilespmem:v0+s16+$0x0], $0xffff;
	v59 =	vmul.f32 v27, v27;
	v50 =	vor.u32 v14, v1;
	v44 =	vadd.f32 v63, v44  }
0x17b: {  	v61 =	vld [tilespmem:s3+$0x0];
	v36 =	vadd.f32 v57, v51;
	v5 =	vadd.f32 v27, v58;
	v60 =	vor.u32 v7, v1  }
0x17c: {  	v2 =	vsub.f32 $1.500000000e+00, v2;
	v62 =	vmul.f32 v29, v29;
	v44 =	vadd.f32 v59, v44  }
0x17d: {  	v57 =	vld [tilespmem:s3+$0xFFFFFF20];
	v46 =	vsub.f32 v31, v49;
	v51 =	vor.u32 v9, v1;
	v3 =	vadd.f32 v29, v5  }
0x17e: {  	v58 =	vld [tilespmem:s3+$0xFFFFFF10];
	v63 =	vmul.f32 v30, v30;
	v2 =	vmul.f32 v48, v2;
	v44 =	vadd.f32 v62, v44  }
0x17f: {  	v52 =	vmul.f32 v36, v36;
	v5 =	vor.u32 v8, v1;
	v3 =	vadd.f32 v30, v3;
	v50 =	vld.idx.msk [tilespmem:v50+s16+$0x0], $0xffff  }
0x180: {  	v31 =	vadd.f32 v0, v61;
	v45 =	vmul.f32 v2, v45;
	v0 =	vld.idx.msk [tilespmem:v60+s16+$0x0], $0xffff;
	v55 =	vadd.f32 v63, v44  }
0x181: {  	v48 =	vsub.f32 v32, v49;
	v3 =	vadd.f32 v36, v3  }
0x182: {  	v34 =	vmul.f32 v31, v31;
	v45 =	vmul.f32 v45, v2;
	s18 =	spop (v2sf);
	v32 =	vadd.f32 v52, v55  }
0x183: {  	v4 =	vsub.f32 v4, v49;
	v59 =	vor.u32 v10, v1;
	v44 =	vld [tilespmem:s3+$0xFFFFFF30];
	v3 =	vadd.f32 v31, v3;
	s22 =	spop (v2sf)  }
0x184: {  	v60 =	vor.u32 v11, v1;
	v5 =	vld.idx.msk [tilespmem:v5+s16+$0x0], $0xffff;
	v62 =	vsub.f32 $1.500000000e+00, v45;
	s4 =	smul.f32 $7.812500000e-03, s22;
	v63 =	vadd.f32 v34, v32  }
0x185: {  	v52 =	vld.idx.msk [tilespmem:v51+s16+$0x0], $0xffff;
	v34 =	vadd.f32 v50, v58;
	v32 =	vadd.f32 v0, v57  }
0x186: {  	v61 =	vor.u32 v12, v1;
	v1 =	vor.u32 v13, v1;
	s2 =	smul.f32 $7.812500000e-03, s18;
	(xrf2) =	vadd.scan.msk.f32 $0xffff, v3;
	v3 =	vld [tilespmem:s3+$0xFFFFFF40];
	v55 =	vmov s4  }
0x187: {  	v0 =	vld [tilespmem:s3+$0xFFFFFF50];
	v53 =	vmul.f32 v62, v2;
	s24 =	smul.f32 s4, s4;
	v50 =	vadd.f32 v32, v34;
	v51 =	vsub.f32 v37, v55  }
0x188: {  	v49 =	vsub.f32 v38, v55;
	v38 =	vld.idx.msk [tilespmem:v59+s16+$0x0], $0xffff;
	v45 =	vsub.f32 v39, v55;
	v39 =	vmul.f32 v34, v34  }
0x189: {  	v2 =	vld.idx.msk [tilespmem:v60+s16+$0x0], $0xffff;
	v37 =	vadd.f32 v5, v44;
	v5 =	vmul.f32 v32, v32;
	v44 =	vsub.f32 v33, v55;
	s2 =	ssub.f32 s2, s24  }
0x18a: {  	v57 =	vld [tilespmem:s3+$0xFFFFFF60];
	(xrf2) =	vadd.scan.msk.f32 $0xffff, v63;
	v54 =	vsub.f32 v54, v55;
	v56 =	vsub.f32 v56, v55  }
0x18b: {  	v60 =	vld.idx.msk [tilespmem:v61+s16+$0x0], $0xffff;
	v61 =	vmul.f32 v37, v37;
	v33 =	vadd.f32 v52, v3;
	v3 =	vadd.f32 v5, v39;
	s2 =	sadd.f32 $9.999999960e-13, s2  }
0x18c: {  	v5 =	vld [tilespmem:s3+$0xFFFFFF70];
	v39 =	vadd.f32 v37, v50;
	v50 =	vsub.f32 v35, v55  }
0x18d: {  	v1 =	vld.idx.msk [tilespmem:v1+s16+$0x0], $0xffff;
	v3 =	vadd.f32 v61, v3;
	v59 =	vmov s2;
	v52 =	vadd.f32 v38, v0  }
0x18e: {  	v61 =	vld [tilespmem:s3+$0xFFFFFF80];
	v0 =	vmul.f32 v33, v33;
	v58 =	vmul.f32 $5.000000000e-01, v59;
	v59 =	vshra.s32 v59, $0x1  }
0x18f: {  	v35 =	vadd.f32 v2, v57;
	v39 =	vadd.f32 v33, v39;
	v59 =	vsub.s32 $0x5F3759DF, v59  }
0x190: {  	v57 =	vmul.f32 v53, v20;
	v0 =	vadd.f32 v0, v3;
	v2 =	vmul.f32 v59, v58  }
0x191: {  	v38 =	vadd.f32 v60, v5;
	v5 =	vmul.f32 v53, v6;
	v60 =	vadd.f32 v52, v39;
	v3, _, _ =	vpop (xrf2)  }
0x192: {  	(v2sf) =	vpush v3, $0xF;
	v3 =	vmul.f32 v52, v52;
	v2 =	vmul.f32 v59, v2  }
0x193: {  	v39 =	vadd.f32 v1, v61;
	v4 =	vmul.f32 v5, v4;
	v63 =	vmul.f32 v38, v38  }
0x194: {  	v1, _, _ =	vpop (xrf2);
	v0 =	vadd.f32 v3, v0;
	v3 =	vmul.f32 v35, v35;
	v2 =	vsub.f32 $1.500000000e+00, v2  }
0x195: {  	v61 =	vadd.f32 v35, v60;
	(v2sf) =	vpush v1, $0xF;
	v62 =	vmul.f32 v39, v39  }
0x196: {  	s4 =	simm.s32 $0x84;
	s2 =	simm.s32 $0x45F0;
	v0 =	vadd.f32 v3, v0;
	v60 =	vmul.f32 v59, v2;
	v59 =	vadd.f32 v4, v15  }
.LBB2_4:
0x197: {  	v16 =	vld [tilespmem:$0x1FF70]  }
0x198: {  	s18 =	sadd.s32 $0x1, s4  }
0x199: {  	v14 =	vld [tilespmem:$0x1FF80];
	v1 =	vmul.f32 v60, v58;
	v3 =	vmov s18  }
0x19a: {  	v2 =	vmul.f32 v53, v22;
	v5 =	vmul.f32 v53, v21  }
0x19b: {  	v6 =	vld [tilespmem:$0x1FF90];
	[tilespmem:s5+$0xFFFFFFF0] =	vst v59;
	v59 =	vmul.f32 v53, v17;
	v1 =	vmul.f32 v1, v60  }
0x19c: {  	v15 =	vld [tilespmem:$0x1FFE0];
	v0 =	vadd.f32 v63, v0;
	v2 =	vmul.f32 v2, v40;
	v4 =	vmul.f32 v53, v16  }
0x19d: {  	v40 =	vsub.f32 v24, v55;
	v24 =	vmovc v52;
	v52 =	vmul.f32 v59, v48;
	v59 =	vld [tilespmem:$0x1FFC0];
	v1 =	vsub.f32 $1.500000000e+00, v1  }
0x19e: {  	v0 =	vadd.f32 v62, v0;
	v58 =	vmul.f32 v53, v14;
	v3 =	vld.idx.msk [tilespmem:v3+s15+$0x0], $0xffff;
	v4 =	vmul.f32 v4, v41  }
0x19f: {  	v42 =	vmul.f32 v57, v42;
	v1 =	vmul.f32 v1, v60;
	v60 =	vld [tilespmem:$0x1FFB0]  }
0x1a0: {  	(xrf2) =	vadd.scan.msk.f32 $0xffff, v0;
	v0 =	vadd.f32 v2, v18;
	v2 =	vadd.f32 v4, v6;
	v4 =	vmul.f32 v58, v43  }
0x1a1: {  	v62 =	vld [tilespmem:$0x1FFA0];
	v55 =	vmul.f32 v1, v22;
	v57 =	vmul.f32 v1, v21  }
0x1a2: {  	v58 =	vld [tilespmem:$0x1FFD0];
	v48 =	vmul.f32 v1, v15;
	[tilespmem:s5+$0xFFFFFFA0] =	vst v2;
	v2 =	vmul.f32 v5, v46;
	v4 =	vadd.f32 v4, v59  }
0x1a3: {  	v5 =	vmul.f32 v53, v23;
	v46 =	vmul.f32 v1, v23;
	v3 =	vshll.u32 v3, $0x7  }
0x1a4: {  	v41 =	vadd.f32 v42, v60;
	v42 =	vmul.f32 v57, v49;
	v43 =	vor.u32 v7, v3  }
0x1a5: {  	v49 =	vmul.f32 v1, v16;
	[tilespmem:s5+$0xFFFFFFD0] =	vst v4;
	v4 =	vmul.f32 v5, v47;
	v5 =	vadd.f32 v38, v61  }
0x1a6: {  	[tilespmem:s5+$0xFFFFFF90] =	vst v0;
	v2 =	vadd.f32 v2, v62;
	v47 =	vmul.f32 v1, v20;
	v61 =	vlaneseq.u32  }
0x1a7: {  	v45 =	vmul.f32 v46, v45;
	v0 =	vadd.f32 v52, v58;
	[tilespmem:s5+$0xFFFFFFC0] =	vst v41;
	v5 =	vadd.f32 v39, v5  }
0x1a8: {  	s17 =	smov.u32 s4;
	s24 =	spop (v2sf);
	v41 =	vmul.f32 v1, v17;
	v44 =	vmul.f32 v49, v44;
	v4 =	vadd.f32 v4, v19;
	[tilespmem:s5+$0xFFFFFFB0] =	vst v2  }
0x1a9: {  	s3 =	sadd.s32 $0x100, s3;
	s18 =	smul.f32 $7.812500000e-03, s24;
	s24 =	spop (v2sf);
	v42 =	vadd.f32 v42, v62;
	v1 =	vmul.f32 v1, v14;
	v14 =	vld [tilespmem:$0x1FFF0];
	[tilespmem:s5+$0xFFFFFFE0] =	vst v0;
	(xrf2) =	vadd.scan.msk.f32 $0xffff, v5  }
0x1aa: {  	v62 =	vmov s17;
	v2 =	vor.u32 v61, v3;
	s24 =	smul.f32 $7.812500000e-03, s24;
	v0 =	vmul.f32 v55, v51;
	v49 =	vld [tilespmem:s3+$0xFFFFFFA0];
	[tilespmem:s5+$0x0] =	vst v4  }
0x1ab: {  	v45 =	vadd.f32 v45, v19;
	s22 =	smul.f32 s18, s18;
	v41 =	vmul.f32 v41, v56;
	[tilespmem:s5+$0xFFFFFF30] =	vst v42;
	v42 =	vor.u32 v12, v3;
	v52 =	vld [tilespmem:s3+$0xFFFFFFF0]  }
0x1ac: {  	v1 =	vmul.f32 v1, v40;
	v4 =	vor.u32 v8, v3;
	v0 =	vadd.f32 v0, v18;
	v43 =	vld.idx.msk [tilespmem:v43+s16+$0x0], $0xffff  }
0x1ad: {  	v56 =	vand.u32 $0xFFFFFFFE, v62;
	v5 =	vor.u32 v9, v3;
	s22 =	ssub.f32 s24, s22;
	v41 =	vadd.f32 v41, v58;
	v58 =	vld [tilespmem:s3+$0xFFFFFFB0]  }
0x1ae: {  	v1 =	vadd.f32 v1, v59;
	[tilespmem:s5+$0xFFFFFF10] =	vst v0;
	v0 =	vmul.f32 v47, v54;
	v47 =	vmul.f32 v48, v50;
	v48 =	vld [tilespmem:s3+$0xFFFFFF90]  }
0x1af: {  	v63, _, _ =	vpop (xrf2);
	v44 =	vadd.f32 v44, v6;
	[tilespmem:s5+$0xFFFFFF80] =	vst v45;
	v45 =	vbroadcast v56, $0x0;
	s22 =	sadd.f32 $9.999999960e-13, s22;
	v2 =	vld.idx.msk [tilespmem:v2+s16+$0x0], $0xffff  }
0x1b0: {  	v51 =	vor.u32 v10, v3;
	v55 =	vor.u32 v11, v3;
	(v2sf) =	vpush v63, $0xF;
	[tilespmem:s5+$0xFFFFFF50] =	vst v1;
	v1 =	vld.idx.msk [tilespmem:v42+s16+$0x0], $0xffff  }
0x1b1: {  	[tilespmem:s5+$0xFFFFFF20] =	vst v44;
	v50 =	vmov s18;
	v0 =	vadd.f32 v0, v60;
	v60 =	vmov s22;
	v4 =	vld.idx.msk [tilespmem:v4+s16+$0x0], $0xffff  }
0x1b2: {  	[tilespmem:s5+$0xFFFFFF60] =	vst v41;
	v63 =	vshra.s32 v60, $0x1;
	v54 =	vmul.f32 $5.000000000e-01, v60;
	v60 =	vadd.f32 v47, v14;
	v47 =	vld [tilespmem:s3+$0xFFFFFFC0]  }
0x1b3: {  	v3 =	vor.u32 v13, v3;
	v40 =	vsub.f32 v28, v50;
	[tilespmem:s5+$0xFFFFFF40] =	vst v0;
	v0 =	vld.idx.msk [tilespmem:v5+s16+$0x0], $0xffff;
	v28, _, _ =	vpop (xrf2)  }
0x1b4: {  	v62 =	vadd.f32 v43, v49;
	v5 =	vsub.s32 $0x5F3759DF, v63;
	[tilespmem:s5+$0xFFFFFF70] =	vst v60;
	(v2sf) =	vpush v28, $0xF  }
0x1b5: {  	v56 =	vsub.f32 v36, v50;
	v41 =	vsub.f32 v26, v50;
	v57 =	vmul.f32 v5, v54;
	v45 =	vld.idx.msk [tilespmem:v45+s15+$0x0], $0xffff  }
0x1b6: {  	v46 =	vld [tilespmem:s3+$0xFFFFFFD0];
	v42 =	vsub.f32 v27, v50;
	v43 =	vmul.f32 v62, v62;
	v28 =	vadd.f32 v2, v48  }
0x1b7: {  	v63 =	vld.idx.msk [tilespmem:v51+s16+$0x0], $0xffff;
	v36 =	vadd.f32 v1, v52;
	v4 =	vadd.f32 v4, v58;
	v2 =	vmul.f32 v5, v57  }
0x1b8: {  	v53 =	vld [tilespmem:s3+$0xFFFFFFE0];
	v48 =	vsub.f32 v30, v50;
	v27 =	vadd.f32 v0, v47;
	v58 =	vmul.f32 v28, v28  }
0x1b9: {  	v57 =	vld.idx.msk [tilespmem:v55+s16+$0x0], $0xffff;
	v59 =	vadd.f32 v62, v28;
	v2 =	vsub.f32 $1.500000000e+00, v2  }
0x1ba: {  	v3 =	vld.idx.msk [tilespmem:v3+s16+$0x0], $0xffff;
	v60 =	vmul.f32 v4, v4;
	v1 =	vshll.u32 v45, $0x7;
	v0 =	vadd.f32 v43, v58  }
0x1bb: {  	v51 =	vld [tilespmem:s3+$0x0];
	v26 =	vmovc v62;
	v62 =	vadd.f32 v4, v59;
	v2 =	vmul.f32 v5, v2;
	v5 =	vmul.f32 v27, v27  }
0x1bc: {  	v43 =	vsub.f32 v29, v50;
	v29 =	vadd.f32 v63, v46;
	v44 =	vor.u32 v61, v1  }
0x1bd: {  	v45 =	vor.u32 v7, v1;
	v0 =	vadd.f32 v60, v0;
	v63 =	vadd.f32 v27, v62  }
0x1be: {  	v49 =	vadd.f32 v57, v53;
	v57 =	vor.u32 v8, v1;
	v55 =	vmul.f32 v2, v54  }
0x1bf: {  	v47 =	vmul.f32 v29, v29;
	v0 =	vadd.f32 v5, v0;
	v5 =	vadd.f32 v29, v63  }
0x1c0: {  	v3 =	vadd.f32 v3, v51;
	v61 =	vld [tilespmem:s3+$0xFFFFFF10];
	v53 =	vor.u32 v9, v1;
	v52 =	vmul.f32 v55, v2  }
0x1c1: {  	v60 =	vld [tilespmem:s3+$0xFFFFFF20];
	v55 =	vmul.f32 v49, v49;
	v0 =	vadd.f32 v47, v0;
	v5 =	vadd.f32 v49, v5  }
0x1c2: {  	s18 =	spop (v2sf);
	v58 =	vor.u32 v12, v1;
	v46 =	vsub.f32 v25, v50;
	v25 =	vmov v4;
	v4 =	vld.idx.msk [tilespmem:v44+s16+$0x0], $0xffff  }
0x1c3: {  	s17 =	smul.f32 $7.812500000e-03, s18;
	v62 =	vmul.f32 v36, v36;
	v63 =	vld.idx.msk [tilespmem:v45+s16+$0x0], $0xffff;
	v5 =	vadd.f32 v36, v5;
	v0 =	vadd.f32 v55, v0;
	s22 =	spop (v2sf)  }
0x1c4: {  	v59 =	vor.u32 v13, v1;
	v54 =	vor.u32 v10, v1;
	v47 =	vsub.f32 v31, v50;
	v6 =	vld.idx.msk [tilespmem:v57+s16+$0x0], $0xffff;
	s18 =	smul.f32 $7.812500000e-03, s22  }
0x1c5: {  	v44 =	vmul.f32 v3, v3;
	v31 =	vmovc v3;
	v5 =	vadd.f32 v3, v5;
	v3 =	vld [tilespmem:s3+$0xFFFFFF30];
	v0 =	vadd.f32 v62, v0  }
0x1c6: {  	v1 =	vor.u32 v11, v1;
	v57 =	vsub.f32 $1.500000000e+00, v52;
	v52 =	vld.idx.msk [tilespmem:v53+s16+$0x0], $0xffff;
	v55 =	vmov s18  }
0x1c7: {  	(xrf2) =	vadd.scan.msk.f32 $0xffff, v5;
	v5 =	vld [tilespmem:s3+$0xFFFFFF40];
	v0 =	vadd.f32 v44, v0;
	v51 =	vsub.f32 v34, v55  }
0x1c8: {  	v30 =	vmovc v49;
	v53 =	vmul.f32 v57, v2;
	s24 =	smul.f32 s18, s18;
	v49 =	vsub.f32 v37, v55;
	v34 =	vadd.f32 v4, v61  }
0x1c9: {  	v2 =	vld.idx.msk [tilespmem:v54+s16+$0x0], $0xffff;
	(xrf2) =	vadd.scan.msk.f32 $0xffff, v0;
	v44 =	vsub.f32 v32, v55;
	v32 =	vadd.f32 v63, v60  }
0x1ca: {  	v45 =	vsub.f32 v39, v55;
	v4 =	vld [tilespmem:s3+$0xFFFFFF50];
	v37 =	vadd.f32 v6, v3;
	v3 =	vmul.f32 v53, v15;
	s17 =	ssub.f32 s17, s24  }
0x1cb: {  	v1 =	vld.idx.msk [tilespmem:v1+s16+$0x0], $0xffff;
	v50 =	vsub.f32 v38, v55;
	v0 =	vmul.f32 v34, v34;
	v38 =	vmul.f32 v32, v32  }
0x1cc: {  	v39 =	vld [tilespmem:s3+$0xFFFFFF60];
	v6 =	vadd.f32 v32, v34;
	v60 =	vmul.f32 v37, v37;
	v5 =	vadd.f32 v52, v5;
	s17 =	sadd.f32 $9.999999960e-13, s17  }
0x1cd: {  	v61 =	vld.idx.msk [tilespmem:v58+s16+$0x0], $0xffff;
	v3 =	vmul.f32 v3, v56;
	v56 =	vsub.f32 v35, v55;
	v0 =	vadd.f32 v38, v0  }
0x1ce: {  	v6 =	vadd.f32 v37, v6;
	v38 =	vld [tilespmem:s3+$0xFFFFFF70];
	v62 =	vmul.f32 v5, v5;
	v54 =	vmov s17  }
0x1cf: {  	v52 =	vadd.f32 v2, v4;
	v2 =	vld.idx.msk [tilespmem:v59+s16+$0x0], $0xffff;
	v58 =	vmul.f32 $5.000000000e-01, v54;
	v54 =	vshra.s32 v54, $0x1  }
0x1d0: {  	v59 =	vld [tilespmem:s3+$0xFFFFFF80];
	v0 =	vadd.f32 v60, v0;
	v4 =	vsub.s32 $0x5F3759DF, v54;
	v54 =	vsub.f32 v33, v55;
	v33 =	vmovc v5  }
0x1d1: {  	v1 =	vadd.f32 v1, v39;
	v63, _, _ =	vpop (xrf2);
	v60 =	vmul.f32 v4, v58;
	v5 =	vadd.f32 v33, v6  }
0x1d2: {  	p0 =	slt.u32 s4, $0xFE;
	v15 =	vmul.f32 v52, v52;
	v0 =	vadd.f32 v62, v0;
	(v2sf) =	vpush v63, $0xF  }
.Ltmp1:
0x1d3: {  	v38 =	vadd.f32 v61, v38;
	v6, _, _ =	vpop (xrf2);
	v39 =	vmul.f32 v4, v60;
	v5 =	vadd.f32 v52, v5;
	(pc) =	sbr.rel @p0 .LBB2_4-.Ltmp1, $4  }
0x1d4: {  	v60 =	vmul.f32 v1, v1;
	v0 =	vadd.f32 v15, v0;
	(v2sf) =	vpush v6, $0xF  }
0x1d5: {  	v57 =	vmul.f32 v53, v20;
	v62 =	vsub.f32 $1.500000000e+00, v39;
	v39 =	vadd.f32 v2, v59  }
0x1d6: {  	v63 =	vmul.f32 v38, v38;
	v61 =	vadd.f32 v1, v5;
	v0 =	vadd.f32 v60, v0  }
0x1d7: {  	s4 =	sadd.s32 $0x2, s4;
	s5 =	smov.u32 s2;
	s2 =	smov.u32 s3;
	v35 =	vmovc v1;
	v59 =	vadd.f32 v3, v14;
	v60 =	vmul.f32 v4, v62;
	v62 =	vmul.f32 v39, v39  }
0x1d8: {  	v0 =	vadd.f32 v63, v0  }
0x1d9: {  	v1 =	vadd.f32 v38, v61  }
0x1da: {  	v0 =	vadd.f32 v62, v0  }
0x1db: {  	v1 =	vadd.f32 v39, v1  }
0x1dc: {  	(xrf2) =	vadd.scan.msk.f32 $0xffff, v0  }
0x1dd: {  	(xrf2) =	vadd.scan.msk.f32 $0xffff, v1;
	_ =	sdelay $0x8  }
0x1de: {  	v0, _, _ =	vpop (xrf2)  }
0x1df: {  	(v2sf) =	vpush v0, $0xF;
	v0, _, _ =	vpop (xrf2)  }
0x1e0: {  	(v2sf) =	vpush v0, $0xF  }
0x1e1: {  	s3 =	spop (v2sf)  }
0x1e2: {  	s3 =	smul.f32 $7.812500000e-03, s3  }
0x1e3: {  	v61 =	vld [tilespmem:$0x1FF70]  }
0x1e4: {  	v15 =	vld [tilespmem:$0x1FF80];
	v5 =	vmul.f32 v53, v17;
	s4 =	spop (v2sf);
	s17 =	smul.f32 s3, s3;
	v0 =	vmul.f32 v60, v58  }
0x1e5: {  	v3 =	vmul.f32 v53, v21;
	v6 =	vsub.f32 v24, v55;
	v24 =	vmul.f32 v57, v42;
	s4 =	smul.f32 $7.812500000e-03, s4  }
0x1e6: {  	v5 =	vmul.f32 v5, v48;
	v0 =	vmul.f32 v0, v60  }
0x1e7: {  	v16 =	vld [tilespmem:$0x1FFB0];
	v3 =	vmul.f32 v3, v46;
	v1 =	vmul.f32 v53, v22;
	s4 =	ssub.f32 s4, s17  }
0x1e8: {  	v48 =	vmul.f32 v53, v23;
	v2 =	vmul.f32 v53, v61;
	v0 =	vsub.f32 $1.500000000e+00, v0  }
0x1e9: {  	v14 =	vld [tilespmem:$0x1FFE0];
	v4 =	vmul.f32 v53, v15;
	v1 =	vmul.f32 v1, v40;
	s4 =	sadd.f32 $9.999999960e-13, s4  }
0x1ea: {  	v2 =	vmul.f32 v2, v41;
	v0 =	vmul.f32 v0, v60  }
0x1eb: {  	v57 =	vld [tilespmem:$0x1FF90];
	v4 =	vmul.f32 v4, v43;
	v40 =	vmul.f32 v48, v47;
	v60 =	vmov s4  }
0x1ec: {  	v24 =	vadd.f32 v24, v16;
	v48 =	vmul.f32 $5.000000000e-01, v60;
	v53 =	vmul.f32 v0, v22  }
0x1ed: {  	v1 =	vadd.f32 v1, v18;
	v58 =	vld [tilespmem:$0x1FFC0];
	v42 =	vmul.f32 v0, v23;
	v55 =	vmul.f32 v0, v21  }
0x1ee: {  	v62 =	vshra.s32 v60, $0x1;
	v46 =	vmul.f32 v0, v20;
	v47 =	vmul.f32 v0, v14;
	s22 =	spop (v2sf)  }
0x1ef: {  	v41 =	vmul.f32 v53, v51;
	v43 =	vmul.f32 v55, v49;
	v51 =	vsub.s32 $0x5F3759DF, v62;
	s24 =	spop (v2sf)  }
0x1f0: {  	v2 =	vadd.f32 v2, v57;
	v60 =	vld [tilespmem:$0x1FFD0];
	v49 =	vmul.f32 v0, v17;
	v55 =	vmul.f32 v51, v48;
	s17 =	smul.f32 $7.812500000e-03, s24  }
0x1f1: {  	v40 =	vadd.f32 v40, v19;
	v53 =	vmul.f32 v0, v61;
	v42 =	vmul.f32 v42, v45;
	s4 =	smul.f32 $7.812500000e-03, s22  }
0x1f2: {  	v4 =	vadd.f32 v4, v58;
	v45 =	vmul.f32 v46, v54;
	v54 =	vmul.f32 v51, v55;
	s18 =	smul.f32 s17, s17  }
0x1f3: {  	v63 =	vmul.f32 v47, v50;
	v0 =	vmul.f32 v0, v15;
	v50 =	vmov s3  }
0x1f4: {  	v62 =	vld [tilespmem:$0x1FFA0];
	[tilespmem:s5+$0xFFFFFFF0] =	vst v59;
	v28 =	vsub.f32 v28, v50;
	v44 =	vmul.f32 v53, v44;
	v47 =	vsub.f32 $1.500000000e+00, v54;
	s4 =	ssub.f32 s4, s18  }
0x1f5: {  	[tilespmem:s5+$0xFFFFFFA0] =	vst v2;
	v5 =	vadd.f32 v5, v60;
	v41 =	vadd.f32 v41, v18  }
0x1f6: {  	v0 =	vmul.f32 v0, v6;
	v53 =	vld [tilespmem:$0x1FFF0];
	v6 =	vadd.f32 v44, v57;
	v44 =	vmul.f32 v51, v47;
	s18 =	sadd.f32 $9.999999960e-13, s4  }
0x1f7: {  	v45 =	vadd.f32 v45, v16;
	v49 =	vmul.f32 v49, v56;
	v42 =	vadd.f32 v42, v19  }
0x1f8: {  	[tilespmem:s5+$0xFFFFFF90] =	vst v1;
	v1 =	vsub.f32 v36, v50;
	v48 =	vmul.f32 v44, v48;
	v55 =	vmov s18  }
0x1f9: {  	v47 =	vadd.f32 v49, v60;
	v51 =	vmul.f32 $5.000000000e-01, v55;
	v49 =	vshra.s32 v55, $0x1  }
0x1fa: {  	[tilespmem:s5+$0xFFFFFFD0] =	vst v4;
	v4 =	vsub.f32 v26, v50;
	v59 =	vmul.f32 v48, v44;
	v56 =	vsub.s32 $0x5F3759DF, v49  }
0x1fb: {  	v26 =	vsub.f32 v27, v50;
	v2 =	vadd.f32 v63, v53;
	v63 =	vmul.f32 v56, v51  }
0x1fc: {  	[tilespmem:s5+$0xFFFFFFC0] =	vst v24;
	v24 =	vsub.f32 v25, v50;
	v27 =	vsub.f32 $1.500000000e+00, v59  }
0x1fd: {  	[tilespmem:s5+$0xFFFFFFE0] =	vst v5;
	v5 =	vsub.f32 v29, v50;
	v3 =	vadd.f32 v3, v62;
	v29 =	vmul.f32 v56, v63  }
0x1fe: {  	v25 =	vsub.f32 v30, v50;
	v30 =	vsub.f32 v31, v50;
	v27 =	vmul.f32 v27, v44  }
0x1ff: {  	v0 =	vadd.f32 v0, v58;
	[tilespmem:s5+$0xFFFFFFB0] =	vst v3;
	v3 =	vmov s17;
	v29 =	vsub.f32 $1.500000000e+00, v29  }
0x200: {  	[tilespmem:s5+$0x0] =	vst v40;
	v43 =	vadd.f32 v43, v62;
	v31 =	vsub.f32 v34, v3;
	v55 =	vmul.f32 v27, v14  }
0x201: {  	[tilespmem:s5+$0xFFFFFF10] =	vst v41;
	v54 =	vsub.f32 v37, v3;
	v59 =	vmul.f32 v27, v20;
	v29 =	vmul.f32 v56, v29  }
0x202: {  	[tilespmem:s5+$0xFFFFFF80] =	vst v42;
	v32 =	vsub.f32 v32, v3;
	v48 =	vmul.f32 v27, v22;
	v49 =	vmul.f32 v27, v61  }
0x203: {  	[tilespmem:s5+$0xFFFFFF40] =	vst v45;
	v33 =	vsub.f32 v33, v3;
	v50 =	vmul.f32 v27, v21;
	v46 =	vmul.f32 v29, v51  }
0x204: {  	[tilespmem:s5+$0xFFFFFF20] =	vst v6;
	v35 =	vsub.f32 v35, v3;
	v6 =	vmul.f32 v27, v15;
	v1 =	vmul.f32 v55, v1  }
0x205: {  	[tilespmem:s5+$0xFFFFFF70] =	vst v2;
	v2 =	vsub.f32 v52, v3;
	v4 =	vmul.f32 v49, v4;
	v36 =	vmul.f32 v46, v29  }
0x206: {  	[tilespmem:s5+$0xFFFFFF50] =	vst v0;
	v63 =	vsub.f32 v38, v3;
	v0 =	vmul.f32 v48, v28;
	v24 =	vmul.f32 v50, v24  }
0x207: {  	[tilespmem:s5+$0xFFFFFF30] =	vst v43;
	v1 =	vadd.f32 v1, v53;
	v51 =	vmul.f32 v27, v17;
	v28 =	vsub.f32 $1.500000000e+00, v36  }
0x208: {  	[tilespmem:s5+$0xFFFFFF60] =	vst v47;
	v56 =	vsub.f32 v39, v3;
	v3 =	vadd.f32 v4, v57;
	v4 =	vmul.f32 v6, v5  }
0x209: {  	v0 =	vadd.f32 v0, v18;
	[tilespmem:s2+$0xFFFFFFF0] =	vst v1;
	v5 =	vmul.f32 v51, v25;
	v1 =	vmul.f32 v28, v29  }
0x20a: {  	v6 =	vmul.f32 v59, v26;
	[tilespmem:s2+$0xFFFFFFA0] =	vst v3;
	v3 =	vadd.f32 v4, v58;
	v4 =	vmul.f32 v27, v23  }
0x20b: {  	v24 =	vadd.f32 v24, v62;
	[tilespmem:s2+$0xFFFFFF90] =	vst v0;
	v0 =	vadd.f32 v5, v60;
	v25 =	vmul.f32 v1, v22  }
0x20c: {  	[tilespmem:s2+$0xFFFFFFD0] =	vst v3;
	v3 =	vmul.f32 v4, v30;
	v5 =	vadd.f32 v6, v16;
	v6 =	vmul.f32 v1, v21  }
0x20d: {  	[tilespmem:s2+$0xFFFFFFE0] =	vst v0;
	v4 =	vmul.f32 v1, v23;
	v0 =	vmul.f32 v25, v31  }
0x20e: {  	[tilespmem:s2+$0xFFFFFFB0] =	vst v24;
	v3 =	vadd.f32 v3, v19;
	v25 =	vmul.f32 v1, v20;
	v6 =	vmul.f32 v6, v54  }
0x20f: {  	[tilespmem:s2+$0xFFFFFFC0] =	vst v5;
	v24 =	vmul.f32 v1, v61;
	v4 =	vmul.f32 v4, v56;
	v0 =	vadd.f32 v0, v18  }
0x210: {  	[tilespmem:s2+$0x0] =	vst v3;
	v5 =	vmul.f32 v1, v17;
	v3 =	vmul.f32 v25, v33;
	v6 =	vadd.f32 v6, v62  }
0x211: {  	v24 =	vmul.f32 v24, v32;
	v4 =	vadd.f32 v4, v19;
	[tilespmem:s2+$0xFFFFFF10] =	vst v0;
	v0 =	vmul.f32 v1, v15  }
0x212: {  	v5 =	vmul.f32 v5, v35;
	v1 =	vmul.f32 v1, v14;
	v3 =	vadd.f32 v3, v16;
	[tilespmem:s2+$0xFFFFFF30] =	vst v6  }
0x213: {  	[tilespmem:s2+$0xFFFFFF80] =	vst v4;
	v4 =	vadd.f32 v24, v57;
	v0 =	vmul.f32 v0, v2  }
0x214: {  	v2 =	vadd.f32 v5, v60;
	v1 =	vmul.f32 v1, v63;
	[tilespmem:s2+$0xFFFFFF40] =	vst v3  }
0x215: {  	[tilespmem:s2+$0xFFFFFF20] =	vst v4;
	v0 =	vadd.f32 v0, v58  }
0x216: {  	[tilespmem:s2+$0xFFFFFF60] =	vst v2;
	v1 =	vadd.f32 v1, v53  }
0x217: {  	s22 =	simm.s32 $0x101;
	[tilespmem:s2+$0xFFFFFF50] =	vst v0  }
0x218: {  	[tilespmem:s2+$0xFFFFFF70] =	vst v1;
	v0 =	vmov s22  }
0x219: {  	[hbm4b:s10+s6] =	stream.linear.scatter [tilespmem:s21], [sflag:$0x6], $0x4000, $0x38;
	[tilespmem:$0x10600] =	vst v63  }
0x21a: {  	_ =	swait.ge [sflag:s29], $0x4000  }
0x21b: {  	[sflag:s29] =	ssyncset.done $0x0  }
0x21c: {  	[sflag:s29] =	ssyncadd.s32 $0xFFFFC000  }
0x21d: {  	v0 =	vld.idx.msk [tilespmem:v0+s15+$0x0], $0xffff;
	_ =	sdelay $0x4  }
0x21e: {  	v0 =	vshll.u32 v0, $0x7  }
0x21f: {  	v15 =	vlaneseq.u32;
	v1 =	vor.u32 v7, v0  }
0x220: {  	s5 =	simm.s32 $0x84F0;
	v2 =	vor.u32 v15, v0  }
0x221: {  	v4 =	vld [tilespmem:s5+$0xFFFFFFF0]  }
0x222: {  	v5 =	vld [tilespmem:s5+$0xFFFFFF90];
	v3 =	vor.u32 v8, v0  }
0x223: {  	v24 =	vld [tilespmem:s5+$0xFFFFFFA0]  }
0x224: {  	v6 =	vor.u32 v9, v0;
	v1 =	vld.idx.msk [tilespmem:v1+s16+$0x0], $0xffff  }
0x225: {  	v2 =	vld.idx.msk [tilespmem:v2+s16+$0x0], $0xffff  }
0x226: {  	v28 =	vld [tilespmem:s5+$0xFFFFFFB0];
	v26 =	vor.u32 v10, v0  }
0x227: {  	s24 =	simm.s32 $0x100;
	v3 =	vld.idx.msk [tilespmem:v3+s16+$0x0], $0xffff  }
0x228: {  	v25 =	vmov s24;
	v54 =	vld [tilespmem:s5+$0xFFFFFFC0];
	v29 =	vor.u32 v11, v0  }
0x229: {  	v25 =	vand.u32 $0xFFFFFFFE, v25;
	v30 =	vor.u32 v12, v0;
	v0 =	vor.u32 v13, v0;
	v6 =	vld.idx.msk [tilespmem:v6+s16+$0x0], $0xffff  }
0x22a: {  	v16 =	vmovc v53;
	v53 =	vbroadcast v25, $0x0;
	v55 =	vld [tilespmem:s5+$0xFFFFFFD0];
	v27 =	vadd.f32 v1, v24;
	v25 =	vadd.f32 v2, v5  }
0x22b: {  	v1 =	vld.idx.msk [tilespmem:v26+s16+$0x0], $0xffff  }
0x22c: {  	v2 =	vld [tilespmem:s5+$0xFFFFFFE0];
	v31 =	vadd.f32 v3, v28;
	v3 =	vadd.f32 v27, v25  }
0x22d: {  	v24 =	vld.idx.msk [tilespmem:v29+s16+$0x0], $0xffff;
	v5 =	vmul.f32 v27, v27;
	v26 =	vmul.f32 v25, v25  }
0x22e: {  	v0 =	vld.idx.msk [tilespmem:v0+s16+$0x0], $0xffff;
	v29 =	vadd.f32 v6, v54;
	v3 =	vadd.f32 v31, v3  }
0x22f: {  	v28 =	vld.idx.msk [tilespmem:v30+s16+$0x0], $0xffff;
	v56 =	vmul.f32 v31, v31;
	v5 =	vadd.f32 v5, v26  }
0x230: {  	v6 =	vld.idx.msk [tilespmem:v53+s15+$0x0], $0xffff;
	v30 =	vadd.f32 v1, v55;
	v1 =	vadd.f32 v29, v3  }
0x231: {  	v26 =	vld [tilespmem:s5+$0x0];
	v3 =	vmul.f32 v29, v29;
	v5 =	vadd.f32 v56, v5  }
0x232: {  	v32 =	vadd.f32 v24, v2;
	v1 =	vadd.f32 v30, v1  }
0x233: {  	v2 =	vmul.f32 v30, v30;
	v3 =	vadd.f32 v3, v5  }
0x234: {  	v4 =	vadd.f32 v28, v4;
	v1 =	vadd.f32 v32, v1  }
0x235: {  	v5 =	vshll.u32 v6, $0x7;
	v6 =	vmul.f32 v32, v32;
	v2 =	vadd.f32 v2, v3  }
0x236: {  	v34 =	vadd.f32 v0, v26;
	v1 =	vadd.f32 v4, v1  }
0x237: {  	v24 =	vmul.f32 v4, v4;
	v0 =	vor.u32 v7, v5;
	v2 =	vadd.f32 v6, v2  }
0x238: {  	v3 =	vor.u32 v15, v5;
	v1 =	vadd.f32 v34, v1  }
0x239: {  	v57 =	vld [tilespmem:s5+$0xFFFFFF10];
	v28 =	vmul.f32 v34, v34;
	v6 =	vor.u32 v8, v5;
	v2 =	vadd.f32 v24, v2  }
0x23a: {  	v58 =	vld [tilespmem:s5+$0xFFFFFF40];
	(xrf2) =	vadd.scan.msk.f32 $0xffff, v1  }
0x23b: {  	v26 =	vld [tilespmem:s5+$0xFFFFFF20];
	v24 =	vor.u32 v9, v5;
	v2 =	vadd.f32 v28, v2  }
0x23c: {  	v0 =	vld.idx.msk [tilespmem:v0+s16+$0x0], $0xffff  }
0x23d: {  	v1 =	vld.idx.msk [tilespmem:v3+s16+$0x0], $0xffff;
	v3 =	vor.u32 v10, v5;
	(xrf2) =	vadd.scan.msk.f32 $0xffff, v2  }
0x23e: {  	v6 =	vld.idx.msk [tilespmem:v6+s16+$0x0], $0xffff  }
0x23f: {  	v28 =	vor.u32 v11, v5;
	v2 =	vld [tilespmem:s5+$0xFFFFFF30]  }
0x240: {  	v24 =	vld.idx.msk [tilespmem:v24+s16+$0x0], $0xffff  }
0x241: {  	v59 =	vor.u32 v12, v5;
	v33 =	vadd.f32 v0, v26;
	v0 =	vld [tilespmem:s5+$0xFFFFFF50]  }
0x242: {  	v3 =	vld.idx.msk [tilespmem:v3+s16+$0x0], $0xffff;
	v37 =	vadd.f32 v1, v57  }
0x243: {  	v61 =	vld [tilespmem:s5+$0xFFFFFF70];
	v1 =	vor.u32 v13, v5  }
0x244: {  	v5 =	vld.idx.msk [tilespmem:v28+s16+$0x0], $0xffff;
	v26 =	vmul.f32 v37, v37;
	v38 =	vadd.f32 v6, v2;
	v2 =	vmul.f32 v33, v33;
	v28, _, _ =	vpop (xrf2)  }
0x245: {  	v6 =	vld [tilespmem:s5+$0xFFFFFF60];
	(v2sf) =	vpush v28, $0xF  }
0x246: {  	v60 =	vld.idx.msk [tilespmem:v59+s16+$0x0], $0xffff;
	v54 =	vadd.f32 v24, v58;
	v2 =	vadd.f32 v2, v26;
	v28 =	vmul.f32 v38, v38  }
0x247: {  	v26 =	vadd.f32 v33, v37;
	v24 =	vadd.f32 v3, v0;
	v0, _, _ =	vpop (xrf2)  }
0x248: {  	v3 =	vmul.f32 v54, v54;
	v1 =	vld.idx.msk [tilespmem:v1+s16+$0x0], $0xffff;
	v2 =	vadd.f32 v28, v2;
	(v2sf) =	vpush v0, $0xF  }
0x249: {  	v0 =	vadd.f32 v38, v26;
	v26 =	vld [tilespmem:s5+$0xFFFFFF80]  }
0x24a: {  	v56 =	vadd.f32 v5, v6;
	v5 =	vmul.f32 v24, v24;
	v2 =	vadd.f32 v3, v2  }
0x24b: {  	s3 =	simm.s32 $0x103;
	v35 =	vadd.f32 v60, v61;
	v0 =	vadd.f32 v54, v0  }
0x24c: {  	v3 =	vmul.f32 v56, v56;
	v2 =	vadd.f32 v5, v2;
	v5 =	vmov s3  }
0x24d: {  	v0 =	vadd.f32 v24, v0  }
0x24e: {  	v6 =	vmul.f32 v35, v35;
	v39 =	vadd.f32 v1, v26;
	v1 =	vadd.f32 v3, v2  }
0x24f: {  	v0 =	vadd.f32 v56, v0  }
0x250: {  	v2 =	vmul.f32 v39, v39;
	v1 =	vadd.f32 v6, v1  }
0x251: {  	v0 =	vadd.f32 v35, v0;
	v3 =	vld.idx.msk [tilespmem:v5+s15+$0x0], $0xffff  }
0x252: {  	v1 =	vadd.f32 v2, v1  }
0x253: {  	v0 =	vadd.f32 v39, v0  }
0x254: {  	(xrf2) =	vadd.scan.msk.f32 $0xffff, v1;
	s4 =	spop (v2sf)  }
0x255: {  	(xrf2) =	vadd.scan.msk.f32 $0xffff, v0;
	s2 =	smul.f32 $7.812500000e-03, s4  }
0x256: {  	s3 =	simm.s32 $0x85F0;
	v0 =	vshll.u32 v3, $0x7  }
0x257: {  	v28 =	vld [tilespmem:s3+$0xFFFFFFA0];
	s18 =	spop (v2sf);
	v1 =	vor.u32 v7, v0;
	s17 =	smul.f32 s2, s2  }
0x258: {  	v52 =	vld [tilespmem:s3+$0xFFFFFFB0];
	v2 =	vor.u32 v15, v0;
	s22 =	smul.f32 $7.812500000e-03, s18  }
0x259: {  	s24 =	simm.s32 $0x102;
	v58 =	vld [tilespmem:s3+$0xFFFFFFC0];
	v3 =	vor.u32 v8, v0  }
0x25a: {  	v62 =	vmov s24;
	v6 =	vld [tilespmem:s3+$0xFFFFFF90];
	v26 =	vor.u32 v9, v0;
	s4 =	ssub.f32 s22, s17  }
0x25b: {  	v36 =	vand.u32 $0xFFFFFFFE, v62;
	v5 =	vld [tilespmem:s3+$0xFFFFFFD0];
	v55 =	vor.u32 v11, v0  }
0x25c: {  	v36 =	vbroadcast v36, $0x0;
	v63 =	vor.u32 v10, v0;
	s4 =	sadd.f32 $9.999999960e-13, s4;
	v1 =	vld.idx.msk [tilespmem:v1+s16+$0x0], $0xffff  }
0x25d: {  	v2 =	vld.idx.msk [tilespmem:v2+s16+$0x0], $0xffff  }
0x25e: {  	v57 =	vor.u32 v12, v0;
	v3 =	vld.idx.msk [tilespmem:v3+s16+$0x0], $0xffff;
	v49, _, _ =	vpop (xrf2);
	v50 =	vmov s4  }
0x25f: {  	v46 =	vld.idx.msk [tilespmem:v26+s16+$0x0], $0xffff;
	(v2sf) =	vpush v49, $0xF;
	v51 =	vshra.s32 v50, $0x1;
	v53, _, _ =	vpop (xrf2);
	v49 =	vmov s2  }
0x260: {  	v45 =	vld.idx.msk [tilespmem:v55+s16+$0x0], $0xffff;
	v44 =	vmul.f32 $5.000000000e-01, v50;
	(v2sf) =	vpush v53, $0xF;
	v40 =	vsub.f32 v25, v49  }
0x261: {  	v47 =	vsub.s32 $0x5F3759DF, v51;
	v4 =	vsub.f32 v4, v49;
	v26 =	vadd.f32 v1, v28;
	v1 =	vld.idx.msk [tilespmem:v63+s16+$0x0], $0xffff  }
0x262: {  	v41 =	vsub.f32 v27, v49;
	v59 =	vmul.f32 v47, v44;
	v28 =	vadd.f32 v2, v6;
	v6 =	vld.idx.msk [tilespmem:v36+s15+$0x0], $0xffff  }
0x263: {  	v0 =	vor.u32 v13, v0;
	v42 =	vsub.f32 v29, v49;
	v25 =	vadd.f32 v3, v52;
	v3 =	vld [tilespmem:s3+$0xFFFFFFE0]  }
0x264: {  	v55 =	vld.idx.msk [tilespmem:v57+s16+$0x0], $0xffff;
	v43 =	vsub.f32 v30, v49;
	v27 =	vadd.f32 v46, v58;
	v2 =	vmul.f32 v47, v59  }
0x265: {  	v36 =	vld [tilespmem:s3+$0xFFFFFFF0];
	v60 =	vmul.f32 v26, v26;
	v61 =	vmul.f32 v28, v28;
	v62 =	vadd.f32 v26, v28  }
0x266: {  	v46 =	vsub.f32 v31, v49;
	v63 =	vmul.f32 v25, v25;
	v2 =	vsub.f32 $1.500000000e+00, v2  }
0x267: {  	v59 =	vmul.f32 v27, v27;
	v57 =	vadd.f32 v60, v61;
	v58 =	vadd.f32 v25, v62  }
0x268: {  	v0 =	vld.idx.msk [tilespmem:v0+s16+$0x0], $0xffff;
	v29 =	vadd.f32 v1, v5;
	v1 =	vshll.u32 v6, $0x7;
	v30 =	vadd.f32 v45, v3  }
0x269: {  	v60 =	vld [tilespmem:s3+$0x0];
	v5 =	vadd.f32 v27, v58;
	v6 =	vor.u32 v15, v1;
	v48 =	vadd.f32 v63, v57  }
0x26a: {  	v36 =	vadd.f32 v55, v36;
	v2 =	vmul.f32 v47, v2;
	v50 =	vor.u32 v7, v1  }
0x26b: {  	v61 =	vmul.f32 v29, v29;
	v3 =	vadd.f32 v29, v5;
	v62 =	vadd.f32 v59, v48  }
0x26c: {  	v52 =	vld [tilespmem:s3+$0xFFFFFF20];
	v53 =	vor.u32 v9, v1;
	v58 =	vor.u32 v10, v1;
	v5 =	vor.u32 v8, v1  }
0x26d: {  	v57 =	vld [tilespmem:s3+$0xFFFFFF10];
	v63 =	vmul.f32 v30, v30;
	v3 =	vadd.f32 v30, v3;
	v45 =	vadd.f32 v61, v62  }
0x26e: {  	v47 =	vsub.f32 v34, v49;
	v44 =	vmul.f32 v2, v44;
	v31 =	vadd.f32 v0, v60;
	v6 =	vld.idx.msk [tilespmem:v6+s16+$0x0], $0xffff  }
0x26f: {  	v0 =	vld.idx.msk [tilespmem:v50+s16+$0x0], $0xffff;
	v50 =	vmul.f32 v36, v36;
	v3 =	vadd.f32 v36, v3;
	v55 =	vadd.f32 v63, v45;
	s18 =	spop (v2sf)  }
0x270: {  	v48 =	vsub.f32 v32, v49;
	v59 =	vld [tilespmem:s3+$0xFFFFFF30];
	v60 =	vor.u32 v11, v1;
	v44 =	vmul.f32 v44, v2;
	s22 =	spop (v2sf)  }
0x271: {  	v34 =	vmul.f32 v31, v31;
	v5 =	vld.idx.msk [tilespmem:v5+s16+$0x0], $0xffff;
	v3 =	vadd.f32 v31, v3;
	v32 =	vadd.f32 v50, v55;
	s4 =	smul.f32 $7.812500000e-03, s22  }
0x272: {  	v61 =	vor.u32 v12, v1;
	v1 =	vor.u32 v13, v1;
	v44 =	vsub.f32 $1.500000000e+00, v44;
	s2 =	smul.f32 $7.812500000e-03, s18;
	v50 =	vld.idx.msk [tilespmem:v53+s16+$0x0], $0xffff  }
0x273: {  	(xrf2) =	vadd.scan.msk.f32 $0xffff, v3;
	v3 =	vld [tilespmem:s3+$0xFFFFFF40];
	v63 =	vadd.f32 v34, v32;
	v34 =	vadd.f32 v6, v57;
	s24 =	smul.f32 s4, s4;
	v55 =	vmov s4  }
0x274: {  	v53 =	vmul.f32 v44, v2;
	v32 =	vadd.f32 v0, v52;
	v0 =	vld [tilespmem:s3+$0xFFFFFF50];
	v51 =	vsub.f32 v37, v55  }
0x275: {  	v49 =	vsub.f32 v38, v55;
	v38 =	vld.idx.msk [tilespmem:v58+s16+$0x0], $0xffff;
	v45 =	vsub.f32 v39, v55;
	v6 =	vmul.f32 v34, v34;
	s2 =	ssub.f32 s2, s24  }
0x276: {  	v2 =	vld.idx.msk [tilespmem:v60+s16+$0x0], $0xffff;
	v37 =	vadd.f32 v5, v59;
	v5 =	vmul.f32 v32, v32;
	v44 =	vsub.f32 v33, v55  }
0x277: {  	(xrf2) =	vadd.scan.msk.f32 $0xffff, v63;
	v39 =	vld [tilespmem:s3+$0xFFFFFF60];
	v52 =	vadd.f32 v32, v34;
	v54 =	vsub.f32 v54, v55;
	s2 =	sadd.f32 $9.999999960e-13, s2  }
0x278: {  	v59 =	vld.idx.msk [tilespmem:v61+s16+$0x0], $0xffff;
	v60 =	vmul.f32 v37, v37;
	v33 =	vadd.f32 v50, v3;
	v3 =	vadd.f32 v5, v6  }
0x279: {  	v56 =	vsub.f32 v56, v55;
	v5 =	vld [tilespmem:s3+$0xFFFFFF70];
	v6 =	vadd.f32 v37, v52;
	v57 =	vmov s2  }
0x27a: {  	v1 =	vld.idx.msk [tilespmem:v1+s16+$0x0], $0xffff;
	v52 =	vadd.f32 v38, v0;
	v0 =	vmul.f32 v33, v33;
	v3 =	vadd.f32 v60, v3  }
0x27b: {  	v60 =	vld [tilespmem:s3+$0xFFFFFF80];
	v6 =	vadd.f32 v33, v6;
	v58 =	vmul.f32 $5.000000000e-01, v57;
	v57 =	vshra.s32 v57, $0x1  }
0x27c: {  	v50 =	vsub.f32 v35, v55;
	v35 =	vadd.f32 v2, v39;
	v62 =	vsub.s32 $0x5F3759DF, v57  }
0x27d: {  	v0 =	vadd.f32 v0, v3;
	v6 =	vadd.f32 v52, v6;
	v2 =	vmul.f32 v62, v58  }
0x27e: {  	v57 =	vmul.f32 v53, v20;
	v38 =	vadd.f32 v59, v5;
	v5 =	vmul.f32 v53, v14;
	v3, _, _ =	vpop (xrf2)  }
0x27f: {  	(v2sf) =	vpush v3, $0xF;
	v3 =	vmul.f32 v52, v52;
	v2 =	vmul.f32 v62, v2  }
0x280: {  	v61 =	vadd.f32 v35, v6;
	v39 =	vadd.f32 v1, v60;
	v4 =	vmul.f32 v5, v4  }
0x281: {  	v1, _, _ =	vpop (xrf2);
	v0 =	vadd.f32 v3, v0;
	v3 =	vmul.f32 v35, v35;
	v2 =	vsub.f32 $1.500000000e+00, v2  }
0x282: {  	v63 =	vmul.f32 v38, v38;
	(v2sf) =	vpush v1, $0xF;
	v59 =	vadd.f32 v4, v16  }
0x283: {  	s4 =	simm.s32 $0x104;
	s2 =	simm.s32 $0x85F0;
	v0 =	vadd.f32 v3, v0;
	v60 =	vmul.f32 v62, v2;
	v62 =	vmul.f32 v39, v39  }
.LBB2_6:
0x284: {  	v16 =	vld [tilespmem:$0x1FF70];
	_ =	sdelay $0x1  }
0x285: {  	s18 =	sadd.s32 $0x1, s4  }
0x286: {  	v14 =	vld [tilespmem:$0x1FF80];
	v1 =	vmul.f32 v60, v58;
	v3 =	vmov s18  }
0x287: {  	v2 =	vmul.f32 v53, v22;
	v6 =	vsub.f32 v24, v55;
	v24 =	vmovc v52;
	v52 =	vmul.f32 v57, v42;
	v57 =	vld [tilespmem:$0x1FF90]  }
0x288: {  	v0 =	vadd.f32 v63, v0;
	v1 =	vmul.f32 v1, v60;
	v4 =	vmul.f32 v53, v16  }
0x289: {  	v2 =	vmul.f32 v2, v40  }
0x28a: {  	[tilespmem:s5+$0xFFFFFFF0] =	vst v59;
	v58 =	vld [tilespmem:$0x1FFC0];
	v0 =	vadd.f32 v62, v0;
	v1 =	vsub.f32 $1.500000000e+00, v1;
	v4 =	vmul.f32 v4, v41  }
0x28b: {  	v5 =	vmul.f32 v53, v21;
	v63 =	vmul.f32 v53, v14;
	v3 =	vld.idx.msk [tilespmem:v3+s15+$0x0], $0xffff  }
0x28c: {  	(xrf2) =	vadd.scan.msk.f32 $0xffff, v0;
	v0 =	vadd.f32 v2, v18;
	v1 =	vmul.f32 v1, v60;
	v60 =	vld [tilespmem:$0x1FFB0];
	v2 =	vadd.f32 v4, v57  }
0x28d: {  	v55 =	vmul.f32 v53, v17;
	v15 =	vld [tilespmem:$0x1FFE0];
	v4 =	vmul.f32 v63, v43  }
0x28e: {  	v62 =	vld [tilespmem:$0x1FFA0];
	v43 =	vmul.f32 v1, v23;
	[tilespmem:s5+$0xFFFFFFA0] =	vst v2;
	v2 =	vmul.f32 v5, v46  }
0x28f: {  	v59 =	vld [tilespmem:$0x1FFD0];
	v4 =	vadd.f32 v4, v58;
	v5 =	vmul.f32 v53, v23;
	v53 =	vmul.f32 v1, v22  }
0x290: {  	v46 =	vmul.f32 v1, v20;
	v3 =	vshll.u32 v3, $0x7;
	v43 =	vmul.f32 v43, v45  }
0x291: {  	v40 =	vadd.f32 v52, v60;
	v52 =	vmul.f32 v55, v48;
	v55 =	vmul.f32 v1, v21  }
0x292: {  	v42 =	vor.u32 v7, v3;
	[tilespmem:s5+$0xFFFFFFD0] =	vst v4;
	v4 =	vmul.f32 v5, v47;
	v5 =	vadd.f32 v38, v61  }
0x293: {  	v48 =	vmul.f32 v1, v16;
	v2 =	vadd.f32 v2, v62;
	v47 =	vmul.f32 v1, v15  }
0x294: {  	[tilespmem:s5+$0xFFFFFF90] =	vst v0;
	v61 =	vlaneseq.u32;
	v0 =	vadd.f32 v52, v59;
	v5 =	vadd.f32 v39, v5  }
0x295: {  	v41 =	vmul.f32 v55, v49;
	[tilespmem:s5+$0xFFFFFFC0] =	vst v40;
	v40 =	vmul.f32 v1, v17;
	v49 =	vor.u32 v10, v3  }
0x296: {  	s17 =	smov.u32 s4;
	s3 =	sadd.s32 $0x100, s3;
	s24 =	spop (v2sf);
	v44 =	vmul.f32 v48, v44;
	v1 =	vmul.f32 v1, v14;
	v14 =	vld [tilespmem:$0x1FFF0];
	[tilespmem:s5+$0xFFFFFFB0] =	vst v2;
	(xrf2) =	vadd.scan.msk.f32 $0xffff, v5  }
0x297: {  	s18 =	smul.f32 $7.812500000e-03, s24;
	s24 =	spop (v2sf);
	v4 =	vadd.f32 v4, v19;
	[tilespmem:s5+$0xFFFFFFE0] =	vst v0;
	v41 =	vadd.f32 v41, v62;
	v48 =	vld [tilespmem:s3+$0xFFFFFFA0];
	v62 =	vmov s17  }
0x298: {  	s24 =	smul.f32 $7.812500000e-03, s24;
	v0 =	vmul.f32 v53, v51;
	v1 =	vmul.f32 v1, v6;
	v6 =	vand.u32 $0xFFFFFFFE, v62;
	v62 =	vld [tilespmem:s3+$0xFFFFFFB0]  }
0x299: {  	v43 =	vadd.f32 v43, v19;
	v2 =	vor.u32 v61, v3;
	s22 =	smul.f32 s18, s18;
	v53 =	vor.u32 v11, v3;
	[tilespmem:s5+$0x0] =	vst v4;
	v55 =	vld [tilespmem:s3+$0xFFFFFFC0]  }
0x29a: {  	v63, _, _ =	vpop (xrf2);
	v40 =	vmul.f32 v40, v56;
	v4 =	vor.u32 v8, v3;
	v0 =	vadd.f32 v0, v18;
	v45 =	vld [tilespmem:s3+$0xFFFFFFD0]  }
0x29b: {  	[tilespmem:s5+$0xFFFFFF80] =	vst v43;
	(v2sf) =	vpush v63, $0xF;
	v44 =	vadd.f32 v44, v57;
	v5 =	vor.u32 v9, v3;
	s22 =	ssub.f32 s24, s22;
	v42 =	vld.idx.msk [tilespmem:v42+s16+$0x0], $0xffff  }
0x29c: {  	v40 =	vadd.f32 v40, v59;
	v6 =	vbroadcast v6, $0x0;
	v59 =	vld.idx.msk [tilespmem:v49+s16+$0x0], $0xffff;
	[tilespmem:s5+$0xFFFFFF10] =	vst v0;
	v0 =	vmul.f32 v46, v54  }
0x29d: {  	[tilespmem:s5+$0xFFFFFF30] =	vst v41;
	v1 =	vadd.f32 v1, v58;
	v46 =	vmul.f32 v47, v50;
	v47 =	vld [tilespmem:s3+$0xFFFFFF90];
	s22 =	sadd.f32 $9.999999960e-13, s22;
	v50 =	vmov s18  }
0x29e: {  	v2 =	vld.idx.msk [tilespmem:v2+s16+$0x0], $0xffff;
	[tilespmem:s5+$0xFFFFFF60] =	vst v40;
	v40 =	vsub.f32 v28, v50;
	v0 =	vadd.f32 v0, v60  }
0x29f: {  	[tilespmem:s5+$0xFFFFFF20] =	vst v44;
	v56 =	vsub.f32 v36, v50;
	v54 =	vmov s22;
	v4 =	vld.idx.msk [tilespmem:v4+s16+$0x0], $0xffff;
	v60 =	vor.u32 v12, v3  }
0x2a0: {  	v46 =	vadd.f32 v46, v14;
	v63 =	vshra.s32 v54, $0x1;
	v54 =	vmul.f32 $5.000000000e-01, v54;
	[tilespmem:s5+$0xFFFFFF40] =	vst v0;
	v0 =	vld.idx.msk [tilespmem:v5+s16+$0x0], $0xffff;
	v28, _, _ =	vpop (xrf2)  }
0x2a1: {  	[tilespmem:s5+$0xFFFFFF50] =	vst v1;
	v41 =	vsub.f32 v26, v50;
	v5 =	vsub.s32 $0x5F3759DF, v63;
	(v2sf) =	vpush v28, $0xF  }
0x2a2: {  	v51 =	vld [tilespmem:s3+$0xFFFFFFF0];
	v43 =	vsub.f32 v29, v50;
	v58 =	vadd.f32 v42, v48;
	[tilespmem:s5+$0xFFFFFF70] =	vst v46;
	v63 =	vmul.f32 v5, v54  }
0x2a3: {  	v3 =	vor.u32 v13, v3;
	v42 =	vsub.f32 v27, v50;
	v6 =	vld.idx.msk [tilespmem:v6+s15+$0x0], $0xffff;
	v28 =	vadd.f32 v2, v47  }
0x2a4: {  	v29 =	vadd.f32 v59, v45;
	v1 =	vld.idx.msk [tilespmem:v60+s16+$0x0], $0xffff;
	v60 =	vmul.f32 v58, v58;
	v2 =	vmul.f32 v5, v63  }
0x2a5: {  	v52 =	vld [tilespmem:s3+$0xFFFFFFE0];
	v4 =	vadd.f32 v4, v62;
	v27 =	vadd.f32 v0, v55;
	v63 =	vmul.f32 v28, v28  }
0x2a6: {  	v62 =	vld.idx.msk [tilespmem:v53+s16+$0x0], $0xffff;
	v48 =	vadd.f32 v58, v28;
	v2 =	vsub.f32 $1.500000000e+00, v2  }
0x2a7: {  	v49 =	vld [tilespmem:s3+$0x0];
	v46 =	vsub.f32 v25, v50;
	v53 =	vmul.f32 v4, v4;
	v0 =	vadd.f32 v60, v63  }
0x2a8: {  	v3 =	vld.idx.msk [tilespmem:v3+s16+$0x0], $0xffff;
	v57 =	vadd.f32 v4, v48;
	v2 =	vmul.f32 v5, v2;
	v5 =	vmul.f32 v27, v27  }
0x2a9: {  	v60 =	vmul.f32 v29, v29;
	v36 =	vadd.f32 v1, v51;
	v1 =	vshll.u32 v6, $0x7  }
0x2aa: {  	v26 =	vmovc v58;
	v6 =	vor.u32 v61, v1;
	v0 =	vadd.f32 v53, v0;
	v58 =	vadd.f32 v27, v57  }
0x2ab: {  	v47 =	vadd.f32 v62, v52;
	v44 =	vor.u32 v7, v1;
	v59 =	vmul.f32 v2, v54  }
0x2ac: {  	v54 =	vor.u32 v8, v1;
	v0 =	vadd.f32 v5, v0;
	v5 =	vadd.f32 v29, v58  }
0x2ad: {  	v48 =	vsub.f32 v30, v50;
	v3 =	vadd.f32 v3, v49;
	v51 =	vor.u32 v9, v1;
	v57 =	vld [tilespmem:s3+$0xFFFFFF20]  }
0x2ae: {  	v53 =	vmul.f32 v47, v47;
	v0 =	vadd.f32 v60, v0;
	v5 =	vadd.f32 v47, v5;
	v60 =	vld [tilespmem:s3+$0xFFFFFF10]  }
0x2af: {  	v25 =	vmovc v4;
	s18 =	spop (v2sf);
	v52 =	vor.u32 v10, v1;
	v62 =	vmul.f32 v36, v36;
	v30 =	vmov v47;
	v4 =	vld.idx.msk [tilespmem:v6+s16+$0x0], $0xffff  }
0x2b0: {  	s17 =	smul.f32 $7.812500000e-03, s18;
	v45 =	vmul.f32 v59, v2;
	v6 =	vld.idx.msk [tilespmem:v44+s16+$0x0], $0xffff;
	v5 =	vadd.f32 v36, v5;
	v0 =	vadd.f32 v53, v0;
	s22 =	spop (v2sf)  }
0x2b1: {  	v58 =	vor.u32 v12, v1;
	v59 =	vor.u32 v13, v1;
	v47 =	vsub.f32 v31, v50;
	v54 =	vld.idx.msk [tilespmem:v54+s16+$0x0], $0xffff;
	s18 =	smul.f32 $7.812500000e-03, s22  }
0x2b2: {  	v44 =	vmul.f32 v3, v3;
	v31 =	vmovc v3;
	v5 =	vadd.f32 v3, v5;
	v3 =	vld [tilespmem:s3+$0xFFFFFF30];
	v0 =	vadd.f32 v62, v0  }
0x2b3: {  	v1 =	vor.u32 v11, v1;
	v50 =	vsub.f32 $1.500000000e+00, v45;
	v61 =	vld.idx.msk [tilespmem:v51+s16+$0x0], $0xffff;
	v55 =	vmov s18  }
0x2b4: {  	(xrf2) =	vadd.scan.msk.f32 $0xffff, v5;
	v5 =	vld [tilespmem:s3+$0xFFFFFF40];
	v0 =	vadd.f32 v44, v0;
	v51 =	vsub.f32 v34, v55  }
0x2b5: {  	v53 =	vmul.f32 v50, v2;
	s24 =	smul.f32 s18, s18;
	v49 =	vsub.f32 v37, v55;
	v34 =	vadd.f32 v4, v60  }
0x2b6: {  	v2 =	vld.idx.msk [tilespmem:v52+s16+$0x0], $0xffff;
	(xrf2) =	vadd.scan.msk.f32 $0xffff, v0;
	v44 =	vsub.f32 v32, v55;
	v32 =	vadd.f32 v6, v57  }
0x2b7: {  	v45 =	vsub.f32 v39, v55;
	v4 =	vld [tilespmem:s3+$0xFFFFFF50];
	v37 =	vadd.f32 v54, v3;
	v3 =	vmul.f32 v53, v15;
	s17 =	ssub.f32 s17, s24  }
0x2b8: {  	v1 =	vld.idx.msk [tilespmem:v1+s16+$0x0], $0xffff;
	v50 =	vsub.f32 v38, v55;
	v0 =	vmul.f32 v34, v34;
	v38 =	vmul.f32 v32, v32  }
0x2b9: {  	v39 =	vld [tilespmem:s3+$0xFFFFFF60];
	v6 =	vadd.f32 v32, v34;
	v54 =	vmul.f32 v37, v37;
	v5 =	vadd.f32 v61, v5;
	s17 =	sadd.f32 $9.999999960e-13, s17  }
0x2ba: {  	v60 =	vld.idx.msk [tilespmem:v58+s16+$0x0], $0xffff;
	v3 =	vmul.f32 v3, v56;
	v56 =	vsub.f32 v35, v55;
	v0 =	vadd.f32 v38, v0  }
0x2bb: {  	v6 =	vadd.f32 v37, v6;
	v38 =	vld [tilespmem:s3+$0xFFFFFF70];
	v62 =	vmul.f32 v5, v5;
	v52 =	vmov s17  }
0x2bc: {  	v58 =	vmul.f32 $5.000000000e-01, v52;
	v61 =	vshra.s32 v52, $0x1;
	v52 =	vadd.f32 v2, v4;
	v2 =	vld.idx.msk [tilespmem:v59+s16+$0x0], $0xffff  }
0x2bd: {  	v0 =	vadd.f32 v54, v0;
	v59 =	vld [tilespmem:s3+$0xFFFFFF80];
	v54 =	vsub.f32 v33, v55;
	v33 =	vmovc v5;
	v4 =	vsub.s32 $0x5F3759DF, v61  }
0x2be: {  	v1 =	vadd.f32 v1, v39;
	v5 =	vadd.f32 v33, v6;
	v63, _, _ =	vpop (xrf2);
	v61 =	vmul.f32 v4, v58  }
0x2bf: {  	p0 =	slt.u32 s4, $0x17E;
	v15 =	vmul.f32 v52, v52;
	v0 =	vadd.f32 v62, v0;
	(v2sf) =	vpush v63, $0xF  }
.Ltmp2:
0x2c0: {  	v5 =	vadd.f32 v52, v5;
	v38 =	vadd.f32 v60, v38;
	v6, _, _ =	vpop (xrf2);
	v39 =	vmul.f32 v4, v61;
	(pc) =	sbr.rel @p0 .LBB2_6-.Ltmp2, $4  }
0x2c1: {  	v62 =	vmul.f32 v1, v1;
	v0 =	vadd.f32 v15, v0;
	(v2sf) =	vpush v6, $0xF  }
0x2c2: {  	v57 =	vmul.f32 v53, v20;
	v60 =	vsub.f32 $1.500000000e+00, v39;
	v39 =	vadd.f32 v2, v59  }
0x2c3: {  	v63 =	vmul.f32 v38, v38;
	v61 =	vadd.f32 v1, v5;
	v0 =	vadd.f32 v62, v0  }
0x2c4: {  	s4 =	sadd.s32 $0x2, s4;
	s5 =	smov.u32 s2;
	s2 =	smov.u32 s3;
	v35 =	vmovc v1;
	v59 =	vadd.f32 v3, v14;
	v60 =	vmul.f32 v4, v60;
	v62 =	vmul.f32 v39, v39  }
0x2c5: {  	v0 =	vadd.f32 v63, v0  }
0x2c6: {  	v1 =	vadd.f32 v38, v61  }
0x2c7: {  	v0 =	vadd.f32 v62, v0  }
0x2c8: {  	v1 =	vadd.f32 v39, v1  }
0x2c9: {  	(xrf2) =	vadd.scan.msk.f32 $0xffff, v0  }
0x2ca: {  	(xrf2) =	vadd.scan.msk.f32 $0xffff, v1;
	_ =	sdelay $0x8  }
0x2cb: {  	v0, _, _ =	vpop (xrf2)  }
0x2cc: {  	(v2sf) =	vpush v0, $0xF;
	v0, _, _ =	vpop (xrf2)  }
0x2cd: {  	(v2sf) =	vpush v0, $0xF  }
0x2ce: {  	s3 =	spop (v2sf)  }
0x2cf: {  	s3 =	smul.f32 $7.812500000e-03, s3  }
0x2d0: {  	v61 =	vld [tilespmem:$0x1FF70]  }
0x2d1: {  	v15 =	vld [tilespmem:$0x1FF80];
	v5 =	vmul.f32 v53, v17;
	s4 =	spop (v2sf);
	s17 =	smul.f32 s3, s3;
	v0 =	vmul.f32 v60, v58  }
0x2d2: {  	v3 =	vmul.f32 v53, v21;
	v6 =	vsub.f32 v24, v55;
	v24 =	vmul.f32 v57, v42;
	s4 =	smul.f32 $7.812500000e-03, s4  }
0x2d3: {  	v5 =	vmul.f32 v5, v48;
	v0 =	vmul.f32 v0, v60  }
0x2d4: {  	v16 =	vld [tilespmem:$0x1FFB0];
	v3 =	vmul.f32 v3, v46;
	v1 =	vmul.f32 v53, v22;
	s4 =	ssub.f32 s4, s17  }
0x2d5: {  	v48 =	vmul.f32 v53, v23;
	v2 =	vmul.f32 v53, v61;
	v0 =	vsub.f32 $1.500000000e+00, v0  }
0x2d6: {  	v14 =	vld [tilespmem:$0x1FFE0];
	v4 =	vmul.f32 v53, v15;
	v1 =	vmul.f32 v1, v40;
	s4 =	sadd.f32 $9.999999960e-13, s4  }
0x2d7: {  	v2 =	vmul.f32 v2, v41;
	v0 =	vmul.f32 v0, v60  }
0x2d8: {  	v57 =	vld [tilespmem:$0x1FF90];
	v4 =	vmul.f32 v4, v43;
	v40 =	vmul.f32 v48, v47;
	v60 =	vmov s4  }
0x2d9: {  	v24 =	vadd.f32 v24, v16;
	v48 =	vmul.f32 $5.000000000e-01, v60;
	v53 =	vmul.f32 v0, v22  }
0x2da: {  	v1 =	vadd.f32 v1, v18;
	v58 =	vld [tilespmem:$0x1FFC0];
	v42 =	vmul.f32 v0, v23;
	v55 =	vmul.f32 v0, v21  }
0x2db: {  	v62 =	vshra.s32 v60, $0x1;
	v46 =	vmul.f32 v0, v20;
	v47 =	vmul.f32 v0, v14;
	s22 =	spop (v2sf)  }
0x2dc: {  	v41 =	vmul.f32 v53, v51;
	v43 =	vmul.f32 v55, v49;
	v51 =	vsub.s32 $0x5F3759DF, v62;
	s24 =	spop (v2sf)  }
0x2dd: {  	v2 =	vadd.f32 v2, v57;
	v60 =	vld [tilespmem:$0x1FFD0];
	v49 =	vmul.f32 v0, v17;
	v55 =	vmul.f32 v51, v48;
	s17 =	smul.f32 $7.812500000e-03, s24  }
0x2de: {  	v40 =	vadd.f32 v40, v19;
	v53 =	vmul.f32 v0, v61;
	v42 =	vmul.f32 v42, v45;
	s4 =	smul.f32 $7.812500000e-03, s22  }
0x2df: {  	v4 =	vadd.f32 v4, v58;
	v45 =	vmul.f32 v46, v54;
	v54 =	vmul.f32 v51, v55;
	s18 =	smul.f32 s17, s17  }
0x2e0: {  	v63 =	vmul.f32 v47, v50;
	v0 =	vmul.f32 v0, v15;
	v50 =	vmov s3  }
0x2e1: {  	v62 =	vld [tilespmem:$0x1FFA0];
	[tilespmem:s5+$0xFFFFFFF0] =	vst v59;
	v28 =	vsub.f32 v28, v50;
	v44 =	vmul.f32 v53, v44;
	v47 =	vsub.f32 $1.500000000e+00, v54;
	s4 =	ssub.f32 s4, s18  }
0x2e2: {  	[tilespmem:s5+$0xFFFFFFA0] =	vst v2;
	v5 =	vadd.f32 v5, v60;
	v41 =	vadd.f32 v41, v18  }
0x2e3: {  	v0 =	vmul.f32 v0, v6;
	v53 =	vld [tilespmem:$0x1FFF0];
	v6 =	vadd.f32 v44, v57;
	v44 =	vmul.f32 v51, v47;
	s18 =	sadd.f32 $9.999999960e-13, s4  }
0x2e4: {  	v45 =	vadd.f32 v45, v16;
	v49 =	vmul.f32 v49, v56;
	v42 =	vadd.f32 v42, v19  }
0x2e5: {  	[tilespmem:s5+$0xFFFFFF90] =	vst v1;
	v1 =	vsub.f32 v36, v50;
	v48 =	vmul.f32 v44, v48;
	v55 =	vmov s18  }
0x2e6: {  	v47 =	vadd.f32 v49, v60;
	v51 =	vmul.f32 $5.000000000e-01, v55;
	v49 =	vshra.s32 v55, $0x1  }
0x2e7: {  	[tilespmem:s5+$0xFFFFFFD0] =	vst v4;
	v4 =	vsub.f32 v26, v50;
	v59 =	vmul.f32 v48, v44;
	v56 =	vsub.s32 $0x5F3759DF, v49  }
0x2e8: {  	v26 =	vsub.f32 v27, v50;
	v2 =	vadd.f32 v63, v53;
	v63 =	vmul.f32 v56, v51  }
0x2e9: {  	[tilespmem:s5+$0xFFFFFFC0] =	vst v24;
	v24 =	vsub.f32 v25, v50;
	v27 =	vsub.f32 $1.500000000e+00, v59  }
0x2ea: {  	[tilespmem:s5+$0xFFFFFFE0] =	vst v5;
	v5 =	vsub.f32 v29, v50;
	v3 =	vadd.f32 v3, v62;
	v29 =	vmul.f32 v56, v63  }
0x2eb: {  	v25 =	vsub.f32 v30, v50;
	v30 =	vsub.f32 v31, v50;
	v27 =	vmul.f32 v27, v44  }
0x2ec: {  	v0 =	vadd.f32 v0, v58;
	[tilespmem:s5+$0xFFFFFFB0] =	vst v3;
	v3 =	vmov s17;
	v29 =	vsub.f32 $1.500000000e+00, v29  }
0x2ed: {  	[tilespmem:s5+$0x0] =	vst v40;
	v43 =	vadd.f32 v43, v62;
	v31 =	vsub.f32 v34, v3;
	v55 =	vmul.f32 v27, v14  }
0x2ee: {  	[tilespmem:s5+$0xFFFFFF10] =	vst v41;
	v54 =	vsub.f32 v37, v3;
	v59 =	vmul.f32 v27, v20;
	v29 =	vmul.f32 v56, v29  }
0x2ef: {  	[tilespmem:s5+$0xFFFFFF80] =	vst v42;
	v32 =	vsub.f32 v32, v3;
	v48 =	vmul.f32 v27, v22;
	v49 =	vmul.f32 v27, v61  }
0x2f0: {  	[tilespmem:s5+$0xFFFFFF40] =	vst v45;
	v33 =	vsub.f32 v33, v3;
	v50 =	vmul.f32 v27, v21;
	v46 =	vmul.f32 v29, v51  }
0x2f1: {  	[tilespmem:s5+$0xFFFFFF20] =	vst v6;
	v35 =	vsub.f32 v35, v3;
	v6 =	vmul.f32 v27, v15;
	v1 =	vmul.f32 v55, v1  }
0x2f2: {  	[tilespmem:s5+$0xFFFFFF70] =	vst v2;
	v2 =	vsub.f32 v52, v3;
	v4 =	vmul.f32 v49, v4;
	v36 =	vmul.f32 v46, v29  }
0x2f3: {  	[tilespmem:s5+$0xFFFFFF50] =	vst v0;
	v63 =	vsub.f32 v38, v3;
	v0 =	vmul.f32 v48, v28;
	v24 =	vmul.f32 v50, v24  }
0x2f4: {  	[tilespmem:s5+$0xFFFFFF30] =	vst v43;
	v1 =	vadd.f32 v1, v53;
	v51 =	vmul.f32 v27, v17;
	v28 =	vsub.f32 $1.500000000e+00, v36  }
0x2f5: {  	[tilespmem:s5+$0xFFFFFF60] =	vst v47;
	v56 =	vsub.f32 v39, v3;
	v3 =	vadd.f32 v4, v57;
	v4 =	vmul.f32 v6, v5  }
0x2f6: {  	v0 =	vadd.f32 v0, v18;
	[tilespmem:s2+$0xFFFFFFF0] =	vst v1;
	v5 =	vmul.f32 v51, v25;
	v1 =	vmul.f32 v28, v29  }
0x2f7: {  	v6 =	vmul.f32 v59, v26;
	[tilespmem:s2+$0xFFFFFFA0] =	vst v3;
	v3 =	vadd.f32 v4, v58;
	v4 =	vmul.f32 v27, v23  }
0x2f8: {  	v24 =	vadd.f32 v24, v62;
	[tilespmem:s2+$0xFFFFFF90] =	vst v0;
	v0 =	vadd.f32 v5, v60;
	v25 =	vmul.f32 v1, v22  }
0x2f9: {  	[tilespmem:s2+$0xFFFFFFD0] =	vst v3;
	v3 =	vmul.f32 v4, v30;
	v5 =	vadd.f32 v6, v16;
	v6 =	vmul.f32 v1, v21  }
0x2fa: {  	[tilespmem:s2+$0xFFFFFFE0] =	vst v0;
	v4 =	vmul.f32 v1, v23;
	v0 =	vmul.f32 v25, v31  }
0x2fb: {  	[tilespmem:s2+$0xFFFFFFB0] =	vst v24;
	v3 =	vadd.f32 v3, v19;
	v25 =	vmul.f32 v1, v20;
	v6 =	vmul.f32 v6, v54  }
0x2fc: {  	[tilespmem:s2+$0xFFFFFFC0] =	vst v5;
	v24 =	vmul.f32 v1, v61;
	v4 =	vmul.f32 v4, v56;
	v0 =	vadd.f32 v0, v18  }
0x2fd: {  	[tilespmem:s2+$0x0] =	vst v3;
	v5 =	vmul.f32 v1, v17;
	v3 =	vmul.f32 v25, v33;
	v6 =	vadd.f32 v6, v62  }
0x2fe: {  	v24 =	vmul.f32 v24, v32;
	v4 =	vadd.f32 v4, v19;
	[tilespmem:s2+$0xFFFFFF10] =	vst v0;
	v0 =	vmul.f32 v1, v15  }
0x2ff: {  	v5 =	vmul.f32 v5, v35;
	v1 =	vmul.f32 v1, v14;
	v3 =	vadd.f32 v3, v16;
	[tilespmem:s2+$0xFFFFFF30] =	vst v6  }
0x300: {  	[tilespmem:s2+$0xFFFFFF80] =	vst v4;
	v4 =	vadd.f32 v24, v57;
	v0 =	vmul.f32 v0, v2  }
0x301: {  	v2 =	vadd.f32 v5, v60;
	v1 =	vmul.f32 v1, v63;
	[tilespmem:s2+$0xFFFFFF40] =	vst v3  }
0x302: {  	[tilespmem:s2+$0xFFFFFF20] =	vst v4;
	v0 =	vadd.f32 v0, v58  }
0x303: {  	[tilespmem:s2+$0xFFFFFF60] =	vst v2;
	v1 =	vadd.f32 v1, v53  }
0x304: {  	s22 =	simm.s32 $0x181;
	[tilespmem:s2+$0xFFFFFF50] =	vst v0  }
0x305: {  	[tilespmem:s2+$0xFFFFFF70] =	vst v1;
	v0 =	vmov s22  }
0x306: {  	[hbm4b:s11+s6] =	stream.linear.scatter [tilespmem:s23], [sflag:$0x6], $0x4000, $0x38;
	[tilespmem:$0x10600] =	vst v63  }
0x307: {  	_ =	swait.ge [sflag:s30], $0x4000  }
0x308: {  	[sflag:s30] =	ssyncset.done $0x0  }
0x309: {  	[sflag:s30] =	ssyncadd.s32 $0xFFFFC000  }
0x30a: {  	v0 =	vld.idx.msk [tilespmem:v0+s15+$0x0], $0xffff;
	_ =	sdelay $0x4  }
0x30b: {  	v0 =	vshll.u32 v0, $0x7  }
0x30c: {  	v15 =	vlaneseq.u32;
	v1 =	vor.u32 v7, v0  }
0x30d: {  	s5 =	simm.s32 $0xC4F0;
	v2 =	vor.u32 v15, v0  }
0x30e: {  	v4 =	vld [tilespmem:s5+$0xFFFFFFF0]  }
0x30f: {  	v5 =	vld [tilespmem:s5+$0xFFFFFF90];
	v3 =	vor.u32 v8, v0  }
0x310: {  	v24 =	vld [tilespmem:s5+$0xFFFFFFA0]  }
0x311: {  	v6 =	vor.u32 v9, v0;
	v1 =	vld.idx.msk [tilespmem:v1+s16+$0x0], $0xffff  }
0x312: {  	v2 =	vld.idx.msk [tilespmem:v2+s16+$0x0], $0xffff  }
0x313: {  	v28 =	vld [tilespmem:s5+$0xFFFFFFB0];
	v26 =	vor.u32 v10, v0  }
0x314: {  	s24 =	simm.s32 $0x180;
	v3 =	vld.idx.msk [tilespmem:v3+s16+$0x0], $0xffff  }
0x315: {  	v25 =	vmov s24;
	v54 =	vld [tilespmem:s5+$0xFFFFFFC0];
	v29 =	vor.u32 v11, v0  }
0x316: {  	v25 =	vand.u32 $0xFFFFFFFE, v25;
	v30 =	vor.u32 v12, v0;
	v0 =	vor.u32 v13, v0;
	v6 =	vld.idx.msk [tilespmem:v6+s16+$0x0], $0xffff  }
0x317: {  	v16 =	vmovc v53;
	v53 =	vbroadcast v25, $0x0;
	v55 =	vld [tilespmem:s5+$0xFFFFFFD0];
	v27 =	vadd.f32 v1, v24;
	v25 =	vadd.f32 v2, v5  }
0x318: {  	v1 =	vld.idx.msk [tilespmem:v26+s16+$0x0], $0xffff  }
0x319: {  	v2 =	vld [tilespmem:s5+$0xFFFFFFE0];
	v31 =	vadd.f32 v3, v28;
	v3 =	vadd.f32 v27, v25  }
0x31a: {  	v24 =	vld.idx.msk [tilespmem:v29+s16+$0x0], $0xffff;
	v5 =	vmul.f32 v27, v27;
	v26 =	vmul.f32 v25, v25  }
0x31b: {  	v0 =	vld.idx.msk [tilespmem:v0+s16+$0x0], $0xffff;
	v29 =	vadd.f32 v6, v54;
	v3 =	vadd.f32 v31, v3  }
0x31c: {  	v28 =	vld.idx.msk [tilespmem:v30+s16+$0x0], $0xffff;
	v56 =	vmul.f32 v31, v31;
	v5 =	vadd.f32 v5, v26  }
0x31d: {  	v6 =	vld.idx.msk [tilespmem:v53+s15+$0x0], $0xffff;
	v30 =	vadd.f32 v1, v55;
	v1 =	vadd.f32 v29, v3  }
0x31e: {  	v26 =	vld [tilespmem:s5+$0x0];
	v3 =	vmul.f32 v29, v29;
	v5 =	vadd.f32 v56, v5  }
0x31f: {  	v32 =	vadd.f32 v24, v2;
	v1 =	vadd.f32 v30, v1  }
0x320: {  	v2 =	vmul.f32 v30, v30;
	v3 =	vadd.f32 v3, v5  }
0x321: {  	v4 =	vadd.f32 v28, v4;
	v1 =	vadd.f32 v32, v1  }
0x322: {  	v5 =	vshll.u32 v6, $0x7;
	v6 =	vmul.f32 v32, v32;
	v2 =	vadd.f32 v2, v3  }
0x323: {  	v34 =	vadd.f32 v0, v26;
	v1 =	vadd.f32 v4, v1  }
0x324: {  	v24 =	vmul.f32 v4, v4;
	v0 =	vor.u32 v7, v5;
	v2 =	vadd.f32 v6, v2  }
0x325: {  	v3 =	vor.u32 v15, v5;
	v1 =	vadd.f32 v34, v1  }
0x326: {  	v57 =	vld [tilespmem:s5+$0xFFFFFF10];
	v28 =	vmul.f32 v34, v34;
	v6 =	vor.u32 v8, v5;
	v2 =	vadd.f32 v24, v2  }
0x327: {  	v58 =	vld [tilespmem:s5+$0xFFFFFF40];
	(xrf2) =	vadd.scan.msk.f32 $0xffff, v1  }
0x328: {  	v26 =	vld [tilespmem:s5+$0xFFFFFF20];
	v24 =	vor.u32 v9, v5;
	v2 =	vadd.f32 v28, v2  }
0x329: {  	v0 =	vld.idx.msk [tilespmem:v0+s16+$0x0], $0xffff  }
0x32a: {  	v1 =	vld.idx.msk [tilespmem:v3+s16+$0x0], $0xffff;
	v3 =	vor.u32 v10, v5;
	(xrf2) =	vadd.scan.msk.f32 $0xffff, v2  }
0x32b: {  	v6 =	vld.idx.msk [tilespmem:v6+s16+$0x0], $0xffff  }
0x32c: {  	v28 =	vor.u32 v11, v5;
	v2 =	vld [tilespmem:s5+$0xFFFFFF30]  }
0x32d: {  	v24 =	vld.idx.msk [tilespmem:v24+s16+$0x0], $0xffff  }
0x32e: {  	v59 =	vor.u32 v12, v5;
	v33 =	vadd.f32 v0, v26;
	v0 =	vld [tilespmem:s5+$0xFFFFFF50]  }
0x32f: {  	v3 =	vld.idx.msk [tilespmem:v3+s16+$0x0], $0xffff;
	v37 =	vadd.f32 v1, v57  }
0x330: {  	v61 =	vld [tilespmem:s5+$0xFFFFFF70];
	v1 =	vor.u32 v13, v5  }
0x331: {  	v5 =	vld.idx.msk [tilespmem:v28+s16+$0x0], $0xffff;
	v26 =	vmul.f32 v37, v37;
	v38 =	vadd.f32 v6, v2;
	v2 =	vmul.f32 v33, v33;
	v28, _, _ =	vpop (xrf2)  }
0x332: {  	v6 =	vld [tilespmem:s5+$0xFFFFFF60];
	(v2sf) =	vpush v28, $0xF  }
0x333: {  	v60 =	vld.idx.msk [tilespmem:v59+s16+$0x0], $0xffff;
	v54 =	vadd.f32 v24, v58;
	v2 =	vadd.f32 v2, v26;
	v28 =	vmul.f32 v38, v38  }
0x334: {  	v26 =	vadd.f32 v33, v37;
	v24 =	vadd.f32 v3, v0;
	v0, _, _ =	vpop (xrf2)  }
0x335: {  	v3 =	vmul.f32 v54, v54;
	v1 =	vld.idx.msk [tilespmem:v1+s16+$0x0], $0xffff;
	v2 =	vadd.f32 v28, v2;
	(v2sf) =	vpush v0, $0xF  }
0x336: {  	v0 =	vadd.f32 v38, v26;
	v26 =	vld [tilespmem:s5+$0xFFFFFF80]  }
0x337: {  	v56 =	vadd.f32 v5, v6;
	v5 =	vmul.f32 v24, v24;
	v2 =	vadd.f32 v3, v2  }
0x338: {  	s3 =	simm.s32 $0x183;
	v35 =	vadd.f32 v60, v61;
	v0 =	vadd.f32 v54, v0  }
0x339: {  	v3 =	vmul.f32 v56, v56;
	v2 =	vadd.f32 v5, v2;
	v5 =	vmov s3  }
0x33a: {  	v0 =	vadd.f32 v24, v0  }
0x33b: {  	v6 =	vmul.f32 v35, v35;
	v39 =	vadd.f32 v1, v26;
	v1 =	vadd.f32 v3, v2  }
0x33c: {  	v0 =	vadd.f32 v56, v0  }
0x33d: {  	v2 =	vmul.f32 v39, v39;
	v1 =	vadd.f32 v6, v1  }
0x33e: {  	v0 =	vadd.f32 v35, v0;
	v3 =	vld.idx.msk [tilespmem:v5+s15+$0x0], $0xffff  }
0x33f: {  	v1 =	vadd.f32 v2, v1  }
0x340: {  	v0 =	vadd.f32 v39, v0  }
0x341: {  	(xrf2) =	vadd.scan.msk.f32 $0xffff, v1;
	s4 =	spop (v2sf)  }
0x342: {  	(xrf2) =	vadd.scan.msk.f32 $0xffff, v0;
	s2 =	smul.f32 $7.812500000e-03, s4  }
0x343: {  	s3 =	simm.s32 $0xC5F0;
	v0 =	vshll.u32 v3, $0x7  }
0x344: {  	v28 =	vld [tilespmem:s3+$0xFFFFFFA0];
	s18 =	spop (v2sf);
	v1 =	vor.u32 v7, v0;
	s17 =	smul.f32 s2, s2  }
0x345: {  	v52 =	vld [tilespmem:s3+$0xFFFFFFB0];
	v2 =	vor.u32 v15, v0;
	s22 =	smul.f32 $7.812500000e-03, s18  }
0x346: {  	s24 =	simm.s32 $0x182;
	v58 =	vld [tilespmem:s3+$0xFFFFFFC0];
	v3 =	vor.u32 v8, v0  }
0x347: {  	v62 =	vmov s24;
	v6 =	vld [tilespmem:s3+$0xFFFFFF90];
	v26 =	vor.u32 v9, v0;
	s4 =	ssub.f32 s22, s17  }
0x348: {  	v36 =	vand.u32 $0xFFFFFFFE, v62;
	v5 =	vld [tilespmem:s3+$0xFFFFFFD0];
	v55 =	vor.u32 v11, v0  }
0x349: {  	v36 =	vbroadcast v36, $0x0;
	v63 =	vor.u32 v10, v0;
	s4 =	sadd.f32 $9.999999960e-13, s4;
	v1 =	vld.idx.msk [tilespmem:v1+s16+$0x0], $0xffff  }
0x34a: {  	v2 =	vld.idx.msk [tilespmem:v2+s16+$0x0], $0xffff  }
0x34b: {  	v57 =	vor.u32 v12, v0;
	v3 =	vld.idx.msk [tilespmem:v3+s16+$0x0], $0xffff;
	v49, _, _ =	vpop (xrf2);
	v50 =	vmov s4  }
0x34c: {  	v46 =	vld.idx.msk [tilespmem:v26+s16+$0x0], $0xffff;
	(v2sf) =	vpush v49, $0xF;
	v51 =	vshra.s32 v50, $0x1;
	v53, _, _ =	vpop (xrf2);
	v49 =	vmov s2  }
0x34d: {  	v45 =	vld.idx.msk [tilespmem:v55+s16+$0x0], $0xffff;
	v44 =	vmul.f32 $5.000000000e-01, v50;
	(v2sf) =	vpush v53, $0xF;
	v40 =	vsub.f32 v25, v49  }
0x34e: {  	v47 =	vsub.s32 $0x5F3759DF, v51;
	v4 =	vsub.f32 v4, v49;
	v26 =	vadd.f32 v1, v28;
	v1 =	vld.idx.msk [tilespmem:v63+s16+$0x0], $0xffff  }
0x34f: {  	v41 =	vsub.f32 v27, v49;
	v59 =	vmul.f32 v47, v44;
	v28 =	vadd.f32 v2, v6;
	v6 =	vld.idx.msk [tilespmem:v36+s15+$0x0], $0xffff  }
0x350: {  	v0 =	vor.u32 v13, v0;
	v42 =	vsub.f32 v29, v49;
	v25 =	vadd.f32 v3, v52;
	v3 =	vld [tilespmem:s3+$0xFFFFFFE0]  }
0x351: {  	v55 =	vld.idx.msk [tilespmem:v57+s16+$0x0], $0xffff;
	v43 =	vsub.f32 v30, v49;
	v27 =	vadd.f32 v46, v58;
	v2 =	vmul.f32 v47, v59  }
0x352: {  	v36 =	vld [tilespmem:s3+$0xFFFFFFF0];
	v60 =	vmul.f32 v26, v26;
	v61 =	vmul.f32 v28, v28;
	v62 =	vadd.f32 v26, v28  }
0x353: {  	v46 =	vsub.f32 v31, v49;
	v63 =	vmul.f32 v25, v25;
	v2 =	vsub.f32 $1.500000000e+00, v2  }
0x354: {  	v59 =	vmul.f32 v27, v27;
	v57 =	vadd.f32 v60, v61;
	v58 =	vadd.f32 v25, v62  }
0x355: {  	v0 =	vld.idx.msk [tilespmem:v0+s16+$0x0], $0xffff;
	v29 =	vadd.f32 v1, v5;
	v1 =	vshll.u32 v6, $0x7;
	v30 =	vadd.f32 v45, v3  }
0x356: {  	v60 =	vld [tilespmem:s3+$0x0];
	v5 =	vadd.f32 v27, v58;
	v6 =	vor.u32 v15, v1;
	v48 =	vadd.f32 v63, v57  }
0x357: {  	v36 =	vadd.f32 v55, v36;
	v2 =	vmul.f32 v47, v2;
	v50 =	vor.u32 v7, v1  }
0x358: {  	v61 =	vmul.f32 v29, v29;
	v3 =	vadd.f32 v29, v5;
	v62 =	vadd.f32 v59, v48  }
0x359: {  	v52 =	vld [tilespmem:s3+$0xFFFFFF20];
	v53 =	vor.u32 v9, v1;
	v58 =	vor.u32 v10, v1;
	v5 =	vor.u32 v8, v1  }
0x35a: {  	v57 =	vld [tilespmem:s3+$0xFFFFFF10];
	v63 =	vmul.f32 v30, v30;
	v3 =	vadd.f32 v30, v3;
	v45 =	vadd.f32 v61, v62  }
0x35b: {  	v47 =	vsub.f32 v34, v49;
	v44 =	vmul.f32 v2, v44;
	v31 =	vadd.f32 v0, v60;
	v6 =	vld.idx.msk [tilespmem:v6+s16+$0x0], $0xffff  }
0x35c: {  	v0 =	vld.idx.msk [tilespmem:v50+s16+$0x0], $0xffff;
	v50 =	vmul.f32 v36, v36;
	v3 =	vadd.f32 v36, v3;
	v55 =	vadd.f32 v63, v45;
	s18 =	spop (v2sf)  }
0x35d: {  	v48 =	vsub.f32 v32, v49;
	v59 =	vld [tilespmem:s3+$0xFFFFFF30];
	v60 =	vor.u32 v11, v1;
	v44 =	vmul.f32 v44, v2;
	s22 =	spop (v2sf)  }
0x35e: {  	v34 =	vmul.f32 v31, v31;
	v5 =	vld.idx.msk [tilespmem:v5+s16+$0x0], $0xffff;
	v3 =	vadd.f32 v31, v3;
	v32 =	vadd.f32 v50, v55;
	s4 =	smul.f32 $7.812500000e-03, s22  }
0x35f: {  	v61 =	vor.u32 v12, v1;
	v1 =	vor.u32 v13, v1;
	v44 =	vsub.f32 $1.500000000e+00, v44;
	s2 =	smul.f32 $7.812500000e-03, s18;
	v50 =	vld.idx.msk [tilespmem:v53+s16+$0x0], $0xffff  }
0x360: {  	(xrf2) =	vadd.scan.msk.f32 $0xffff, v3;
	v3 =	vld [tilespmem:s3+$0xFFFFFF40];
	v63 =	vadd.f32 v34, v32;
	v34 =	vadd.f32 v6, v57;
	s24 =	smul.f32 s4, s4;
	v55 =	vmov s4  }
0x361: {  	v53 =	vmul.f32 v44, v2;
	v32 =	vadd.f32 v0, v52;
	v0 =	vld [tilespmem:s3+$0xFFFFFF50];
	v51 =	vsub.f32 v37, v55  }
0x362: {  	v49 =	vsub.f32 v38, v55;
	v38 =	vld.idx.msk [tilespmem:v58+s16+$0x0], $0xffff;
	v45 =	vsub.f32 v39, v55;
	v6 =	vmul.f32 v34, v34;
	s2 =	ssub.f32 s2, s24  }
0x363: {  	v2 =	vld.idx.msk [tilespmem:v60+s16+$0x0], $0xffff;
	v37 =	vadd.f32 v5, v59;
	v5 =	vmul.f32 v32, v32;
	v44 =	vsub.f32 v33, v55  }
0x364: {  	(xrf2) =	vadd.scan.msk.f32 $0xffff, v63;
	v39 =	vld [tilespmem:s3+$0xFFFFFF60];
	v52 =	vadd.f32 v32, v34;
	v54 =	vsub.f32 v54, v55;
	s2 =	sadd.f32 $9.999999960e-13, s2  }
0x365: {  	v59 =	vld.idx.msk [tilespmem:v61+s16+$0x0], $0xffff;
	v60 =	vmul.f32 v37, v37;
	v33 =	vadd.f32 v50, v3;
	v3 =	vadd.f32 v5, v6  }
0x366: {  	v56 =	vsub.f32 v56, v55;
	v5 =	vld [tilespmem:s3+$0xFFFFFF70];
	v6 =	vadd.f32 v37, v52;
	v57 =	vmov s2  }
0x367: {  	v1 =	vld.idx.msk [tilespmem:v1+s16+$0x0], $0xffff;
	v52 =	vadd.f32 v38, v0;
	v0 =	vmul.f32 v33, v33;
	v3 =	vadd.f32 v60, v3  }
0x368: {  	v60 =	vld [tilespmem:s3+$0xFFFFFF80];
	v6 =	vadd.f32 v33, v6;
	v58 =	vmul.f32 $5.000000000e-01, v57;
	v57 =	vshra.s32 v57, $0x1  }
0x369: {  	v50 =	vsub.f32 v35, v55;
	v35 =	vadd.f32 v2, v39;
	v62 =	vsub.s32 $0x5F3759DF, v57  }
0x36a: {  	v0 =	vadd.f32 v0, v3;
	v6 =	vadd.f32 v52, v6;
	v2 =	vmul.f32 v62, v58  }
0x36b: {  	v57 =	vmul.f32 v53, v20;
	v38 =	vadd.f32 v59, v5;
	v5 =	vmul.f32 v53, v14;
	v3, _, _ =	vpop (xrf2)  }
0x36c: {  	(v2sf) =	vpush v3, $0xF;
	v3 =	vmul.f32 v52, v52;
	v2 =	vmul.f32 v62, v2  }
0x36d: {  	v61 =	vadd.f32 v35, v6;
	v39 =	vadd.f32 v1, v60;
	v4 =	vmul.f32 v5, v4  }
0x36e: {  	v1, _, _ =	vpop (xrf2);
	v0 =	vadd.f32 v3, v0;
	v3 =	vmul.f32 v35, v35;
	v2 =	vsub.f32 $1.500000000e+00, v2  }
0x36f: {  	v63 =	vmul.f32 v38, v38;
	(v2sf) =	vpush v1, $0xF;
	v59 =	vadd.f32 v4, v16  }
0x370: {  	s4 =	simm.s32 $0x184;
	s2 =	simm.s32 $0xC5F0;
	v0 =	vadd.f32 v3, v0;
	v60 =	vmul.f32 v62, v2;
	v62 =	vmul.f32 v39, v39  }
.LBB2_8:
0x371: {  	v16 =	vld [tilespmem:$0x1FF70];
	_ =	sdelay $0x1  }
0x372: {  	s18 =	sadd.s32 $0x1, s4  }
0x373: {  	v14 =	vld [tilespmem:$0x1FF80];
	v1 =	vmul.f32 v60, v58;
	v3 =	vmov s18  }
0x374: {  	v2 =	vmul.f32 v53, v22;
	v6 =	vsub.f32 v24, v55;
	v24 =	vmovc v52;
	v52 =	vmul.f32 v57, v42;
	v57 =	vld [tilespmem:$0x1FF90]  }
0x375: {  	v0 =	vadd.f32 v63, v0;
	v1 =	vmul.f32 v1, v60;
	v4 =	vmul.f32 v53, v16  }
0x376: {  	v2 =	vmul.f32 v2, v40  }
0x377: {  	[tilespmem:s5+$0xFFFFFFF0] =	vst v59;
	v58 =	vld [tilespmem:$0x1FFC0];
	v0 =	vadd.f32 v62, v0;
	v1 =	vsub.f32 $1.500000000e+00, v1;
	v4 =	vmul.f32 v4, v41  }
0x378: {  	v5 =	vmul.f32 v53, v21;
	v63 =	vmul.f32 v53, v14;
	v3 =	vld.idx.msk [tilespmem:v3+s15+$0x0], $0xffff  }
0x379: {  	(xrf2) =	vadd.scan.msk.f32 $0xffff, v0;
	v0 =	vadd.f32 v2, v18;
	v1 =	vmul.f32 v1, v60;
	v60 =	vld [tilespmem:$0x1FFB0];
	v2 =	vadd.f32 v4, v57  }
0x37a: {  	v55 =	vmul.f32 v53, v17;
	v15 =	vld [tilespmem:$0x1FFE0];
	v4 =	vmul.f32 v63, v43  }
0x37b: {  	v62 =	vld [tilespmem:$0x1FFA0];
	v43 =	vmul.f32 v1, v23;
	[tilespmem:s5+$0xFFFFFFA0] =	vst v2;
	v2 =	vmul.f32 v5, v46  }
0x37c: {  	v59 =	vld [tilespmem:$0x1FFD0];
	v4 =	vadd.f32 v4, v58;
	v5 =	vmul.f32 v53, v23;
	v53 =	vmul.f32 v1, v22  }
0x37d: {  	v46 =	vmul.f32 v1, v20;
	v3 =	vshll.u32 v3, $0x7;
	v43 =	vmul.f32 v43, v45  }
0x37e: {  	v40 =	vadd.f32 v52, v60;
	v52 =	vmul.f32 v55, v48;
	v55 =	vmul.f32 v1, v21  }
0x37f: {  	v42 =	vor.u32 v7, v3;
	[tilespmem:s5+$0xFFFFFFD0] =	vst v4;
	v4 =	vmul.f32 v5, v47;
	v5 =	vadd.f32 v38, v61  }
0x380: {  	v48 =	vmul.f32 v1, v16;
	v2 =	vadd.f32 v2, v62;
	v47 =	vmul.f32 v1, v15  }
0x381: {  	[tilespmem:s5+$0xFFFFFF90] =	vst v0;
	v61 =	vlaneseq.u32;
	v0 =	vadd.f32 v52, v59;
	v5 =	vadd.f32 v39, v5  }
0x382: {  	v41 =	vmul.f32 v55, v49;
	[tilespmem:s5+$0xFFFFFFC0] =	vst v40;
	v40 =	vmul.f32 v1, v17;
	v49 =	vor.u32 v10, v3  }
0x383: {  	s17 =	smov.u32 s4;
	s3 =	sadd.s32 $0x100, s3;
	s24 =	spop (v2sf);
	v44 =	vmul.f32 v48, v44;
	v1 =	vmul.f32 v1, v14;
	v14 =	vld [tilespmem:$0x1FFF0];
	[tilespmem:s5+$0xFFFFFFB0] =	vst v2;
	(xrf2) =	vadd.scan.msk.f32 $0xffff, v5  }
0x384: {  	s18 =	smul.f32 $7.812500000e-03, s24;
	s24 =	spop (v2sf);
	v4 =	vadd.f32 v4, v19;
	[tilespmem:s5+$0xFFFFFFE0] =	vst v0;
	v41 =	vadd.f32 v41, v62;
	v48 =	vld [tilespmem:s3+$0xFFFFFFA0];
	v62 =	vmov s17  }
0x385: {  	s24 =	smul.f32 $7.812500000e-03, s24;
	v0 =	vmul.f32 v53, v51;
	v1 =	vmul.f32 v1, v6;
	v6 =	vand.u32 $0xFFFFFFFE, v62;
	v62 =	vld [tilespmem:s3+$0xFFFFFFB0]  }
0x386: {  	v43 =	vadd.f32 v43, v19;
	v2 =	vor.u32 v61, v3;
	s22 =	smul.f32 s18, s18;
	v53 =	vor.u32 v11, v3;
	[tilespmem:s5+$0x0] =	vst v4;
	v55 =	vld [tilespmem:s3+$0xFFFFFFC0]  }
0x387: {  	v63, _, _ =	vpop (xrf2);
	v40 =	vmul.f32 v40, v56;
	v4 =	vor.u32 v8, v3;
	v0 =	vadd.f32 v0, v18;
	v45 =	vld [tilespmem:s3+$0xFFFFFFD0]  }
0x388: {  	[tilespmem:s5+$0xFFFFFF80] =	vst v43;
	(v2sf) =	vpush v63, $0xF;
	v44 =	vadd.f32 v44, v57;
	v5 =	vor.u32 v9, v3;
	s22 =	ssub.f32 s24, s22;
	v42 =	vld.idx.msk [tilespmem:v42+s16+$0x0], $0xffff  }
0x389: {  	v40 =	vadd.f32 v40, v59;
	v6 =	vbroadcast v6, $0x0;
	v59 =	vld.idx.msk [tilespmem:v49+s16+$0x0], $0xffff;
	[tilespmem:s5+$0xFFFFFF10] =	vst v0;
	v0 =	vmul.f32 v46, v54  }
0x38a: {  	[tilespmem:s5+$0xFFFFFF30] =	vst v41;
	v1 =	vadd.f32 v1, v58;
	v46 =	vmul.f32 v47, v50;
	v47 =	vld [tilespmem:s3+$0xFFFFFF90];
	s22 =	sadd.f32 $9.999999960e-13, s22;
	v50 =	vmov s18  }
0x38b: {  	v2 =	vld.idx.msk [tilespmem:v2+s16+$0x0], $0xffff;
	[tilespmem:s5+$0xFFFFFF60] =	vst v40;
	v40 =	vsub.f32 v28, v50;
	v0 =	vadd.f32 v0, v60  }
0x38c: {  	[tilespmem:s5+$0xFFFFFF20] =	vst v44;
	v56 =	vsub.f32 v36, v50;
	v54 =	vmov s22;
	v4 =	vld.idx.msk [tilespmem:v4+s16+$0x0], $0xffff;
	v60 =	vor.u32 v12, v3  }
0x38d: {  	v46 =	vadd.f32 v46, v14;
	v63 =	vshra.s32 v54, $0x1;
	v54 =	vmul.f32 $5.000000000e-01, v54;
	[tilespmem:s5+$0xFFFFFF40] =	vst v0;
	v0 =	vld.idx.msk [tilespmem:v5+s16+$0x0], $0xffff;
	v28, _, _ =	vpop (xrf2)  }
0x38e: {  	[tilespmem:s5+$0xFFFFFF50] =	vst v1;
	v41 =	vsub.f32 v26, v50;
	v5 =	vsub.s32 $0x5F3759DF, v63;
	(v2sf) =	vpush v28, $0xF  }
0x38f: {  	v51 =	vld [tilespmem:s3+$0xFFFFFFF0];
	v43 =	vsub.f32 v29, v50;
	v58 =	vadd.f32 v42, v48;
	[tilespmem:s5+$0xFFFFFF70] =	vst v46;
	v63 =	vmul.f32 v5, v54  }
0x390: {  	v3 =	vor.u32 v13, v3;
	v42 =	vsub.f32 v27, v50;
	v6 =	vld.idx.msk [tilespmem:v6+s15+$0x0], $0xffff;
	v28 =	vadd.f32 v2, v47  }
0x391: {  	v29 =	vadd.f32 v59, v45;
	v1 =	vld.idx.msk [tilespmem:v60+s16+$0x0], $0xffff;
	v60 =	vmul.f32 v58, v58;
	v2 =	vmul.f32 v5, v63  }
0x392: {  	v52 =	vld [tilespmem:s3+$0xFFFFFFE0];
	v4 =	vadd.f32 v4, v62;
	v27 =	vadd.f32 v0, v55;
	v63 =	vmul.f32 v28, v28  }
0x393: {  	v62 =	vld.idx.msk [tilespmem:v53+s16+$0x0], $0xffff;
	v48 =	vadd.f32 v58, v28;
	v2 =	vsub.f32 $1.500000000e+00, v2  }
0x394: {  	v49 =	vld [tilespmem:s3+$0x0];
	v46 =	vsub.f32 v25, v50;
	v53 =	vmul.f32 v4, v4;
	v0 =	vadd.f32 v60, v63  }
0x395: {  	v3 =	vld.idx.msk [tilespmem:v3+s16+$0x0], $0xffff;
	v57 =	vadd.f32 v4, v48;
	v2 =	vmul.f32 v5, v2;
	v5 =	vmul.f32 v27, v27  }
0x396: {  	v60 =	vmul.f32 v29, v29;
	v36 =	vadd.f32 v1, v51;
	v1 =	vshll.u32 v6, $0x7  }
0x397: {  	v26 =	vmovc v58;
	v6 =	vor.u32 v61, v1;
	v0 =	vadd.f32 v53, v0;
	v58 =	vadd.f32 v27, v57  }
0x398: {  	v47 =	vadd.f32 v62, v52;
	v44 =	vor.u32 v7, v1;
	v59 =	vmul.f32 v2, v54  }
0x399: {  	v54 =	vor.u32 v8, v1;
	v0 =	vadd.f32 v5, v0;
	v5 =	vadd.f32 v29, v58  }
0x39a: {  	v48 =	vsub.f32 v30, v50;
	v3 =	vadd.f32 v3, v49;
	v51 =	vor.u32 v9, v1;
	v57 =	vld [tilespmem:s3+$0xFFFFFF20]  }
0x39b: {  	v53 =	vmul.f32 v47, v47;
	v0 =	vadd.f32 v60, v0;
	v5 =	vadd.f32 v47, v5;
	v60 =	vld [tilespmem:s3+$0xFFFFFF10]  }
0x39c: {  	v25 =	vmovc v4;
	s18 =	spop (v2sf);
	v52 =	vor.u32 v10, v1;
	v62 =	vmul.f32 v36, v36;
	v30 =	vmov v47;
	v4 =	vld.idx.msk [tilespmem:v6+s16+$0x0], $0xffff  }
0x39d: {  	s17 =	smul.f32 $7.812500000e-03, s18;
	v45 =	vmul.f32 v59, v2;
	v6 =	vld.idx.msk [tilespmem:v44+s16+$0x0], $0xffff;
	v5 =	vadd.f32 v36, v5;
	v0 =	vadd.f32 v53, v0;
	s22 =	spop (v2sf)  }
0x39e: {  	v58 =	vor.u32 v12, v1;
	v59 =	vor.u32 v13, v1;
	v47 =	vsub.f32 v31, v50;
	v54 =	vld.idx.msk [tilespmem:v54+s16+$0x0], $0xffff;
	s18 =	smul.f32 $7.812500000e-03, s22  }
0x39f: {  	v44 =	vmul.f32 v3, v3;
	v31 =	vmovc v3;
	v5 =	vadd.f32 v3, v5;
	v3 =	vld [tilespmem:s3+$0xFFFFFF30];
	v0 =	vadd.f32 v62, v0  }
0x3a0: {  	v1 =	vor.u32 v11, v1;
	v50 =	vsub.f32 $1.500000000e+00, v45;
	v61 =	vld.idx.msk [tilespmem:v51+s16+$0x0], $0xffff;
	v55 =	vmov s18  }
0x3a1: {  	(xrf2) =	vadd.scan.msk.f32 $0xffff, v5;
	v5 =	vld [tilespmem:s3+$0xFFFFFF40];
	v0 =	vadd.f32 v44, v0;
	v51 =	vsub.f32 v34, v55  }
0x3a2: {  	v53 =	vmul.f32 v50, v2;
	s24 =	smul.f32 s18, s18;
	v49 =	vsub.f32 v37, v55;
	v34 =	vadd.f32 v4, v60  }
0x3a3: {  	v2 =	vld.idx.msk [tilespmem:v52+s16+$0x0], $0xffff;
	(xrf2) =	vadd.scan.msk.f32 $0xffff, v0;
	v44 =	vsub.f32 v32, v55;
	v32 =	vadd.f32 v6, v57  }
0x3a4: {  	v45 =	vsub.f32 v39, v55;
	v4 =	vld [tilespmem:s3+$0xFFFFFF50];
	v37 =	vadd.f32 v54, v3;
	v3 =	vmul.f32 v53, v15;
	s17 =	ssub.f32 s17, s24  }
0x3a5: {  	v1 =	vld.idx.msk [tilespmem:v1+s16+$0x0], $0xffff;
	v50 =	vsub.f32 v38, v55;
	v0 =	vmul.f32 v34, v34;
	v38 =	vmul.f32 v32, v32  }
0x3a6: {  	v39 =	vld [tilespmem:s3+$0xFFFFFF60];
	v6 =	vadd.f32 v32, v34;
	v54 =	vmul.f32 v37, v37;
	v5 =	vadd.f32 v61, v5;
	s17 =	sadd.f32 $9.999999960e-13, s17  }
0x3a7: {  	v60 =	vld.idx.msk [tilespmem:v58+s16+$0x0], $0xffff;
	v3 =	vmul.f32 v3, v56;
	v56 =	vsub.f32 v35, v55;
	v0 =	vadd.f32 v38, v0  }
0x3a8: {  	v6 =	vadd.f32 v37, v6;
	v38 =	vld [tilespmem:s3+$0xFFFFFF70];
	v62 =	vmul.f32 v5, v5;
	v52 =	vmov s17  }
0x3a9: {  	v58 =	vmul.f32 $5.000000000e-01, v52;
	v61 =	vshra.s32 v52, $0x1;
	v52 =	vadd.f32 v2, v4;
	v2 =	vld.idx.msk [tilespmem:v59+s16+$0x0], $0xffff  }
0x3aa: {  	v0 =	vadd.f32 v54, v0;
	v59 =	vld [tilespmem:s3+$0xFFFFFF80];
	v54 =	vsub.f32 v33, v55;
	v33 =	vmovc v5;
	v4 =	vsub.s32 $0x5F3759DF, v61  }
0x3ab: {  	v1 =	vadd.f32 v1, v39;
	v5 =	vadd.f32 v33, v6;
	v63, _, _ =	vpop (xrf2);
	v61 =	vmul.f32 v4, v58  }
0x3ac: {  	p0 =	slt.u32 s4, $0x1FE;
	v15 =	vmul.f32 v52, v52;
	v0 =	vadd.f32 v62, v0;
	(v2sf) =	vpush v63, $0xF  }
.Ltmp3:
0x3ad: {  	v5 =	vadd.f32 v52, v5;
	v38 =	vadd.f32 v60, v38;
	v6, _, _ =	vpop (xrf2);
	v39 =	vmul.f32 v4, v61;
	(pc) =	sbr.rel @p0 .LBB2_8-.Ltmp3, $4  }
0x3ae: {  	v62 =	vmul.f32 v1, v1;
	v0 =	vadd.f32 v15, v0;
	(v2sf) =	vpush v6, $0xF  }
0x3af: {  	v57 =	vmul.f32 v53, v20;
	v60 =	vsub.f32 $1.500000000e+00, v39;
	v39 =	vadd.f32 v2, v59  }
0x3b0: {  	v63 =	vmul.f32 v38, v38;
	v61 =	vadd.f32 v1, v5;
	v0 =	vadd.f32 v62, v0  }
0x3b1: {  	s4 =	sadd.s32 $0x2, s4;
	s5 =	smov.u32 s2;
	s2 =	smov.u32 s3;
	v35 =	vmovc v1;
	v59 =	vadd.f32 v3, v14;
	v60 =	vmul.f32 v4, v60;
	v62 =	vmul.f32 v39, v39  }
0x3b2: {  	v0 =	vadd.f32 v63, v0  }
0x3b3: {  	v1 =	vadd.f32 v38, v61  }
0x3b4: {  	v0 =	vadd.f32 v62, v0  }
0x3b5: {  	v1 =	vadd.f32 v39, v1  }
0x3b6: {  	(xrf2) =	vadd.scan.msk.f32 $0xffff, v0  }
0x3b7: {  	(xrf2) =	vadd.scan.msk.f32 $0xffff, v1;
	_ =	sdelay $0x8  }
0x3b8: {  	s3 =	spop (v2sf);
	v0, _, _ =	vpop (xrf2)  }
0x3b9: {  	s3 =	smul.f32 $7.812500000e-03, s3;
	(v2sf) =	vpush v0, $0xF;
	v16, _, _ =	vpop (xrf2)  }
0x3ba: {  	(v2sf) =	vpush v16, $0xF  }
0x3bb: {  	v14 =	vld [tilespmem:$0x1FF70];
	s4 =	spop (v2sf);
	s17 =	smul.f32 s3, s3  }
0x3bc: {  	v61 =	vmul.f32 v60, v58;
	s4 =	smul.f32 $7.812500000e-03, s4  }
0x3bd: {  	v3 =	vmul.f32 v53, v21  }
0x3be: {  	v5 =	vmul.f32 v53, v17;
	s4 =	ssub.f32 s4, s17;
	v0 =	vmul.f32 v61, v60;
	v61 =	vld [tilespmem:$0x1FF80]  }
0x3bf: {  	v63 =	vmul.f32 v57, v42;
	v62 =	vmul.f32 v53, v22  }
0x3c0: {  	v5 =	vmul.f32 v5, v48;
	v2 =	vmul.f32 v53, v14;
	v16 =	vld [tilespmem:$0x1FFB0];
	s4 =	sadd.f32 $9.999999960e-13, s4;
	v0 =	vsub.f32 $1.500000000e+00, v0  }
0x3c1: {  	v3 =	vmul.f32 v3, v46;
	v1 =	vmul.f32 v62, v40  }
0x3c2: {  	v2 =	vmul.f32 v2, v41;
	v62 =	vmov s4;
	v0 =	vmul.f32 v0, v60  }
0x3c3: {  	v15 =	vld [tilespmem:$0x1FFE0];
	v48 =	vmul.f32 $5.000000000e-01, v62;
	v4 =	vmul.f32 v53, v61  }
0x3c4: {  	v6 =	vsub.f32 v24, v55;
	v53 =	vmul.f32 v53, v23;
	v55 =	vmul.f32 v0, v22  }
0x3c5: {  	v24 =	vadd.f32 v63, v16;
	v42 =	vmul.f32 v0, v23;
	v60 =	vmul.f32 v0, v21  }
0x3c6: {  	v57 =	vld [tilespmem:$0x1FF90];
	v46 =	vmul.f32 v0, v20;
	v63 =	vshra.s32 v62, $0x1;
	v4 =	vmul.f32 v4, v43  }
0x3c7: {  	v40 =	vmul.f32 v53, v47;
	v41 =	vmul.f32 v55, v51;
	v51 =	vsub.s32 $0x5F3759DF, v63  }
0x3c8: {  	v58 =	vld [tilespmem:$0x1FFC0];
	v47 =	vmul.f32 v0, v15;
	v55 =	vmul.f32 v51, v48;
	s18 =	spop (v2sf)  }
0x3c9: {  	v53 =	vmul.f32 v0, v14;
	v43 =	vmul.f32 v60, v49;
	s22 =	spop (v2sf)  }
0x3ca: {  	v1 =	vadd.f32 v1, v18;
	v49 =	vmul.f32 v0, v17;
	v63 =	vmul.f32 v51, v55;
	s17 =	smul.f32 $7.812500000e-03, s22  }
0x3cb: {  	v2 =	vadd.f32 v2, v57;
	v54 =	vmul.f32 v46, v54;
	v0 =	vmul.f32 v0, v61;
	s4 =	smul.f32 $7.812500000e-03, s18  }
0x3cc: {  	v46 =	vmul.f32 v47, v50;
	v44 =	vmul.f32 v53, v44;
	v47 =	vsub.f32 $1.500000000e+00, v63;
	s18 =	smul.f32 s17, s17  }
0x3cd: {  	v42 =	vmul.f32 v42, v45;
	v4 =	vadd.f32 v4, v58;
	v40 =	vadd.f32 v40, v19  }
0x3ce: {  	v60 =	vld [tilespmem:$0x1FFD0];
	v0 =	vmul.f32 v0, v6;
	v6 =	vadd.f32 v44, v57;
	v44 =	vmul.f32 v51, v47;
	s4 =	ssub.f32 s4, s18  }
0x3cf: {  	v62 =	vld [tilespmem:$0x1FFA0];
	[tilespmem:s5+$0xFFFFFFF0] =	vst v59;
	v50 =	vmov s3;
	v41 =	vadd.f32 v41, v18;
	v45 =	vadd.f32 v54, v16  }
0x3d0: {  	[tilespmem:s5+$0xFFFFFFA0] =	vst v2;
	v42 =	vadd.f32 v42, v19;
	v28 =	vsub.f32 v28, v50;
	v48 =	vmul.f32 v44, v48;
	s24 =	sadd.f32 $9.999999960e-13, s4  }
0x3d1: {  	v53 =	vld [tilespmem:$0x1FFF0];
	[tilespmem:s5+$0xFFFFFFC0] =	vst v24;
	v49 =	vmul.f32 v49, v56;
	v56 =	vsub.f32 v36, v50;
	v24 =	vsub.f32 v25, v50  }
0x3d2: {  	v25 =	vsub.f32 v30, v50;
	v59 =	vmul.f32 v48, v44;
	v54 =	vmov s24  }
0x3d3: {  	v47 =	vadd.f32 v49, v60;
	v51 =	vmul.f32 $5.000000000e-01, v54;
	v49 =	vshra.s32 v54, $0x1  }
0x3d4: {  	v30 =	vsub.f32 v31, v50;
	v36 =	vsub.f32 $1.500000000e+00, v59;
	v55 =	vsub.s32 $0x5F3759DF, v49  }
0x3d5: {  	v3 =	vadd.f32 v3, v62;
	[tilespmem:s5+$0xFFFFFFD0] =	vst v4;
	v4 =	vsub.f32 v26, v50;
	v63 =	vmul.f32 v55, v51  }
0x3d6: {  	v26 =	vsub.f32 v27, v50;
	v5 =	vadd.f32 v5, v60;
	v27 =	vmul.f32 v36, v44  }
0x3d7: {  	[tilespmem:s5+$0xFFFFFF90] =	vst v1;
	v43 =	vadd.f32 v43, v62;
	v0 =	vadd.f32 v0, v58;
	v48 =	vmul.f32 v55, v63  }
0x3d8: {  	v2 =	vadd.f32 v46, v53;
	[tilespmem:s5+$0xFFFFFFE0] =	vst v5;
	v5 =	vsub.f32 v29, v50;
	v50 =	vmul.f32 v27, v15  }
0x3d9: {  	[tilespmem:s5+$0xFFFFFF20] =	vst v6;
	v59 =	vmul.f32 v27, v14;
	v6 =	vmul.f32 v27, v61;
	v29 =	vsub.f32 $1.500000000e+00, v48  }
0x3da: {  	[tilespmem:s5+$0xFFFFFF40] =	vst v45;
	v45 =	vmul.f32 v27, v17;
	v49 =	vmov s17;
	v1 =	vmul.f32 v50, v56  }
0x3db: {  	[tilespmem:s5+$0x0] =	vst v40;
	v31 =	vsub.f32 v34, v49;
	v34 =	vsub.f32 v37, v49;
	v29 =	vmul.f32 v55, v29  }
0x3dc: {  	[tilespmem:s5+$0xFFFFFF10] =	vst v41;
	v4 =	vmul.f32 v59, v4;
	v37 =	vsub.f32 v39, v49;
	v32 =	vsub.f32 v32, v49  }
0x3dd: {  	[tilespmem:s5+$0xFFFFFF80] =	vst v42;
	v38 =	vsub.f32 v38, v49;
	v33 =	vsub.f32 v33, v49;
	v55 =	vmul.f32 v29, v51  }
0x3de: {  	[tilespmem:s5+$0xFFFFFFB0] =	vst v3;
	v56 =	vmul.f32 v27, v22;
	v35 =	vsub.f32 v35, v49;
	v46 =	vsub.f32 v52, v49  }
0x3df: {  	[tilespmem:s5+$0xFFFFFF60] =	vst v47;
	v47 =	vadd.f32 v4, v57;
	v4 =	vmul.f32 v6, v5;
	v36 =	vmul.f32 v55, v29  }
0x3e0: {  	[tilespmem:s5+$0xFFFFFF30] =	vst v43;
	v1 =	vadd.f32 v1, v53;
	v43 =	vmul.f32 v56, v28;
	v63 =	vmul.f32 v27, v21  }
0x3e1: {  	[tilespmem:s5+$0xFFFFFF50] =	vst v0;
	v49 =	vadd.f32 v4, v58;
	v4 =	vmul.f32 v27, v23;
	v44 =	vsub.f32 $1.500000000e+00, v36  }
0x3e2: {  	[tilespmem:s5+$0xFFFFFF70] =	vst v2;
	v54 =	vmul.f32 v27, v20;
	v24 =	vmul.f32 v63, v24  }
0x3e3: {  	[tilespmem:s2+$0xFFFFFFF0] =	vst v1;
	v0 =	vadd.f32 v43, v18;
	v52 =	vmul.f32 v4, v30;
	v48 =	vmul.f32 v44, v29  }
0x3e4: {  	v5 =	vmul.f32 v45, v25;
	v6 =	vmul.f32 v54, v26;
	[tilespmem:s2+$0xFFFFFFA0] =	vst v47  }
0x3e5: {  	[tilespmem:s2+$0xFFFFFF90] =	vst v0;
	v54 =	vadd.f32 v24, v62;
	v3 =	vadd.f32 v52, v19;
	v50 =	vmul.f32 v48, v22  }
0x3e6: {  	[tilespmem:s2+$0xFFFFFFD0] =	vst v49;
	v51 =	vadd.f32 v5, v60;
	v5 =	vadd.f32 v6, v16;
	v6 =	vmul.f32 v48, v21  }
0x3e7: {  	[tilespmem:s2+$0xFFFFFFB0] =	vst v54;
	v4 =	vmul.f32 v48, v23;
	v55 =	vmul.f32 v50, v31  }
0x3e8: {  	[tilespmem:s2+$0x0] =	vst v3;
	v56 =	vmul.f32 v48, v20;
	v6 =	vmul.f32 v6, v34  }
0x3e9: {  	[tilespmem:s2+$0xFFFFFFC0] =	vst v5;
	v5 =	vmul.f32 v48, v17;
	v4 =	vmul.f32 v4, v37;
	v0 =	vadd.f32 v55, v18  }
0x3ea: {  	[tilespmem:s2+$0xFFFFFFE0] =	vst v51;
	v1 =	vmul.f32 v48, v15;
	v59 =	vmul.f32 v56, v33;
	v6 =	vadd.f32 v6, v62  }
0x3eb: {  	v14 =	vmul.f32 v48, v14;
	v5 =	vmul.f32 v5, v35;
	v4 =	vadd.f32 v4, v19;
	[tilespmem:s2+$0xFFFFFF10] =	vst v0  }
0x3ec: {  	v1 =	vmul.f32 v1, v38;
	v62 =	vmul.f32 v48, v61;
	v3 =	vadd.f32 v59, v16;
	[tilespmem:s2+$0xFFFFFF30] =	vst v6  }
0x3ed: {  	v14 =	vmul.f32 v14, v32;
	v63 =	vadd.f32 v5, v60;
	[tilespmem:s2+$0xFFFFFF80] =	vst v4  }
0x3ee: {  	v1 =	vadd.f32 v1, v53;
	v0 =	vmul.f32 v62, v46;
	[tilespmem:s2+$0xFFFFFF40] =	vst v3  }
0x3ef: {  	v4 =	vadd.f32 v14, v57;
	[tilespmem:s2+$0xFFFFFF60] =	vst v63  }
0x3f0: {  	[tilespmem:s2+$0xFFFFFF70] =	vst v1;
	v0 =	vadd.f32 v0, v58  }
0x3f1: {  	[tilespmem:s2+$0xFFFFFF20] =	vst v4  }
0x3f2: {  	[tilespmem:s2+$0xFFFFFF50] =	vst v0  }
0x3f3: {  	[hbm4b:s12+s6] =	stream.linear.scatter [tilespmem:s25], [sflag:$0x6], $0x4000, $0x38;
	[tilespmem:$0x10600] =	vst v63  }
0x3f4: {  	_ =	swait.ge [sflag:s31], $0x4000  }
0x3f5: {  	[sflag:s31] =	ssyncset.done $0x0  }
0x3f6: {  	[sflag:s31] =	ssyncadd.s32 $0xFFFFC000  }
0x3f7: {  	_ =	swait.ge [sflag:s31], $0x4000  }
0x3f8: {  	[sflag:s31] =	ssyncset.done $0x0  }
0x3f9: {  	s0 =	sadd.s32 $0x1, s0;
	[sflag:s31] =	ssyncadd.s32 $0xFFFFC000  }
0x3fa: {  	p0 =	sne.s32 s0, s13;
	_ =	swait.ge [sflag:s31], $0x4000  }
.Ltmp4:
0x3fb: {  	[sflag:s31] =	ssyncset.done $0x0;
	(pc) =	sbr.rel @p0 .LBB2_1-.Ltmp4, $4  }
0x3fc: {  	[sflag:s31] =	ssyncadd.s32 $0xFFFFC000  }
0x3fd: {  	_ =	swait.ge [sflag:s31], $0x4000  }
0x3fe: {  	[sflag:s31] =	ssyncset.done $0x0  }
0x3ff: {  	[sflag:s31] =	ssyncadd.s32 $0xFFFFC000  }
0x400: {  	_ =	sfence.sel $0x180000  }
0x401: {  	[bflag:$0x0] =	sbarrier.arrive $0xFFFF  }
0x402: {  	_ =	strace $0x90000047  }
0x403: {  	s0 =	stileid.u32;
	[bflag:$0x2] =	sbarrier.arrive $0xFFFF  }
0x404: {  	p0 =	sne.s32 s0, $0x0;
	s0 =	rddreg [dreg:$0x7]  }
0x405: {  	s0 =	sadd.s32 @!p0 $0x100000, s0  }
0x406: {  	[sflag:s0] =	ssyncadd.tile.s32 @!p0 $0x1;
	_ =	shalt  }
.Lfunc_end2:
_tile_overlayer_lowered:
.L_overlay_start_2:
0x407: {  	(tag) =	ssettag $0x2  }
0x408: {  	s0 =	rddreg [dreg:$0x0];
	s2 =	stileid.u32  }
0x409: {  	s1 =	rddreg [dreg:$0x1];
	p0 =	sne.s32 s2, $0x0  }
0x40a: {  	s3 =	rddreg [dreg:$0x2];
	[bflag:$0x3] =	sbarrier.arrive $0xFFFF;
	s2 =	simm.s32 @!p0 $0x1C07  }
0x40b: {  	[timem:s3], [sflag:s2] =	dma.local @!p0 [hbm:s0], s1  }
0x40c: {  	s0 =	simm.s32 @!p0 $0x7  }
0x40d: {  	_ =	swait.ge @!p0 [sflag:s0], s1  }
0x40e: {  	s1 =	ssub.s32 @!p0 $0x0, s1;
	[sflag:s0] =	ssyncset.done @!p0 $0x0  }
0x40f: {  	[sflag:s0] =	ssyncadd.s32 @!p0 s1  }
0x410: {  	[bflag:$0x3] =	sbarrier.arrive $0xFFFF  }
0x411: {  	_ =	shalt  }

</sc_bundles>
